<compile_context>
chip_gen: v7x
topology: tpu7x:2x2x1
jax: 0.10.2.dev20260603
libtpu: 0.0.44.dev20260713+nightly
codegen_flags: <defaults>
</compile_context>

<pallas_src>
import functools

import jax
import jax.numpy as jnp
from jax import lax
from jax.experimental import pallas as pl
from jax.experimental.pallas import tpu as pltpu
from jax.experimental.pallas import tpu_sc as plsc

BATCH = 16384
HIST = 50
EMBED = 64
B = BATCH * HIST
NODE = 1000000
NC = 2
NS = 16
NW = NC * NS
BPW = B // NW
NBUF = 4
CHUNK = 400
CBATCH = CHUNK // HIST
NCHUNK = BPW // CHUNK


@jax.jit
def _gather(idx, table):
    mesh = plsc.VectorSubcoreMesh(core_axis_name="c", subcore_axis_name="s")

    @functools.partial(
        pl.kernel,
        out_type=jax.ShapeDtypeStruct((BATCH, HIST, EMBED), jnp.float32),
        mesh=mesh,
        scratch_types=[
            pltpu.VMEM((BPW,), jnp.int32),
            [pltpu.VMEM((CHUNK, EMBED), jnp.float32) for _ in range(NBUF)],
            [pltpu.SemaphoreType.DMA for _ in range(NBUF)],
            [pltpu.SemaphoreType.DMA for _ in range(NBUF)],
        ],
        compiler_params=pltpu.CompilerParams(use_tc_tiling_on_sc=False),
    )
    def body(idx_hbm, table_hbm, out_hbm, idx_v, rows, gsem, wsem):
        wid = lax.axis_index("s") * NC + lax.axis_index("c")
        base = wid * BPW
        bbase = wid * (BPW // HIST)

        pltpu.sync_copy(idx_hbm.at[pl.ds(base, BPW)], idx_v)

        def gather_chunk(n, b):
            pltpu.async_copy(
                table_hbm.at[idx_v.at[pl.ds(n * CHUNK, CHUNK)]], rows[b],
                gsem[b])

        def write_chunk(g, b):
            for i in range(CBATCH):
                pltpu.async_copy(
                    rows[b].at[pl.ds(i * HIST, HIST), :],
                    out_hbm.at[bbase + g * CBATCH + i], wsem[b])

        def wait_write(g, b):
            for i in range(CBATCH):
                pltpu.make_async_copy(
                    rows[b].at[pl.ds(i * HIST, HIST), :],
                    out_hbm.at[bbase + g * CBATCH + i], wsem[b]).wait()

        gather_chunk(0, 0)

        def group(o):
            for b in range(NBUF):
                g = o * NBUF + b
                n = g + 1
                bn = (b + 1) % NBUF

                @pl.when(n < NCHUNK)
                def _():
                    @pl.when(n >= NBUF)
                    def _():
                        wait_write(n - NBUF, bn)
                    gather_chunk(n, bn)

                pltpu.make_async_copy(
                    table_hbm.at[idx_v.at[pl.ds(0, CHUNK)]], rows[b],
                    gsem[b]).wait()
                write_chunk(g, b)

        pl.loop(0, NCHUNK // NBUF)(group)

        for g in range(NCHUNK - NBUF, NCHUNK):
            wait_write(g, g % NBUF)

    return body(idx, table)


def kernel(x, m, table):
    del m
    idx = x.reshape(-1)
    return _gather(idx, table)

# --- scband reference (transcript-rebuilt; emitter-appended) ---
"""Pipeline reference for scband-generate-adjacency-matrix-3m-75213467288181 (READ-ONLY COPY).

The authoritative reference and input builder live on the scoring server;
editing this copy changes nothing except your own understanding.
"""

import jax, jax.numpy as jnp
import numpy as np

NODE_NUM = 1000000
EMBED_DIM = 64
BATCH = 16384
HIST = 50

def setup_inputs(seed: int = 0) -> dict:
    key = jax.random.key(seed)
    k1, k2 = jax.random.split(key)
    x = jax.random.randint(k1, (BATCH, HIST), 0, NODE_NUM, dtype=jnp.int64 if jax.config.jax_enable_x64 else jnp.int32)
    # embedding table (nn.Embedding default init: N(0,1))
    table = jax.random.normal(k2, (NODE_NUM, EMBED_DIM), dtype=jnp.float32)
    m = 0
    return {"x": x, "m": m, "table": table}

def reference(x, m, table):
    # output_type != 0 branch: plain embedding lookup
    out_vector = jnp.take(table, x, axis=0)
    return out_vector

if __name__ == "__main__":
    import jax
    _d = setup_inputs()
    print(jax.jit(kernel)(*tuple(_d.values())))

</pallas_src>

<mosaic_0001>
#map = affine_map<(d0, d1) -> (0)>
#map1 = affine_map<(d0, d1) -> (0, 0)>
#map2 = affine_map<(d0, d1) -> (0, 0, 0)>
module attributes {stable_mosaic.version = 14 : i64} {
  func.func @body(%arg0: i32, %arg1: i32, %arg2: memref<819200xi32, #tpu.memory_space<hbm>>, %arg3: memref<1000000x64xf32, #tpu.memory_space<hbm>>, %arg4: memref<16384x50x64xf32, #tpu.memory_space<hbm>>, %arg5: memref<25600xi32, #tpu.memory_space<vmem>>, %arg6: memref<400x64xf32, #tpu.memory_space<vmem>>, %arg7: memref<400x64xf32, #tpu.memory_space<vmem>>, %arg8: memref<400x64xf32, #tpu.memory_space<vmem>>, %arg9: memref<400x64xf32, #tpu.memory_space<vmem>>, %arg10: memref<!tpu.dma_semaphore, #tpu.memory_space<semaphore_mem>>, %arg11: memref<!tpu.dma_semaphore, #tpu.memory_space<semaphore_mem>>, %arg12: memref<!tpu.dma_semaphore, #tpu.memory_space<semaphore_mem>>, %arg13: memref<!tpu.dma_semaphore, #tpu.memory_space<semaphore_mem>>, %arg14: memref<!tpu.dma_semaphore, #tpu.memory_space<semaphore_mem>>, %arg15: memref<!tpu.dma_semaphore, #tpu.memory_space<semaphore_mem>>, %arg16: memref<!tpu.dma_semaphore, #tpu.memory_space<semaphore_mem>>, %arg17: memref<!tpu.dma_semaphore, #tpu.memory_space<semaphore_mem>>) attributes {dimension_semantics = [#tpu.dimension_semantics<core_parallel>, #tpu.dimension_semantics<subcore_parallel>], iteration_bounds = array<i64: 2, 16>, scalar_prefetch = 0 : i64, scratch_operands = 13 : i64, tpu.core_type = #tpu.core_type<sc_vector_subcore>, window_params = [{transform_indices = #map}, {transform_indices = #map1}, {transform_indices = #map2}]} {
    %mul3A = arith.constant 2 : i32
    %mul3A_0 = arith.muli %arg1, %mul3A : i32
    %add3A = arith.addi %mul3A_0, %arg0 : i32
    %mul3A_1 = arith.constant 25600 : i32
    %mul3A_2 = arith.muli %add3A, %mul3A_1 : i32
    %mul3A_3 = arith.constant 512 : i32
    %mul3A_4 = arith.muli %add3A, %mul3A_3 : i32
    "tpu.region"() ({
      %run_scoped3A = tpu.sem_alloc : memref<!tpu.dma_semaphore, #tpu.memory_space<semaphore_mem>>
      %dma_start3A_588 = tpu.memref_slice %arg2[%mul3A_2] : memref<819200xi32, #tpu.memory_space<hbm>> -> memref<25600xi32, #tpu.memory_space<hbm>>
      %dma_start3A_589 = tpu.memref_slice %arg2[%mul3A_2] : memref<819200xi32, #tpu.memory_space<hbm>> -> memref<25600xi32, #tpu.memory_space<hbm>>
      tpu.enqueue_dma source(%dma_start3A_589 : memref<25600xi32, #tpu.memory_space<hbm>>) target(%arg5 : memref<25600xi32, #tpu.memory_space<vmem>>) target_semaphore(%run_scoped3A : memref<!tpu.dma_semaphore, #tpu.memory_space<semaphore_mem>>)
      %dma_wait3A_590 = tpu.memref_slice %arg2[%mul3A_2] : memref<819200xi32, #tpu.memory_space<hbm>> -> memref<25600xi32, #tpu.memory_space<hbm>>
      %dma_wait3A_591 = tpu.memref_slice %arg2[%mul3A_2] : memref<819200xi32, #tpu.memory_space<hbm>> -> memref<25600xi32, #tpu.memory_space<hbm>>
      tpu.wait_dma2 semaphore(%run_scoped3A : memref<!tpu.dma_semaphore, #tpu.memory_space<semaphore_mem>>) src(%dma_wait3A_591 : memref<25600xi32, #tpu.memory_space<hbm>>) dst(%arg5 : memref<25600xi32, #tpu.memory_space<vmem>>)
      tpu.yield
    }) : () -> ()
    %dma_start3A = arith.constant 0 : i32
    %dma_start3A_5 = tpu.memref_slice %arg5[%dma_start3A] : memref<25600xi32, #tpu.memory_space<vmem>> -> memref<400xi32, #tpu.memory_space<vmem>>
    %dma_start3A_6 = arith.constant 0 : i32
    %dma_start3A_7 = arith.constant 0 : i32
    %dma_start3A_8 = tpu.memref_slice %arg3[%dma_start3A_6, %dma_start3A_7] : memref<1000000x64xf32, #tpu.memory_space<hbm>> -> memref<1000000x64xf32, #tpu.memory_space<hbm>>
    tpu.enqueue_indirect_dma source(%dma_start3A_8 : memref<1000000x64xf32, #tpu.memory_space<hbm>>) target(%arg6 : memref<400x64xf32, #tpu.memory_space<vmem>>) offsets(%dma_start3A_5 : memref<400xi32, #tpu.memory_space<vmem>>) semaphore(%arg10 : memref<!tpu.dma_semaphore, #tpu.memory_space<semaphore_mem>>)
    %scan3A = arith.constant 0 : i32
    %scan3A_9 = arith.constant 16 : i32
    %scan3A_10 = arith.addi %scan3A, %scan3A_9 : i32
    %scan3A_11 = arith.constant 1 : i32
    scf.for %scan3A_588 = %scan3A to %scan3A_10 step %scan3A_11  : i32 {
      %mul3A_589 = arith.constant 1 : i32
      %mul3A_590 = arith.muli %scan3A_588, %mul3A_589 : i32
      %add3A_591 = arith.constant 0 : i32
      %add3A_592 = arith.addi %add3A_591, %mul3A_590 : i32
      %mul3A_593 = arith.constant 4 : i32
      %mul3A_594 = arith.muli %add3A_592, %mul3A_593 : i32
      %add3A_595 = arith.constant 0 : i32
      %add3A_596 = arith.addi %mul3A_594, %add3A_595 : i32
      %add3A_597 = arith.constant 1 : i32
      %add3A_598 = arith.addi %add3A_596, %add3A_597 : i32
      %lt3A = arith.constant 64 : i32
      %lt3A_599 = arith.cmpi slt, %add3A_598, %lt3A : i32
      %convert_element_type3A = arith.extui %lt3A_599 : i1 to i32
      %cond3A = arith.constant 0 : i32
      %cond3A_600 = arith.cmpi ne, %convert_element_type3A, %cond3A : i32
      scf.if %cond3A_600 {
        %ge3A = arith.constant 4 : i32
        %ge3A_1262 = arith.cmpi sge, %add3A_598, %ge3A : i32
        %convert_element_type3A_1263 = arith.extui %ge3A_1262 : i1 to i32
        %cond3A_1264 = arith.constant 0 : i32
        %cond3A_1265 = arith.cmpi ne, %convert_element_type3A_1263, %cond3A_1264 : i32
        scf.if %cond3A_1265 {
          %sub3A = arith.constant 4 : i32
          %sub3A_1272 = arith.subi %add3A_598, %sub3A : i32
          %mul3A_1273 = arith.constant 8 : i32
          %mul3A_1274 = arith.muli %sub3A_1272, %mul3A_1273 : i32
          %add3A_1275 = arith.addi %mul3A_4, %mul3A_1274 : i32
          %add3A_1276 = arith.constant 0 : i32
          %add3A_1277 = arith.addi %add3A_1275, %add3A_1276 : i32
          %dma_wait3A_1278 = arith.constant 0 : i32
          %dma_wait3A_1279 = arith.constant 0 : i32
          %dma_wait3A_1280 = tpu.memref_slice %arg7[%dma_wait3A_1278, %dma_wait3A_1279] : memref<400x64xf32, #tpu.memory_space<vmem>> -> memref<50x64xf32, #tpu.memory_space<vmem>>
          %dma_wait3A_1281 = arith.constant 0 : i32
          %dma_wait3A_1282 = arith.constant 0 : i32
          %dma_wait3A_1283 = tpu.memref_slice %arg4[%add3A_1277, %dma_wait3A_1281, %dma_wait3A_1282] : memref<16384x50x64xf32, #tpu.memory_space<hbm>> -> memref<1x50x64xf32, #tpu.memory_space<hbm>>
          %dma_wait3A_1284 = tpu.memref_squeeze %dma_wait3A_1283 : memref<1x50x64xf32, #tpu.memory_space<hbm>> -> memref<50x64xf32, #tpu.memory_space<hbm>>
          %dma_wait3A_1285 = arith.constant 0 : i32
          %dma_wait3A_1286 = arith.constant 0 : i32
          %dma_wait3A_1287 = tpu.memref_slice %arg4[%add3A_1277, %dma_wait3A_1285, %dma_wait3A_1286] : memref<16384x50x64xf32, #tpu.memory_space<hbm>> -> memref<1x50x64xf32, #tpu.memory_space<hbm>>
          %dma_wait3A_1288 = tpu.memref_squeeze %dma_wait3A_1287 : memref<1x50x64xf32, #tpu.memory_space<hbm>> -> memref<50x64xf32, #tpu.memory_space<hbm>>
          %dma_wait3A_1289 = arith.constant 0 : i32
          %dma_wait3A_1290 = arith.constant 0 : i32
          %dma_wait3A_1291 = tpu.memref_slice %arg7[%dma_wait3A_1289, %dma_wait3A_1290] : memref<400x64xf32, #tpu.memory_space<vmem>> -> memref<50x64xf32, #tpu.memory_space<vmem>>
          tpu.wait_dma2 semaphore(%arg15 : memref<!tpu.dma_semaphore, #tpu.memory_space<semaphore_mem>>) src(%dma_wait3A_1291 : memref<50x64xf32, #tpu.memory_space<vmem>>) dst(%dma_wait3A_1288 : memref<50x64xf32, #tpu.memory_space<hbm>>)
          %mul3A_1292 = arith.constant 8 : i32
          %mul3A_1293 = arith.muli %sub3A_1272, %mul3A_1292 : i32
          %add3A_1294 = arith.addi %mul3A_4, %mul3A_1293 : i32
          %add3A_1295 = arith.constant 1 : i32
          %add3A_1296 = arith.addi %add3A_1294, %add3A_1295 : i32
          %dma_wait3A_1297 = arith.constant 50 : i32
          %dma_wait3A_1298 = arith.constant 0 : i32
          %dma_wait3A_1299 = tpu.memref_slice %arg7[%dma_wait3A_1297, %dma_wait3A_1298] : memref<400x64xf32, #tpu.memory_space<vmem>> -> memref<50x64xf32, #tpu.memory_space<vmem>>
          %dma_wait3A_1300 = arith.constant 0 : i32
          %dma_wait3A_1301 = arith.constant 0 : i32
          %dma_wait3A_1302 = tpu.memref_slice %arg4[%add3A_1296, %dma_wait3A_1300, %dma_wait3A_1301] : memref<16384x50x64xf32, #tpu.memory_space<hbm>> -> memref<1x50x64xf32, #tpu.memory_space<hbm>>
          %dma_wait3A_1303 = tpu.memref_squeeze %dma_wait3A_1302 : memref<1x50x64xf32, #tpu.memory_space<hbm>> -> memref<50x64xf32, #tpu.memory_space<hbm>>
          %dma_wait3A_1304 = arith.constant 0 : i32
          %dma_wait3A_1305 = arith.constant 0 : i32
          %dma_wait3A_1306 = tpu.memref_slice %arg4[%add3A_1296, %dma_wait3A_1304, %dma_wait3A_1305] : memref<16384x50x64xf32, #tpu.memory_space<hbm>> -> memref<1x50x64xf32, #tpu.memory_space<hbm>>
          %dma_wait3A_1307 = tpu.memref_squeeze %dma_wait3A_1306 : memref<1x50x64xf32, #tpu.memory_space<hbm>> -> memref<50x64xf32, #tpu.memory_space<hbm>>
          %dma_wait3A_1308 = arith.constant 50 : i32
          %dma_wait3A_1309 = arith.constant 0 : i32
          %dma_wait3A_1310 = tpu.memref_slice %arg7[%dma_wait3A_1308, %dma_wait3A_1309] : memref<400x64xf32, #tpu.memory_space<vmem>> -> memref<50x64xf32, #tpu.memory_space<vmem>>
          tpu.wait_dma2 semaphore(%arg15 : memref<!tpu.dma_semaphore, #tpu.memory_space<semaphore_mem>>) src(%dma_wait3A_1310 : memref<50x64xf32, #tpu.memory_space<vmem>>) dst(%dma_wait3A_1307 : memref<50x64xf32, #tpu.memory_space<hbm>>)
          %mul3A_1311 = arith.constant 8 : i32
          %mul3A_1312 = arith.muli %sub3A_1272, %mul3A_1311 : i32
          %add3A_1313 = arith.addi %mul3A_4, %mul3A_1312 : i32
          %add3A_1314 = arith.constant 2 : i32
          %add3A_1315 = arith.addi %add3A_1313, %add3A_1314 : i32
          %dma_wait3A_1316 = arith.constant 100 : i32
          %dma_wait3A_1317 = arith.constant 0 : i32
          %dma_wait3A_1318 = tpu.memref_slice %arg7[%dma_wait3A_1316, %dma_wait3A_1317] : memref<400x64xf32, #tpu.memory_space<vmem>> -> memref<50x64xf32, #tpu.memory_space<vmem>>
          %dma_wait3A_1319 = arith.constant 0 : i32
          %dma_wait3A_1320 = arith.constant 0 : i32
          %dma_wait3A_1321 = tpu.memref_slice %arg4[%add3A_1315, %dma_wait3A_1319, %dma_wait3A_1320] : memref<16384x50x64xf32, #tpu.memory_space<hbm>> -> memref<1x50x64xf32, #tpu.memory_space<hbm>>
          %dma_wait3A_1322 = tpu.memref_squeeze %dma_wait3A_1321 : memref<1x50x64xf32, #tpu.memory_space<hbm>> -> memref<50x64xf32, #tpu.memory_space<hbm>>
          %dma_wait3A_1323 = arith.constant 0 : i32
          %dma_wait3A_1324 = arith.constant 0 : i32
          %dma_wait3A_1325 = tpu.memref_slice %arg4[%add3A_1315, %dma_wait3A_1323, %dma_wait3A_1324] : memref<16384x50x64xf32, #tpu.memory_space<hbm>> -> memref<1x50x64xf32, #tpu.memory_space<hbm>>
          %dma_wait3A_1326 = tpu.memref_squeeze %dma_wait3A_1325 : memref<1x50x64xf32, #tpu.memory_space<hbm>> -> memref<50x64xf32, #tpu.memory_space<hbm>>
          %dma_wait3A_1327 = arith.constant 100 : i32
          %dma_wait3A_1328 = arith.constant 0 : i32
          %dma_wait3A_1329 = tpu.memref_slice %arg7[%dma_wait3A_1327, %dma_wait3A_1328] : memref<400x64xf32, #tpu.memory_space<vmem>> -> memref<50x64xf32, #tpu.memory_space<vmem>>
          tpu.wait_dma2 semaphore(%arg15 : memref<!tpu.dma_semaphore, #tpu.memory_space<semaphore_mem>>) src(%dma_wait3A_1329 : memref<50x64xf32, #tpu.memory_space<vmem>>) dst(%dma_wait3A_1326 : memref<50x64xf32, #tpu.memory_space<hbm>>)
          %mul3A_1330 = arith.constant 8 : i32
          %mul3A_1331 = arith.muli %sub3A_1272, %mul3A_1330 : i32
          %add3A_1332 = arith.addi %mul3A_4, %mul3A_1331 : i32
          %add3A_1333 = arith.constant 3 : i32
          %add3A_1334 = arith.addi %add3A_1332, %add3A_1333 : i32
          %dma_wait3A_1335 = arith.constant 150 : i32
          %dma_wait3A_1336 = arith.constant 0 : i32
          %dma_wait3A_1337 = tpu.memref_slice %arg7[%dma_wait3A_1335, %dma_wait3A_1336] : memref<400x64xf32, #tpu.memory_space<vmem>> -> memref<50x64xf32, #tpu.memory_space<vmem>>
          %dma_wait3A_1338 = arith.constant 0 : i32
          %dma_wait3A_1339 = arith.constant 0 : i32
          %dma_wait3A_1340 = tpu.memref_slice %arg4[%add3A_1334, %dma_wait3A_1338, %dma_wait3A_1339] : memref<16384x50x64xf32, #tpu.memory_space<hbm>> -> memref<1x50x64xf32, #tpu.memory_space<hbm>>
          %dma_wait3A_1341 = tpu.memref_squeeze %dma_wait3A_1340 : memref<1x50x64xf32, #tpu.memory_space<hbm>> -> memref<50x64xf32, #tpu.memory_space<hbm>>
          %dma_wait3A_1342 = arith.constant 0 : i32
          %dma_wait3A_1343 = arith.constant 0 : i32
          %dma_wait3A_1344 = tpu.memref_slice %arg4[%add3A_1334, %dma_wait3A_1342, %dma_wait3A_1343] : memref<16384x50x64xf32, #tpu.memory_space<hbm>> -> memref<1x50x64xf32, #tpu.memory_space<hbm>>
          %dma_wait3A_1345 = tpu.memref_squeeze %dma_wait3A_1344 : memref<1x50x64xf32, #tpu.memory_space<hbm>> -> memref<50x64xf32, #tpu.memory_space<hbm>>
          %dma_wait3A_1346 = arith.constant 150 : i32
          %dma_wait3A_1347 = arith.constant 0 : i32
          %dma_wait3A_1348 = tpu.memref_slice %arg7[%dma_wait3A_1346, %dma_wait3A_1347] : memref<400x64xf32, #tpu.memory_space<vmem>> -> memref<50x64xf32, #tpu.memory_space<vmem>>
          tpu.wait_dma2 semaphore(%arg15 : memref<!tpu.dma_semaphore, #tpu.memory_space<semaphore_mem>>) src(%dma_wait3A_1348 : memref<50x64xf32, #tpu.memory_space<vmem>>) dst(%dma_wait3A_1345 : memref<50x64xf32, #tpu.memory_space<hbm>>)
          %mul3A_1349 = arith.constant 8 : i32
          %mul3A_1350 = arith.muli %sub3A_1272, %mul3A_1349 : i32
          %add3A_1351 = arith.addi %mul3A_4, %mul3A_1350 : i32
          %add3A_1352 = arith.constant 4 : i32
          %add3A_1353 = arith.addi %add3A_1351, %add3A_1352 : i32
          %dma_wait3A_1354 = arith.constant 200 : i32
          %dma_wait3A_1355 = arith.constant 0 : i32
          %dma_wait3A_1356 = tpu.memref_slice %arg7[%dma_wait3A_1354, %dma_wait3A_1355] : memref<400x64xf32, #tpu.memory_space<vmem>> -> memref<50x64xf32, #tpu.memory_space<vmem>>
          %dma_wait3A_1357 = arith.constant 0 : i32
          %dma_wait3A_1358 = arith.constant 0 : i32
          %dma_wait3A_1359 = tpu.memref_slice %arg4[%add3A_1353, %dma_wait3A_1357, %dma_wait3A_1358] : memref<16384x50x64xf32, #tpu.memory_space<hbm>> -> memref<1x50x64xf32, #tpu.memory_space<hbm>>
          %dma_wait3A_1360 = tpu.memref_squeeze %dma_wait3A_1359 : memref<1x50x64xf32, #tpu.memory_space<hbm>> -> memref<50x64xf32, #tpu.memory_space<hbm>>
          %dma_wait3A_1361 = arith.constant 0 : i32
          %dma_wait3A_1362 = arith.constant 0 : i32
          %dma_wait3A_1363 = tpu.memref_slice %arg4[%add3A_1353, %dma_wait3A_1361, %dma_wait3A_1362] : memref<16384x50x64xf32, #tpu.memory_space<hbm>> -> memref<1x50x64xf32, #tpu.memory_space<hbm>>
          %dma_wait3A_1364 = tpu.memref_squeeze %dma_wait3A_1363 : memref<1x50x64xf32, #tpu.memory_space<hbm>> -> memref<50x64xf32, #tpu.memory_space<hbm>>
          %dma_wait3A_1365 = arith.constant 200 : i32
          %dma_wait3A_1366 = arith.constant 0 : i32
          %dma_wait3A_1367 = tpu.memref_slice %arg7[%dma_wait3A_1365, %dma_wait3A_1366] : memref<400x64xf32, #tpu.memory_space<vmem>> -> memref<50x64xf32, #tpu.memory_space<vmem>>
          tpu.wait_dma2 semaphore(%arg15 : memref<!tpu.dma_semaphore, #tpu.memory_space<semaphore_mem>>) src(%dma_wait3A_1367 : memref<50x64xf32, #tpu.memory_space<vmem>>) dst(%dma_wait3A_1364 : memref<50x64xf32, #tpu.memory_space<hbm>>)
          %mul3A_1368 = arith.constant 8 : i32
          %mul3A_1369 = arith.muli %sub3A_1272, %mul3A_1368 : i32
          %add3A_1370 = arith.addi %mul3A_4, %mul3A_1369 : i32
          %add3A_1371 = arith.constant 5 : i32
          %add3A_1372 = arith.addi %add3A_1370, %add3A_1371 : i32
          %dma_wait3A_1373 = arith.constant 250 : i32
          %dma_wait3A_1374 = arith.constant 0 : i32
          %dma_wait3A_1375 = tpu.memref_slice %arg7[%dma_wait3A_1373, %dma_wait3A_1374] : memref<400x64xf32, #tpu.memory_space<vmem>> -> memref<50x64xf32, #tpu.memory_space<vmem>>
          %dma_wait3A_1376 = arith.constant 0 : i32
          %dma_wait3A_1377 = arith.constant 0 : i32
          %dma_wait3A_1378 = tpu.memref_slice %arg4[%add3A_1372, %dma_wait3A_1376, %dma_wait3A_1377] : memref<16384x50x64xf32, #tpu.memory_space<hbm>> -> memref<1x50x64xf32, #tpu.memory_space<hbm>>
          %dma_wait3A_1379 = tpu.memref_squeeze %dma_wait3A_1378 : memref<1x50x64xf32, #tpu.memory_space<hbm>> -> memref<50x64xf32, #tpu.memory_space<hbm>>
          %dma_wait3A_1380 = arith.constant 0 : i32
          %dma_wait3A_1381 = arith.constant 0 : i32
          %dma_wait3A_1382 = tpu.memref_slice %arg4[%add3A_1372, %dma_wait3A_1380, %dma_wait3A_1381] : memref<16384x50x64xf32, #tpu.memory_space<hbm>> -> memref<1x50x64xf32, #tpu.memory_space<hbm>>
          %dma_wait3A_1383 = tpu.memref_squeeze %dma_wait3A_1382 : memref<1x50x64xf32, #tpu.memory_space<hbm>> -> memref<50x64xf32, #tpu.memory_space<hbm>>
          %dma_wait3A_1384 = arith.constant 250 : i32
          %dma_wait3A_1385 = arith.constant 0 : i32
          %dma_wait3A_1386 = tpu.memref_slice %arg7[%dma_wait3A_1384, %dma_wait3A_1385] : memref<400x64xf32, #tpu.memory_space<vmem>> -> memref<50x64xf32, #tpu.memory_space<vmem>>
          tpu.wait_dma2 semaphore(%arg15 : memref<!tpu.dma_semaphore, #tpu.memory_space<semaphore_mem>>) src(%dma_wait3A_1386 : memref<50x64xf32, #tpu.memory_space<vmem>>) dst(%dma_wait3A_1383 : memref<50x64xf32, #tpu.memory_space<hbm>>)
          %mul3A_1387 = arith.constant 8 : i32
          %mul3A_1388 = arith.muli %sub3A_1272, %mul3A_1387 : i32
          %add3A_1389 = arith.addi %mul3A_4, %mul3A_1388 : i32
          %add3A_1390 = arith.constant 6 : i32
          %add3A_1391 = arith.addi %add3A_1389, %add3A_1390 : i32
          %dma_wait3A_1392 = arith.constant 300 : i32
          %dma_wait3A_1393 = arith.constant 0 : i32
          %dma_wait3A_1394 = tpu.memref_slice %arg7[%dma_wait3A_1392, %dma_wait3A_1393] : memref<400x64xf32, #tpu.memory_space<vmem>> -> memref<50x64xf32, #tpu.memory_space<vmem>>
          %dma_wait3A_1395 = arith.constant 0 : i32
          %dma_wait3A_1396 = arith.constant 0 : i32
          %dma_wait3A_1397 = tpu.memref_slice %arg4[%add3A_1391, %dma_wait3A_1395, %dma_wait3A_1396] : memref<16384x50x64xf32, #tpu.memory_space<hbm>> -> memref<1x50x64xf32, #tpu.memory_space<hbm>>
          %dma_wait3A_1398 = tpu.memref_squeeze %dma_wait3A_1397 : memref<1x50x64xf32, #tpu.memory_space<hbm>> -> memref<50x64xf32, #tpu.memory_space<hbm>>
          %dma_wait3A_1399 = arith.constant 0 : i32
          %dma_wait3A_1400 = arith.constant 0 : i32
          %dma_wait3A_1401 = tpu.memref_slice %arg4[%add3A_1391, %dma_wait3A_1399, %dma_wait3A_1400] : memref<16384x50x64xf32, #tpu.memory_space<hbm>> -> memref<1x50x64xf32, #tpu.memory_space<hbm>>
          %dma_wait3A_1402 = tpu.memref_squeeze %dma_wait3A_1401 : memref<1x50x64xf32, #tpu.memory_space<hbm>> -> memref<50x64xf32, #tpu.memory_space<hbm>>
          %dma_wait3A_1403 = arith.constant 300 : i32
          %dma_wait3A_1404 = arith.constant 0 : i32
          %dma_wait3A_1405 = tpu.memref_slice %arg7[%dma_wait3A_1403, %dma_wait3A_1404] : memref<400x64xf32, #tpu.memory_space<vmem>> -> memref<50x64xf32, #tpu.memory_space<vmem>>
          tpu.wait_dma2 semaphore(%arg15 : memref<!tpu.dma_semaphore, #tpu.memory_space<semaphore_mem>>) src(%dma_wait3A_1405 : memref<50x64xf32, #tpu.memory_space<vmem>>) dst(%dma_wait3A_1402 : memref<50x64xf32, #tpu.memory_space<hbm>>)
          %mul3A_1406 = arith.constant 8 : i32
          %mul3A_1407 = arith.muli %sub3A_1272, %mul3A_1406 : i32
          %add3A_1408 = arith.addi %mul3A_4, %mul3A_1407 : i32
          %add3A_1409 = arith.constant 7 : i32
          %add3A_1410 = arith.addi %add3A_1408, %add3A_1409 : i32
          %dma_wait3A_1411 = arith.constant 350 : i32
          %dma_wait3A_1412 = arith.constant 0 : i32
          %dma_wait3A_1413 = tpu.memref_slice %arg7[%dma_wait3A_1411, %dma_wait3A_1412] : memref<400x64xf32, #tpu.memory_space<vmem>> -> memref<50x64xf32, #tpu.memory_space<vmem>>
          %dma_wait3A_1414 = arith.constant 0 : i32
          %dma_wait3A_1415 = arith.constant 0 : i32
          %dma_wait3A_1416 = tpu.memref_slice %arg4[%add3A_1410, %dma_wait3A_1414, %dma_wait3A_1415] : memref<16384x50x64xf32, #tpu.memory_space<hbm>> -> memref<1x50x64xf32, #tpu.memory_space<hbm>>
          %dma_wait3A_1417 = tpu.memref_squeeze %dma_wait3A_1416 : memref<1x50x64xf32, #tpu.memory_space<hbm>> -> memref<50x64xf32, #tpu.memory_space<hbm>>
          %dma_wait3A_1418 = arith.constant 0 : i32
          %dma_wait3A_1419 = arith.constant 0 : i32
          %dma_wait3A_1420 = tpu.memref_slice %arg4[%add3A_1410, %dma_wait3A_1418, %dma_wait3A_1419] : memref<16384x50x64xf32, #tpu.memory_space<hbm>> -> memref<1x50x64xf32, #tpu.memory_space<hbm>>
          %dma_wait3A_1421 = tpu.memref_squeeze %dma_wait3A_1420 : memref<1x50x64xf32, #tpu.memory_space<hbm>> -> memref<50x64xf32, #tpu.memory_space<hbm>>
          %dma_wait3A_1422 = arith.constant 350 : i32
          %dma_wait3A_1423 = arith.constant 0 : i32
          %dma_wait3A_1424 = tpu.memref_slice %arg7[%dma_wait3A_1422, %dma_wait3A_1423] : memref<400x64xf32, #tpu.memory_space<vmem>> -> memref<50x64xf32, #tpu.memory_space<vmem>>
          tpu.wait_dma2 semaphore(%arg15 : memref<!tpu.dma_semaphore, #tpu.memory_space<semaphore_mem>>) src(%dma_wait3A_1424 : memref<50x64xf32, #tpu.memory_space<vmem>>) dst(%dma_wait3A_1421 : memref<50x64xf32, #tpu.memory_space<hbm>>)
        } else {
        }
        %mul3A_1266 = arith.constant 400 : i32
        %mul3A_1267 = arith.muli %add3A_598, %mul3A_1266 : i32
        %dma_start3A_1268 = tpu.memref_slice %arg5[%mul3A_1267] : memref<25600xi32, #tpu.memory_space<vmem>> -> memref<400xi32, #tpu.memory_space<vmem>>
        %dma_start3A_1269 = arith.constant 0 : i32
        %dma_start3A_1270 = arith.constant 0 : i32
        %dma_start3A_1271 = tpu.memref_slice %arg3[%dma_start3A_1269, %dma_start3A_1270] : memref<1000000x64xf32, #tpu.memory_space<hbm>> -> memref<1000000x64xf32, #tpu.memory_space<hbm>>
        tpu.enqueue_indirect_dma source(%dma_start3A_1271 : memref<1000000x64xf32, #tpu.memory_space<hbm>>) target(%arg7 : memref<400x64xf32, #tpu.memory_space<vmem>>) offsets(%dma_start3A_1268 : memref<400xi32, #tpu.memory_space<vmem>>) semaphore(%arg11 : memref<!tpu.dma_semaphore, #tpu.memory_space<semaphore_mem>>)
      } else {
      }
      %dma_wait3A_601 = arith.constant 0 : i32
      %dma_wait3A_602 = tpu.memref_slice %arg5[%dma_wait3A_601] : memref<25600xi32, #tpu.memory_space<vmem>> -> memref<400xi32, #tpu.memory_space<vmem>>
      %dma_wait3A_603 = arith.constant 0 : i32
      %dma_wait3A_604 = arith.constant 0 : i32
      %dma_wait3A_605 = tpu.memref_slice %arg3[%dma_wait3A_603, %dma_wait3A_604] : memref<1000000x64xf32, #tpu.memory_space<hbm>> -> memref<1000000x64xf32, #tpu.memory_space<hbm>>
      tpu.wait_indirect_dma semaphore(%arg10 : memref<!tpu.dma_semaphore, #tpu.memory_space<semaphore_mem>>) src(%dma_wait3A_605 : memref<1000000x64xf32, #tpu.memory_space<hbm>>) dst(%arg6 : memref<400x64xf32, #tpu.memory_space<vmem>>)
      %mul3A_606 = arith.constant 8 : i32
      %mul3A_607 = arith.muli %add3A_596, %mul3A_606 : i32
      %add3A_608 = arith.addi %mul3A_4, %mul3A_607 : i32
      %add3A_609 = arith.constant 0 : i32
      %add3A_610 = arith.addi %add3A_608, %add3A_609 : i32
      %dma_start3A_611 = arith.constant 0 : i32
      %dma_start3A_612 = arith.constant 0 : i32
      %dma_start3A_613 = tpu.memref_slice %arg6[%dma_start3A_611, %dma_start3A_612] : memref<400x64xf32, #tpu.memory_space<vmem>> -> memref<50x64xf32, #tpu.memory_space<vmem>>
      %dma_start3A_614 = arith.constant 0 : i32
      %dma_start3A_615 = arith.constant 0 : i32
      %dma_start3A_616 = tpu.memref_slice %arg4[%add3A_610, %dma_start3A_614, %dma_start3A_615] : memref<16384x50x64xf32, #tpu.memory_space<hbm>> -> memref<1x50x64xf32, #tpu.memory_space<hbm>>
      %dma_start3A_617 = tpu.memref_squeeze %dma_start3A_616 : memref<1x50x64xf32, #tpu.memory_space<hbm>> -> memref<50x64xf32, #tpu.memory_space<hbm>>
      %dma_start3A_618 = arith.constant 0 : i32
      %dma_start3A_619 = arith.constant 0 : i32
      %dma_start3A_620 = tpu.memref_slice %arg4[%add3A_610, %dma_start3A_618, %dma_start3A_619] : memref<16384x50x64xf32, #tpu.memory_space<hbm>> -> memref<1x50x64xf32, #tpu.memory_space<hbm>>
      %dma_start3A_621 = tpu.memref_squeeze %dma_start3A_620 : memref<1x50x64xf32, #tpu.memory_space<hbm>> -> memref<50x64xf32, #tpu.memory_space<hbm>>
      %dma_start3A_622 = arith.constant 0 : i32
      %dma_start3A_623 = arith.constant 0 : i32
      %dma_start3A_624 = tpu.memref_slice %arg6[%dma_start3A_622, %dma_start3A_623] : memref<400x64xf32, #tpu.memory_space<vmem>> -> memref<50x64xf32, #tpu.memory_space<vmem>>
      tpu.enqueue_dma source(%dma_start3A_624 : memref<50x64xf32, #tpu.memory_space<vmem>>) target(%dma_start3A_621 : memref<50x64xf32, #tpu.memory_space<hbm>>) target_semaphore(%arg14 : memref<!tpu.dma_semaphore, #tpu.memory_space<semaphore_mem>>)
      %mul3A_625 = arith.constant 8 : i32
      %mul3A_626 = arith.muli %add3A_596, %mul3A_625 : i32
      %add3A_627 = arith.addi %mul3A_4, %mul3A_626 : i32
      %add3A_628 = arith.constant 1 : i32
      %add3A_629 = arith.addi %add3A_627, %add3A_628 : i32
      %dma_start3A_630 = arith.constant 50 : i32
      %dma_start3A_631 = arith.constant 0 : i32
      %dma_start3A_632 = tpu.memref_slice %arg6[%dma_start3A_630, %dma_start3A_631] : memref<400x64xf32, #tpu.memory_space<vmem>> -> memref<50x64xf32, #tpu.memory_space<vmem>>
      %dma_start3A_633 = arith.constant 0 : i32
      %dma_start3A_634 = arith.constant 0 : i32
      %dma_start3A_635 = tpu.memref_slice %arg4[%add3A_629, %dma_start3A_633, %dma_start3A_634] : memref<16384x50x64xf32, #tpu.memory_space<hbm>> -> memref<1x50x64xf32, #tpu.memory_space<hbm>>
      %dma_start3A_636 = tpu.memref_squeeze %dma_start3A_635 : memref<1x50x64xf32, #tpu.memory_space<hbm>> -> memref<50x64xf32, #tpu.memory_space<hbm>>
      %dma_start3A_637 = arith.constant 0 : i32
      %dma_start3A_638 = arith.constant 0 : i32
      %dma_start3A_639 = tpu.memref_slice %arg4[%add3A_629, %dma_start3A_637, %dma_start3A_638] : memref<16384x50x64xf32, #tpu.memory_space<hbm>> -> memref<1x50x64xf32, #tpu.memory_space<hbm>>
      %dma_start3A_640 = tpu.memref_squeeze %dma_start3A_639 : memref<1x50x64xf32, #tpu.memory_space<hbm>> -> memref<50x64xf32, #tpu.memory_space<hbm>>
      %dma_start3A_641 = arith.constant 50 : i32
      %dma_start3A_642 = arith.constant 0 : i32
      %dma_start3A_643 = tpu.memref_slice %arg6[%dma_start3A_641, %dma_start3A_642] : memref<400x64xf32, #tpu.memory_space<vmem>> -> memref<50x64xf32, #tpu.memory_space<vmem>>
      tpu.enqueue_dma source(%dma_start3A_643 : memref<50x64xf32, #tpu.memory_space<vmem>>) target(%dma_start3A_640 : memref<50x64xf32, #tpu.memory_space<hbm>>) target_semaphore(%arg14 : memref<!tpu.dma_semaphore, #tpu.memory_space<semaphore_mem>>)
      %mul3A_644 = arith.constant 8 : i32
      %mul3A_645 = arith.muli %add3A_596, %mul3A_644 : i32
      %add3A_646 = arith.addi %mul3A_4, %mul3A_645 : i32
      %add3A_647 = arith.constant 2 : i32
      %add3A_648 = arith.addi %add3A_646, %add3A_647 : i32
      %dma_start3A_649 = arith.constant 100 : i32
      %dma_start3A_650 = arith.constant 0 : i32
      %dma_start3A_651 = tpu.memref_slice %arg6[%dma_start3A_649, %dma_start3A_650] : memref<400x64xf32, #tpu.memory_space<vmem>> -> memref<50x64xf32, #tpu.memory_space<vmem>>
      %dma_start3A_652 = arith.constant 0 : i32
      %dma_start3A_653 = arith.constant 0 : i32
      %dma_start3A_654 = tpu.memref_slice %arg4[%add3A_648, %dma_start3A_652, %dma_start3A_653] : memref<16384x50x64xf32, #tpu.memory_space<hbm>> -> memref<1x50x64xf32, #tpu.memory_space<hbm>>
      %dma_start3A_655 = tpu.memref_squeeze %dma_start3A_654 : memref<1x50x64xf32, #tpu.memory_space<hbm>> -> memref<50x64xf32, #tpu.memory_space<hbm>>
      %dma_start3A_656 = arith.constant 0 : i32
      %dma_start3A_657 = arith.constant 0 : i32
      %dma_start3A_658 = tpu.memref_slice %arg4[%add3A_648, %dma_start3A_656, %dma_start3A_657] : memref<16384x50x64xf32, #tpu.memory_space<hbm>> -> memref<1x50x64xf32, #tpu.memory_space<hbm>>
      %dma_start3A_659 = tpu.memref_squeeze %dma_start3A_658 : memref<1x50x64xf32, #tpu.memory_space<hbm>> -> memref<50x64xf32, #tpu.memory_space<hbm>>
      %dma_start3A_660 = arith.constant 100 : i32
      %dma_start3A_661 = arith.constant 0 : i32
      %dma_start3A_662 = tpu.memref_slice %arg6[%dma_start3A_660, %dma_start3A_661] : memref<400x64xf32, #tpu.memory_space<vmem>> -> memref<50x64xf32, #tpu.memory_space<vmem>>
      tpu.enqueue_dma source(%dma_start3A_662 : memref<50x64xf32, #tpu.memory_space<vmem>>) target(%dma_start3A_659 : memref<50x64xf32, #tpu.memory_space<hbm>>) target_semaphore(%arg14 : memref<!tpu.dma_semaphore, #tpu.memory_space<semaphore_mem>>)
      %mul3A_663 = arith.constant 8 : i32
      %mul3A_664 = arith.muli %add3A_596, %mul3A_663 : i32
      %add3A_665 = arith.addi %mul3A_4, %mul3A_664 : i32
      %add3A_666 = arith.constant 3 : i32
      %add3A_667 = arith.addi %add3A_665, %add3A_666 : i32
      %dma_start3A_668 = arith.constant 150 : i32
      %dma_start3A_669 = arith.constant 0 : i32
      %dma_start3A_670 = tpu.memref_slice %arg6[%dma_start3A_668, %dma_start3A_669] : memref<400x64xf32, #tpu.memory_space<vmem>> -> memref<50x64xf32, #tpu.memory_space<vmem>>
      %dma_start3A_671 = arith.constant 0 : i32
      %dma_start3A_672 = arith.constant 0 : i32
      %dma_start3A_673 = tpu.memref_slice %arg4[%add3A_667, %dma_start3A_671, %dma_start3A_672] : memref<16384x50x64xf32, #tpu.memory_space<hbm>> -> memref<1x50x64xf32, #tpu.memory_space<hbm>>
      %dma_start3A_674 = tpu.memref_squeeze %dma_start3A_673 : memref<1x50x64xf32, #tpu.memory_space<hbm>> -> memref<50x64xf32, #tpu.memory_space<hbm>>
      %dma_start3A_675 = arith.constant 0 : i32
      %dma_start3A_676 = arith.constant 0 : i32
      %dma_start3A_677 = tpu.memref_slice %arg4[%add3A_667, %dma_start3A_675, %dma_start3A_676] : memref<16384x50x64xf32, #tpu.memory_space<hbm>> -> memref<1x50x64xf32, #tpu.memory_space<hbm>>
      %dma_start3A_678 = tpu.memref_squeeze %dma_start3A_677 : memref<1x50x64xf32, #tpu.memory_space<hbm>> -> memref<50x64xf32, #tpu.memory_space<hbm>>
      %dma_start3A_679 = arith.constant 150 : i32
      %dma_start3A_680 = arith.constant 0 : i32
      %dma_start3A_681 = tpu.memref_slice %arg6[%dma_start3A_679, %dma_start3A_680] : memref<400x64xf32, #tpu.memory_space<vmem>> -> memref<50x64xf32, #tpu.memory_space<vmem>>
      tpu.enqueue_dma source(%dma_start3A_681 : memref<50x64xf32, #tpu.memory_space<vmem>>) target(%dma_start3A_678 : memref<50x64xf32, #tpu.memory_space<hbm>>) target_semaphore(%arg14 : memref<!tpu.dma_semaphore, #tpu.memory_space<semaphore_mem>>)
      %mul3A_682 = arith.constant 8 : i32
      %mul3A_683 = arith.muli %add3A_596, %mul3A_682 : i32
      %add3A_684 = arith.addi %mul3A_4, %mul3A_683 : i32
      %add3A_685 = arith.constant 4 : i32
      %add3A_686 = arith.addi %add3A_684, %add3A_685 : i32
      %dma_start3A_687 = arith.constant 200 : i32
      %dma_start3A_688 = arith.constant 0 : i32
      %dma_start3A_689 = tpu.memref_slice %arg6[%dma_start3A_687, %dma_start3A_688] : memref<400x64xf32, #tpu.memory_space<vmem>> -> memref<50x64xf32, #tpu.memory_space<vmem>>
      %dma_start3A_690 = arith.constant 0 : i32
      %dma_start3A_691 = arith.constant 0 : i32
      %dma_start3A_692 = tpu.memref_slice %arg4[%add3A_686, %dma_start3A_690, %dma_start3A_691] : memref<16384x50x64xf32, #tpu.memory_space<hbm>> -> memref<1x50x64xf32, #tpu.memory_space<hbm>>
      %dma_start3A_693 = tpu.memref_squeeze %dma_start3A_692 : memref<1x50x64xf32, #tpu.memory_space<hbm>> -> memref<50x64xf32, #tpu.memory_space<hbm>>
      %dma_start3A_694 = arith.constant 0 : i32
      %dma_start3A_695 = arith.constant 0 : i32
      %dma_start3A_696 = tpu.memref_slice %arg4[%add3A_686, %dma_start3A_694, %dma_start3A_695] : memref<16384x50x64xf32, #tpu.memory_space<hbm>> -> memref<1x50x64xf32, #tpu.memory_space<hbm>>
      %dma_start3A_697 = tpu.memref_squeeze %dma_start3A_696 : memref<1x50x64xf32, #tpu.memory_space<hbm>> -> memref<50x64xf32, #tpu.memory_space<hbm>>
      %dma_start3A_698 = arith.constant 200 : i32
      %dma_start3A_699 = arith.constant 0 : i32
      %dma_start3A_700 = tpu.memref_slice %arg6[%dma_start3A_698, %dma_start3A_699] : memref<400x64xf32, #tpu.memory_space<vmem>> -> memref<50x64xf32, #tpu.memory_space<vmem>>
      tpu.enqueue_dma source(%dma_start3A_700 : memref<50x64xf32, #tpu.memory_space<vmem>>) target(%dma_start3A_697 : memref<50x64xf32, #tpu.memory_space<hbm>>) target_semaphore(%arg14 : memref<!tpu.dma_semaphore, #tpu.memory_space<semaphore_mem>>)
      %mul3A_701 = arith.constant 8 : i32
      %mul3A_702 = arith.muli %add3A_596, %mul3A_701 : i32
      %add3A_703 = arith.addi %mul3A_4, %mul3A_702 : i32
      %add3A_704 = arith.constant 5 : i32
      %add3A_705 = arith.addi %add3A_703, %add3A_704 : i32
      %dma_start3A_706 = arith.constant 250 : i32
      %dma_start3A_707 = arith.constant 0 : i32
      %dma_start3A_708 = tpu.memref_slice %arg6[%dma_start3A_706, %dma_start3A_707] : memref<400x64xf32, #tpu.memory_space<vmem>> -> memref<50x64xf32, #tpu.memory_space<vmem>>
      %dma_start3A_709 = arith.constant 0 : i32
      %dma_start3A_710 = arith.constant 0 : i32
      %dma_start3A_711 = tpu.memref_slice %arg4[%add3A_705, %dma_start3A_709, %dma_start3A_710] : memref<16384x50x64xf32, #tpu.memory_space<hbm>> -> memref<1x50x64xf32, #tpu.memory_space<hbm>>
      %dma_start3A_712 = tpu.memref_squeeze %dma_start3A_711 : memref<1x50x64xf32, #tpu.memory_space<hbm>> -> memref<50x64xf32, #tpu.memory_space<hbm>>
      %dma_start3A_713 = arith.constant 0 : i32
      %dma_start3A_714 = arith.constant 0 : i32
      %dma_start3A_715 = tpu.memref_slice %arg4[%add3A_705, %dma_start3A_713, %dma_start3A_714] : memref<16384x50x64xf32, #tpu.memory_space<hbm>> -> memref<1x50x64xf32, #tpu.memory_space<hbm>>
      %dma_start3A_716 = tpu.memref_squeeze %dma_start3A_715 : memref<1x50x64xf32, #tpu.memory_space<hbm>> -> memref<50x64xf32, #tpu.memory_space<hbm>>
      %dma_start3A_717 = arith.constant 250 : i32
      %dma_start3A_718 = arith.constant 0 : i32
      %dma_start3A_719 = tpu.memref_slice %arg6[%dma_start3A_717, %dma_start3A_718] : memref<400x64xf32, #tpu.memory_space<vmem>> -> memref<50x64xf32, #tpu.memory_space<vmem>>
      tpu.enqueue_dma source(%dma_start3A_719 : memref<50x64xf32, #tpu.memory_space<vmem>>) target(%dma_start3A_716 : memref<50x64xf32, #tpu.memory_space<hbm>>) target_semaphore(%arg14 : memref<!tpu.dma_semaphore, #tpu.memory_space<semaphore_mem>>)
      %mul3A_720 = arith.constant 8 : i32
      %mul3A_721 = arith.muli %add3A_596, %mul3A_720 : i32
      %add3A_722 = arith.addi %mul3A_4, %mul3A_721 : i32
      %add3A_723 = arith.constant 6 : i32
      %add3A_724 = arith.addi %add3A_722, %add3A_723 : i32
      %dma_start3A_725 = arith.constant 300 : i32
      %dma_start3A_726 = arith.constant 0 : i32
      %dma_start3A_727 = tpu.memref_slice %arg6[%dma_start3A_725, %dma_start3A_726] : memref<400x64xf32, #tpu.memory_space<vmem>> -> memref<50x64xf32, #tpu.memory_space<vmem>>
      %dma_start3A_728 = arith.constant 0 : i32
      %dma_start3A_729 = arith.constant 0 : i32
      %dma_start3A_730 = tpu.memref_slice %arg4[%add3A_724, %dma_start3A_728, %dma_start3A_729] : memref<16384x50x64xf32, #tpu.memory_space<hbm>> -> memref<1x50x64xf32, #tpu.memory_space<hbm>>
      %dma_start3A_731 = tpu.memref_squeeze %dma_start3A_730 : memref<1x50x64xf32, #tpu.memory_space<hbm>> -> memref<50x64xf32, #tpu.memory_space<hbm>>
      %dma_start3A_732 = arith.constant 0 : i32
      %dma_start3A_733 = arith.constant 0 : i32
      %dma_start3A_734 = tpu.memref_slice %arg4[%add3A_724, %dma_start3A_732, %dma_start3A_733] : memref<16384x50x64xf32, #tpu.memory_space<hbm>> -> memref<1x50x64xf32, #tpu.memory_space<hbm>>
      %dma_start3A_735 = tpu.memref_squeeze %dma_start3A_734 : memref<1x50x64xf32, #tpu.memory_space<hbm>> -> memref<50x64xf32, #tpu.memory_space<hbm>>
      %dma_start3A_736 = arith.constant 300 : i32
      %dma_start3A_737 = arith.constant 0 : i32
      %dma_start3A_738 = tpu.memref_slice %arg6[%dma_start3A_736, %dma_start3A_737] : memref<400x64xf32, #tpu.memory_space<vmem>> -> memref<50x64xf32, #tpu.memory_space<vmem>>
      tpu.enqueue_dma source(%dma_start3A_738 : memref<50x64xf32, #tpu.memory_space<vmem>>) target(%dma_start3A_735 : memref<50x64xf32, #tpu.memory_space<hbm>>) target_semaphore(%arg14 : memref<!tpu.dma_semaphore, #tpu.memory_space<semaphore_mem>>)
      %mul3A_739 = arith.constant 8 : i32
      %mul3A_740 = arith.muli %add3A_596, %mul3A_739 : i32
      %add3A_741 = arith.addi %mul3A_4, %mul3A_740 : i32
      %add3A_742 = arith.constant 7 : i32
      %add3A_743 = arith.addi %add3A_741, %add3A_742 : i32
      %dma_start3A_744 = arith.constant 350 : i32
      %dma_start3A_745 = arith.constant 0 : i32
      %dma_start3A_746 = tpu.memref_slice %arg6[%dma_start3A_744, %dma_start3A_745] : memref<400x64xf32, #tpu.memory_space<vmem>> -> memref<50x64xf32, #tpu.memory_space<vmem>>
      %dma_start3A_747 = arith.constant 0 : i32
      %dma_start3A_748 = arith.constant 0 : i32
      %dma_start3A_749 = tpu.memref_slice %arg4[%add3A_743, %dma_start3A_747, %dma_start3A_748] : memref<16384x50x64xf32, #tpu.memory_space<hbm>> -> memref<1x50x64xf32, #tpu.memory_space<hbm>>
      %dma_start3A_750 = tpu.memref_squeeze %dma_start3A_749 : memref<1x50x64xf32, #tpu.memory_space<hbm>> -> memref<50x64xf32, #tpu.memory_space<hbm>>
      %dma_start3A_751 = arith.constant 0 : i32
      %dma_start3A_752 = arith.constant 0 : i32
      %dma_start3A_753 = tpu.memref_slice %arg4[%add3A_743, %dma_start3A_751, %dma_start3A_752] : memref<16384x50x64xf32, #tpu.memory_space<hbm>> -> memref<1x50x64xf32, #tpu.memory_space<hbm>>
      %dma_start3A_754 = tpu.memref_squeeze %dma_start3A_753 : memref<1x50x64xf32, #tpu.memory_space<hbm>> -> memref<50x64xf32, #tpu.memory_space<hbm>>
      %dma_start3A_755 = arith.constant 350 : i32
      %dma_start3A_756 = arith.constant 0 : i32
      %dma_start3A_757 = tpu.memref_slice %arg6[%dma_start3A_755, %dma_start3A_756] : memref<400x64xf32, #tpu.memory_space<vmem>> -> memref<50x64xf32, #tpu.memory_space<vmem>>
      tpu.enqueue_dma source(%dma_start3A_757 : memref<50x64xf32, #tpu.memory_space<vmem>>) target(%dma_start3A_754 : memref<50x64xf32, #tpu.memory_space<hbm>>) target_semaphore(%arg14 : memref<!tpu.dma_semaphore, #tpu.memory_space<semaphore_mem>>)
      %mul3A_758 = arith.constant 4 : i32
      %mul3A_759 = arith.muli %add3A_592, %mul3A_758 : i32
      %add3A_760 = arith.constant 1 : i32
      %add3A_761 = arith.addi %mul3A_759, %add3A_760 : i32
      %add3A_762 = arith.constant 1 : i32
      %add3A_763 = arith.addi %add3A_761, %add3A_762 : i32
      %lt3A_764 = arith.constant 64 : i32
      %lt3A_765 = arith.cmpi slt, %add3A_763, %lt3A_764 : i32
      %convert_element_type3A_766 = arith.extui %lt3A_765 : i1 to i32
      %cond3A_767 = arith.constant 0 : i32
      %cond3A_768 = arith.cmpi ne, %convert_element_type3A_766, %cond3A_767 : i32
      scf.if %cond3A_768 {
        %ge3A = arith.constant 4 : i32
        %ge3A_1262 = arith.cmpi sge, %add3A_763, %ge3A : i32
        %convert_element_type3A_1263 = arith.extui %ge3A_1262 : i1 to i32
        %cond3A_1264 = arith.constant 0 : i32
        %cond3A_1265 = arith.cmpi ne, %convert_element_type3A_1263, %cond3A_1264 : i32
        scf.if %cond3A_1265 {
          %sub3A = arith.constant 4 : i32
          %sub3A_1272 = arith.subi %add3A_763, %sub3A : i32
          %mul3A_1273 = arith.constant 8 : i32
          %mul3A_1274 = arith.muli %sub3A_1272, %mul3A_1273 : i32
          %add3A_1275 = arith.addi %mul3A_4, %mul3A_1274 : i32
          %add3A_1276 = arith.constant 0 : i32
          %add3A_1277 = arith.addi %add3A_1275, %add3A_1276 : i32
          %dma_wait3A_1278 = arith.constant 0 : i32
          %dma_wait3A_1279 = arith.constant 0 : i32
          %dma_wait3A_1280 = tpu.memref_slice %arg8[%dma_wait3A_1278, %dma_wait3A_1279] : memref<400x64xf32, #tpu.memory_space<vmem>> -> memref<50x64xf32, #tpu.memory_space<vmem>>
          %dma_wait3A_1281 = arith.constant 0 : i32
          %dma_wait3A_1282 = arith.constant 0 : i32
          %dma_wait3A_1283 = tpu.memref_slice %arg4[%add3A_1277, %dma_wait3A_1281, %dma_wait3A_1282] : memref<16384x50x64xf32, #tpu.memory_space<hbm>> -> memref<1x50x64xf32, #tpu.memory_space<hbm>>
          %dma_wait3A_1284 = tpu.memref_squeeze %dma_wait3A_1283 : memref<1x50x64xf32, #tpu.memory_space<hbm>> -> memref<50x64xf32, #tpu.memory_space<hbm>>
          %dma_wait3A_1285 = arith.constant 0 : i32
          %dma_wait3A_1286 = arith.constant 0 : i32
          %dma_wait3A_1287 = tpu.memref_slice %arg4[%add3A_1277, %dma_wait3A_1285, %dma_wait3A_1286] : memref<16384x50x64xf32, #tpu.memory_space<hbm>> -> memref<1x50x64xf32, #tpu.memory_space<hbm>>
          %dma_wait3A_1288 = tpu.memref_squeeze %dma_wait3A_1287 : memref<1x50x64xf32, #tpu.memory_space<hbm>> -> memref<50x64xf32, #tpu.memory_space<hbm>>
          %dma_wait3A_1289 = arith.constant 0 : i32
          %dma_wait3A_1290 = arith.constant 0 : i32
          %dma_wait3A_1291 = tpu.memref_slice %arg8[%dma_wait3A_1289, %dma_wait3A_1290] : memref<400x64xf32, #tpu.memory_space<vmem>> -> memref<50x64xf32, #tpu.memory_space<vmem>>
          tpu.wait_dma2 semaphore(%arg16 : memref<!tpu.dma_semaphore, #tpu.memory_space<semaphore_mem>>) src(%dma_wait3A_1291 : memref<50x64xf32, #tpu.memory_space<vmem>>) dst(%dma_wait3A_1288 : memref<50x64xf32, #tpu.memory_space<hbm>>)
          %mul3A_1292 = arith.constant 8 : i32
          %mul3A_1293 = arith.muli %sub3A_1272, %mul3A_1292 : i32
          %add3A_1294 = arith.addi %mul3A_4, %mul3A_1293 : i32
          %add3A_1295 = arith.constant 1 : i32
          %add3A_1296 = arith.addi %add3A_1294, %add3A_1295 : i32
          %dma_wait3A_1297 = arith.constant 50 : i32
          %dma_wait3A_1298 = arith.constant 0 : i32
          %dma_wait3A_1299 = tpu.memref_slice %arg8[%dma_wait3A_1297, %dma_wait3A_1298] : memref<400x64xf32, #tpu.memory_space<vmem>> -> memref<50x64xf32, #tpu.memory_space<vmem>>
          %dma_wait3A_1300 = arith.constant 0 : i32
          %dma_wait3A_1301 = arith.constant 0 : i32
          %dma_wait3A_1302 = tpu.memref_slice %arg4[%add3A_1296, %dma_wait3A_1300, %dma_wait3A_1301] : memref<16384x50x64xf32, #tpu.memory_space<hbm>> -> memref<1x50x64xf32, #tpu.memory_space<hbm>>
          %dma_wait3A_1303 = tpu.memref_squeeze %dma_wait3A_1302 : memref<1x50x64xf32, #tpu.memory_space<hbm>> -> memref<50x64xf32, #tpu.memory_space<hbm>>
          %dma_wait3A_1304 = arith.constant 0 : i32
          %dma_wait3A_1305 = arith.constant 0 : i32
          %dma_wait3A_1306 = tpu.memref_slice %arg4[%add3A_1296, %dma_wait3A_1304, %dma_wait3A_1305] : memref<16384x50x64xf32, #tpu.memory_space<hbm>> -> memref<1x50x64xf32, #tpu.memory_space<hbm>>
          %dma_wait3A_1307 = tpu.memref_squeeze %dma_wait3A_1306 : memref<1x50x64xf32, #tpu.memory_space<hbm>> -> memref<50x64xf32, #tpu.memory_space<hbm>>
          %dma_wait3A_1308 = arith.constant 50 : i32
          %dma_wait3A_1309 = arith.constant 0 : i32
          %dma_wait3A_1310 = tpu.memref_slice %arg8[%dma_wait3A_1308, %dma_wait3A_1309] : memref<400x64xf32, #tpu.memory_space<vmem>> -> memref<50x64xf32, #tpu.memory_space<vmem>>
          tpu.wait_dma2 semaphore(%arg16 : memref<!tpu.dma_semaphore, #tpu.memory_space<semaphore_mem>>) src(%dma_wait3A_1310 : memref<50x64xf32, #tpu.memory_space<vmem>>) dst(%dma_wait3A_1307 : memref<50x64xf32, #tpu.memory_space<hbm>>)
          %mul3A_1311 = arith.constant 8 : i32
          %mul3A_1312 = arith.muli %sub3A_1272, %mul3A_1311 : i32
          %add3A_1313 = arith.addi %mul3A_4, %mul3A_1312 : i32
          %add3A_1314 = arith.constant 2 : i32
          %add3A_1315 = arith.addi %add3A_1313, %add3A_1314 : i32
          %dma_wait3A_1316 = arith.constant 100 : i32
          %dma_wait3A_1317 = arith.constant 0 : i32
          %dma_wait3A_1318 = tpu.memref_slice %arg8[%dma_wait3A_1316, %dma_wait3A_1317] : memref<400x64xf32, #tpu.memory_space<vmem>> -> memref<50x64xf32, #tpu.memory_space<vmem>>
          %dma_wait3A_1319 = arith.constant 0 : i32
          %dma_wait3A_1320 = arith.constant 0 : i32
          %dma_wait3A_1321 = tpu.memref_slice %arg4[%add3A_1315, %dma_wait3A_1319, %dma_wait3A_1320] : memref<16384x50x64xf32, #tpu.memory_space<hbm>> -> memref<1x50x64xf32, #tpu.memory_space<hbm>>
          %dma_wait3A_1322 = tpu.memref_squeeze %dma_wait3A_1321 : memref<1x50x64xf32, #tpu.memory_space<hbm>> -> memref<50x64xf32, #tpu.memory_space<hbm>>
          %dma_wait3A_1323 = arith.constant 0 : i32
          %dma_wait3A_1324 = arith.constant 0 : i32
          %dma_wait3A_1325 = tpu.memref_slice %arg4[%add3A_1315, %dma_wait3A_1323, %dma_wait3A_1324] : memref<16384x50x64xf32, #tpu.memory_space<hbm>> -> memref<1x50x64xf32, #tpu.memory_space<hbm>>
          %dma_wait3A_1326 = tpu.memref_squeeze %dma_wait3A_1325 : memref<1x50x64xf32, #tpu.memory_space<hbm>> -> memref<50x64xf32, #tpu.memory_space<hbm>>
          %dma_wait3A_1327 = arith.constant 100 : i32
          %dma_wait3A_1328 = arith.constant 0 : i32
          %dma_wait3A_1329 = tpu.memref_slice %arg8[%dma_wait3A_1327, %dma_wait3A_1328] : memref<400x64xf32, #tpu.memory_space<vmem>> -> memref<50x64xf32, #tpu.memory_space<vmem>>
          tpu.wait_dma2 semaphore(%arg16 : memref<!tpu.dma_semaphore, #tpu.memory_space<semaphore_mem>>) src(%dma_wait3A_1329 : memref<50x64xf32, #tpu.memory_space<vmem>>) dst(%dma_wait3A_1326 : memref<50x64xf32, #tpu.memory_space<hbm>>)
          %mul3A_1330 = arith.constant 8 : i32
          %mul3A_1331 = arith.muli %sub3A_1272, %mul3A_1330 : i32
          %add3A_1332 = arith.addi %mul3A_4, %mul3A_1331 : i32
          %add3A_1333 = arith.constant 3 : i32
          %add3A_1334 = arith.addi %add3A_1332, %add3A_1333 : i32
          %dma_wait3A_1335 = arith.constant 150 : i32
          %dma_wait3A_1336 = arith.constant 0 : i32
          %dma_wait3A_1337 = tpu.memref_slice %arg8[%dma_wait3A_1335, %dma_wait3A_1336] : memref<400x64xf32, #tpu.memory_space<vmem>> -> memref<50x64xf32, #tpu.memory_space<vmem>>
          %dma_wait3A_1338 = arith.constant 0 : i32
          %dma_wait3A_1339 = arith.constant 0 : i32
          %dma_wait3A_1340 = tpu.memref_slice %arg4[%add3A_1334, %dma_wait3A_1338, %dma_wait3A_1339] : memref<16384x50x64xf32, #tpu.memory_space<hbm>> -> memref<1x50x64xf32, #tpu.memory_space<hbm>>
          %dma_wait3A_1341 = tpu.memref_squeeze %dma_wait3A_1340 : memref<1x50x64xf32, #tpu.memory_space<hbm>> -> memref<50x64xf32, #tpu.memory_space<hbm>>
          %dma_wait3A_1342 = arith.constant 0 : i32
          %dma_wait3A_1343 = arith.constant 0 : i32
          %dma_wait3A_1344 = tpu.memref_slice %arg4[%add3A_1334, %dma_wait3A_1342, %dma_wait3A_1343] : memref<16384x50x64xf32, #tpu.memory_space<hbm>> -> memref<1x50x64xf32, #tpu.memory_space<hbm>>
          %dma_wait3A_1345 = tpu.memref_squeeze %dma_wait3A_1344 : memref<1x50x64xf32, #tpu.memory_space<hbm>> -> memref<50x64xf32, #tpu.memory_space<hbm>>
          %dma_wait3A_1346 = arith.constant 150 : i32
          %dma_wait3A_1347 = arith.constant 0 : i32
          %dma_wait3A_1348 = tpu.memref_slice %arg8[%dma_wait3A_1346, %dma_wait3A_1347] : memref<400x64xf32, #tpu.memory_space<vmem>> -> memref<50x64xf32, #tpu.memory_space<vmem>>
          tpu.wait_dma2 semaphore(%arg16 : memref<!tpu.dma_semaphore, #tpu.memory_space<semaphore_mem>>) src(%dma_wait3A_1348 : memref<50x64xf32, #tpu.memory_space<vmem>>) dst(%dma_wait3A_1345 : memref<50x64xf32, #tpu.memory_space<hbm>>)
          %mul3A_1349 = arith.constant 8 : i32
          %mul3A_1350 = arith.muli %sub3A_1272, %mul3A_1349 : i32
          %add3A_1351 = arith.addi %mul3A_4, %mul3A_1350 : i32
          %add3A_1352 = arith.constant 4 : i32
          %add3A_1353 = arith.addi %add3A_1351, %add3A_1352 : i32
          %dma_wait3A_1354 = arith.constant 200 : i32
          %dma_wait3A_1355 = arith.constant 0 : i32
          %dma_wait3A_1356 = tpu.memref_slice %arg8[%dma_wait3A_1354, %dma_wait3A_1355] : memref<400x64xf32, #tpu.memory_space<vmem>> -> memref<50x64xf32, #tpu.memory_space<vmem>>
          %dma_wait3A_1357 = arith.constant 0 : i32
          %dma_wait3A_1358 = arith.constant 0 : i32
          %dma_wait3A_1359 = tpu.memref_slice %arg4[%add3A_1353, %dma_wait3A_1357, %dma_wait3A_1358] : memref<16384x50x64xf32, #tpu.memory_space<hbm>> -> memref<1x50x64xf32, #tpu.memory_space<hbm>>
          %dma_wait3A_1360 = tpu.memref_squeeze %dma_wait3A_1359 : memref<1x50x64xf32, #tpu.memory_space<hbm>> -> memref<50x64xf32, #tpu.memory_space<hbm>>
          %dma_wait3A_1361 = arith.constant 0 : i32
          %dma_wait3A_1362 = arith.constant 0 : i32
          %dma_wait3A_1363 = tpu.memref_slice %arg4[%add3A_1353, %dma_wait3A_1361, %dma_wait3A_1362] : memref<16384x50x64xf32, #tpu.memory_space<hbm>> -> memref<1x50x64xf32, #tpu.memory_space<hbm>>
          %dma_wait3A_1364 = tpu.memref_squeeze %dma_wait3A_1363 : memref<1x50x64xf32, #tpu.memory_space<hbm>> -> memref<50x64xf32, #tpu.memory_space<hbm>>
          %dma_wait3A_1365 = arith.constant 200 : i32
          %dma_wait3A_1366 = arith.constant 0 : i32
          %dma_wait3A_1367 = tpu.memref_slice %arg8[%dma_wait3A_1365, %dma_wait3A_1366] : memref<400x64xf32, #tpu.memory_space<vmem>> -> memref<50x64xf32, #tpu.memory_space<vmem>>
          tpu.wait_dma2 semaphore(%arg16 : memref<!tpu.dma_semaphore, #tpu.memory_space<semaphore_mem>>) src(%dma_wait3A_1367 : memref<50x64xf32, #tpu.memory_space<vmem>>) dst(%dma_wait3A_1364 : memref<50x64xf32, #tpu.memory_space<hbm>>)
          %mul3A_1368 = arith.constant 8 : i32
          %mul3A_1369 = arith.muli %sub3A_1272, %mul3A_1368 : i32
          %add3A_1370 = arith.addi %mul3A_4, %mul3A_1369 : i32
          %add3A_1371 = arith.constant 5 : i32
          %add3A_1372 = arith.addi %add3A_1370, %add3A_1371 : i32
          %dma_wait3A_1373 = arith.constant 250 : i32
          %dma_wait3A_1374 = arith.constant 0 : i32
          %dma_wait3A_1375 = tpu.memref_slice %arg8[%dma_wait3A_1373, %dma_wait3A_1374] : memref<400x64xf32, #tpu.memory_space<vmem>> -> memref<50x64xf32, #tpu.memory_space<vmem>>
          %dma_wait3A_1376 = arith.constant 0 : i32
          %dma_wait3A_1377 = arith.constant 0 : i32
          %dma_wait3A_1378 = tpu.memref_slice %arg4[%add3A_1372, %dma_wait3A_1376, %dma_wait3A_1377] : memref<16384x50x64xf32, #tpu.memory_space<hbm>> -> memref<1x50x64xf32, #tpu.memory_space<hbm>>
          %dma_wait3A_1379 = tpu.memref_squeeze %dma_wait3A_1378 : memref<1x50x64xf32, #tpu.memory_space<hbm>> -> memref<50x64xf32, #tpu.memory_space<hbm>>
          %dma_wait3A_1380 = arith.constant 0 : i32
          %dma_wait3A_1381 = arith.constant 0 : i32
          %dma_wait3A_1382 = tpu.memref_slice %arg4[%add3A_1372, %dma_wait3A_1380, %dma_wait3A_1381] : memref<16384x50x64xf32, #tpu.memory_space<hbm>> -> memref<1x50x64xf32, #tpu.memory_space<hbm>>
          %dma_wait3A_1383 = tpu.memref_squeeze %dma_wait3A_1382 : memref<1x50x64xf32, #tpu.memory_space<hbm>> -> memref<50x64xf32, #tpu.memory_space<hbm>>
          %dma_wait3A_1384 = arith.constant 250 : i32
          %dma_wait3A_1385 = arith.constant 0 : i32
          %dma_wait3A_1386 = tpu.memref_slice %arg8[%dma_wait3A_1384, %dma_wait3A_1385] : memref<400x64xf32, #tpu.memory_space<vmem>> -> memref<50x64xf32, #tpu.memory_space<vmem>>
          tpu.wait_dma2 semaphore(%arg16 : memref<!tpu.dma_semaphore, #tpu.memory_space<semaphore_mem>>) src(%dma_wait3A_1386 : memref<50x64xf32, #tpu.memory_space<vmem>>) dst(%dma_wait3A_1383 : memref<50x64xf32, #tpu.memory_space<hbm>>)
          %mul3A_1387 = arith.constant 8 : i32
          %mul3A_1388 = arith.muli %sub3A_1272, %mul3A_1387 : i32
          %add3A_1389 = arith.addi %mul3A_4, %mul3A_1388 : i32
          %add3A_1390 = arith.constant 6 : i32
          %add3A_1391 = arith.addi %add3A_1389, %add3A_1390 : i32
          %dma_wait3A_1392 = arith.constant 300 : i32
          %dma_wait3A_1393 = arith.constant 0 : i32
          %dma_wait3A_1394 = tpu.memref_slice %arg8[%dma_wait3A_1392, %dma_wait3A_1393] : memref<400x64xf32, #tpu.memory_space<vmem>> -> memref<50x64xf32, #tpu.memory_space<vmem>>
          %dma_wait3A_1395 = arith.constant 0 : i32
          %dma_wait3A_1396 = arith.constant 0 : i32
          %dma_wait3A_1397 = tpu.memref_slice %arg4[%add3A_1391, %dma_wait3A_1395, %dma_wait3A_1396] : memref<16384x50x64xf32, #tpu.memory_space<hbm>> -> memref<1x50x64xf32, #tpu.memory_space<hbm>>
          %dma_wait3A_1398 = tpu.memref_squeeze %dma_wait3A_1397 : memref<1x50x64xf32, #tpu.memory_space<hbm>> -> memref<50x64xf32, #tpu.memory_space<hbm>>
          %dma_wait3A_1399 = arith.constant 0 : i32
          %dma_wait3A_1400 = arith.constant 0 : i32
          %dma_wait3A_1401 = tpu.memref_slice %arg4[%add3A_1391, %dma_wait3A_1399, %dma_wait3A_1400] : memref<16384x50x64xf32, #tpu.memory_space<hbm>> -> memref<1x50x64xf32, #tpu.memory_space<hbm>>
          %dma_wait3A_1402 = tpu.memref_squeeze %dma_wait3A_1401 : memref<1x50x64xf32, #tpu.memory_space<hbm>> -> memref<50x64xf32, #tpu.memory_space<hbm>>
          %dma_wait3A_1403 = arith.constant 300 : i32
          %dma_wait3A_1404 = arith.constant 0 : i32
          %dma_wait3A_1405 = tpu.memref_slice %arg8[%dma_wait3A_1403, %dma_wait3A_1404] : memref<400x64xf32, #tpu.memory_space<vmem>> -> memref<50x64xf32, #tpu.memory_space<vmem>>
          tpu.wait_dma2 semaphore(%arg16 : memref<!tpu.dma_semaphore, #tpu.memory_space<semaphore_mem>>) src(%dma_wait3A_1405 : memref<50x64xf32, #tpu.memory_space<vmem>>) dst(%dma_wait3A_1402 : memref<50x64xf32, #tpu.memory_space<hbm>>)
          %mul3A_1406 = arith.constant 8 : i32
          %mul3A_1407 = arith.muli %sub3A_1272, %mul3A_1406 : i32
          %add3A_1408 = arith.addi %mul3A_4, %mul3A_1407 : i32
          %add3A_1409 = arith.constant 7 : i32
          %add3A_1410 = arith.addi %add3A_1408, %add3A_1409 : i32
          %dma_wait3A_1411 = arith.constant 350 : i32
          %dma_wait3A_1412 = arith.constant 0 : i32
          %dma_wait3A_1413 = tpu.memref_slice %arg8[%dma_wait3A_1411, %dma_wait3A_1412] : memref<400x64xf32, #tpu.memory_space<vmem>> -> memref<50x64xf32, #tpu.memory_space<vmem>>
          %dma_wait3A_1414 = arith.constant 0 : i32
          %dma_wait3A_1415 = arith.constant 0 : i32
          %dma_wait3A_1416 = tpu.memref_slice %arg4[%add3A_1410, %dma_wait3A_1414, %dma_wait3A_1415] : memref<16384x50x64xf32, #tpu.memory_space<hbm>> -> memref<1x50x64xf32, #tpu.memory_space<hbm>>
          %dma_wait3A_1417 = tpu.memref_squeeze %dma_wait3A_1416 : memref<1x50x64xf32, #tpu.memory_space<hbm>> -> memref<50x64xf32, #tpu.memory_space<hbm>>
          %dma_wait3A_1418 = arith.constant 0 : i32
          %dma_wait3A_1419 = arith.constant 0 : i32
          %dma_wait3A_1420 = tpu.memref_slice %arg4[%add3A_1410, %dma_wait3A_1418, %dma_wait3A_1419] : memref<16384x50x64xf32, #tpu.memory_space<hbm>> -> memref<1x50x64xf32, #tpu.memory_space<hbm>>
          %dma_wait3A_1421 = tpu.memref_squeeze %dma_wait3A_1420 : memref<1x50x64xf32, #tpu.memory_space<hbm>> -> memref<50x64xf32, #tpu.memory_space<hbm>>
          %dma_wait3A_1422 = arith.constant 350 : i32
          %dma_wait3A_1423 = arith.constant 0 : i32
          %dma_wait3A_1424 = tpu.memref_slice %arg8[%dma_wait3A_1422, %dma_wait3A_1423] : memref<400x64xf32, #tpu.memory_space<vmem>> -> memref<50x64xf32, #tpu.memory_space<vmem>>
          tpu.wait_dma2 semaphore(%arg16 : memref<!tpu.dma_semaphore, #tpu.memory_space<semaphore_mem>>) src(%dma_wait3A_1424 : memref<50x64xf32, #tpu.memory_space<vmem>>) dst(%dma_wait3A_1421 : memref<50x64xf32, #tpu.memory_space<hbm>>)
        } else {
        }
        %mul3A_1266 = arith.constant 400 : i32
        %mul3A_1267 = arith.muli %add3A_763, %mul3A_1266 : i32
        %dma_start3A_1268 = tpu.memref_slice %arg5[%mul3A_1267] : memref<25600xi32, #tpu.memory_space<vmem>> -> memref<400xi32, #tpu.memory_space<vmem>>
        %dma_start3A_1269 = arith.constant 0 : i32
        %dma_start3A_1270 = arith.constant 0 : i32
        %dma_start3A_1271 = tpu.memref_slice %arg3[%dma_start3A_1269, %dma_start3A_1270] : memref<1000000x64xf32, #tpu.memory_space<hbm>> -> memref<1000000x64xf32, #tpu.memory_space<hbm>>
        tpu.enqueue_indirect_dma source(%dma_start3A_1271 : memref<1000000x64xf32, #tpu.memory_space<hbm>>) target(%arg8 : memref<400x64xf32, #tpu.memory_space<vmem>>) offsets(%dma_start3A_1268 : memref<400xi32, #tpu.memory_space<vmem>>) semaphore(%arg12 : memref<!tpu.dma_semaphore, #tpu.memory_space<semaphore_mem>>)
      } else {
      }
      %dma_wait3A_769 = arith.constant 0 : i32
      %dma_wait3A_770 = tpu.memref_slice %arg5[%dma_wait3A_769] : memref<25600xi32, #tpu.memory_space<vmem>> -> memref<400xi32, #tpu.memory_space<vmem>>
      %dma_wait3A_771 = arith.constant 0 : i32
      %dma_wait3A_772 = arith.constant 0 : i32
      %dma_wait3A_773 = tpu.memref_slice %arg3[%dma_wait3A_771, %dma_wait3A_772] : memref<1000000x64xf32, #tpu.memory_space<hbm>> -> memref<1000000x64xf32, #tpu.memory_space<hbm>>
      tpu.wait_indirect_dma semaphore(%arg11 : memref<!tpu.dma_semaphore, #tpu.memory_space<semaphore_mem>>) src(%dma_wait3A_773 : memref<1000000x64xf32, #tpu.memory_space<hbm>>) dst(%arg7 : memref<400x64xf32, #tpu.memory_space<vmem>>)
      %mul3A_774 = arith.constant 8 : i32
      %mul3A_775 = arith.muli %add3A_761, %mul3A_774 : i32
      %add3A_776 = arith.addi %mul3A_4, %mul3A_775 : i32
      %add3A_777 = arith.constant 0 : i32
      %add3A_778 = arith.addi %add3A_776, %add3A_777 : i32
      %dma_start3A_779 = arith.constant 0 : i32
      %dma_start3A_780 = arith.constant 0 : i32
      %dma_start3A_781 = tpu.memref_slice %arg7[%dma_start3A_779, %dma_start3A_780] : memref<400x64xf32, #tpu.memory_space<vmem>> -> memref<50x64xf32, #tpu.memory_space<vmem>>
      %dma_start3A_782 = arith.constant 0 : i32
      %dma_start3A_783 = arith.constant 0 : i32
      %dma_start3A_784 = tpu.memref_slice %arg4[%add3A_778, %dma_start3A_782, %dma_start3A_783] : memref<16384x50x64xf32, #tpu.memory_space<hbm>> -> memref<1x50x64xf32, #tpu.memory_space<hbm>>
      %dma_start3A_785 = tpu.memref_squeeze %dma_start3A_784 : memref<1x50x64xf32, #tpu.memory_space<hbm>> -> memref<50x64xf32, #tpu.memory_space<hbm>>
      %dma_start3A_786 = arith.constant 0 : i32
      %dma_start3A_787 = arith.constant 0 : i32
      %dma_start3A_788 = tpu.memref_slice %arg4[%add3A_778, %dma_start3A_786, %dma_start3A_787] : memref<16384x50x64xf32, #tpu.memory_space<hbm>> -> memref<1x50x64xf32, #tpu.memory_space<hbm>>
      %dma_start3A_789 = tpu.memref_squeeze %dma_start3A_788 : memref<1x50x64xf32, #tpu.memory_space<hbm>> -> memref<50x64xf32, #tpu.memory_space<hbm>>
      %dma_start3A_790 = arith.constant 0 : i32
      %dma_start3A_791 = arith.constant 0 : i32
      %dma_start3A_792 = tpu.memref_slice %arg7[%dma_start3A_790, %dma_start3A_791] : memref<400x64xf32, #tpu.memory_space<vmem>> -> memref<50x64xf32, #tpu.memory_space<vmem>>
      tpu.enqueue_dma source(%dma_start3A_792 : memref<50x64xf32, #tpu.memory_space<vmem>>) target(%dma_start3A_789 : memref<50x64xf32, #tpu.memory_space<hbm>>) target_semaphore(%arg15 : memref<!tpu.dma_semaphore, #tpu.memory_space<semaphore_mem>>)
      %mul3A_793 = arith.constant 8 : i32
      %mul3A_794 = arith.muli %add3A_761, %mul3A_793 : i32
      %add3A_795 = arith.addi %mul3A_4, %mul3A_794 : i32
      %add3A_796 = arith.constant 1 : i32
      %add3A_797 = arith.addi %add3A_795, %add3A_796 : i32
      %dma_start3A_798 = arith.constant 50 : i32
      %dma_start3A_799 = arith.constant 0 : i32
      %dma_start3A_800 = tpu.memref_slice %arg7[%dma_start3A_798, %dma_start3A_799] : memref<400x64xf32, #tpu.memory_space<vmem>> -> memref<50x64xf32, #tpu.memory_space<vmem>>
      %dma_start3A_801 = arith.constant 0 : i32
      %dma_start3A_802 = arith.constant 0 : i32
      %dma_start3A_803 = tpu.memref_slice %arg4[%add3A_797, %dma_start3A_801, %dma_start3A_802] : memref<16384x50x64xf32, #tpu.memory_space<hbm>> -> memref<1x50x64xf32, #tpu.memory_space<hbm>>
      %dma_start3A_804 = tpu.memref_squeeze %dma_start3A_803 : memref<1x50x64xf32, #tpu.memory_space<hbm>> -> memref<50x64xf32, #tpu.memory_space<hbm>>
      %dma_start3A_805 = arith.constant 0 : i32
      %dma_start3A_806 = arith.constant 0 : i32
      %dma_start3A_807 = tpu.memref_slice %arg4[%add3A_797, %dma_start3A_805, %dma_start3A_806] : memref<16384x50x64xf32, #tpu.memory_space<hbm>> -> memref<1x50x64xf32, #tpu.memory_space<hbm>>
      %dma_start3A_808 = tpu.memref_squeeze %dma_start3A_807 : memref<1x50x64xf32, #tpu.memory_space<hbm>> -> memref<50x64xf32, #tpu.memory_space<hbm>>
      %dma_start3A_809 = arith.constant 50 : i32
      %dma_start3A_810 = arith.constant 0 : i32
      %dma_start3A_811 = tpu.memref_slice %arg7[%dma_start3A_809, %dma_start3A_810] : memref<400x64xf32, #tpu.memory_space<vmem>> -> memref<50x64xf32, #tpu.memory_space<vmem>>
      tpu.enqueue_dma source(%dma_start3A_811 : memref<50x64xf32, #tpu.memory_space<vmem>>) target(%dma_start3A_808 : memref<50x64xf32, #tpu.memory_space<hbm>>) target_semaphore(%arg15 : memref<!tpu.dma_semaphore, #tpu.memory_space<semaphore_mem>>)
      %mul3A_812 = arith.constant 8 : i32
      %mul3A_813 = arith.muli %add3A_761, %mul3A_812 : i32
      %add3A_814 = arith.addi %mul3A_4, %mul3A_813 : i32
      %add3A_815 = arith.constant 2 : i32
      %add3A_816 = arith.addi %add3A_814, %add3A_815 : i32
      %dma_start3A_817 = arith.constant 100 : i32
      %dma_start3A_818 = arith.constant 0 : i32
      %dma_start3A_819 = tpu.memref_slice %arg7[%dma_start3A_817, %dma_start3A_818] : memref<400x64xf32, #tpu.memory_space<vmem>> -> memref<50x64xf32, #tpu.memory_space<vmem>>
      %dma_start3A_820 = arith.constant 0 : i32
      %dma_start3A_821 = arith.constant 0 : i32
      %dma_start3A_822 = tpu.memref_slice %arg4[%add3A_816, %dma_start3A_820, %dma_start3A_821] : memref<16384x50x64xf32, #tpu.memory_space<hbm>> -> memref<1x50x64xf32, #tpu.memory_space<hbm>>
      %dma_start3A_823 = tpu.memref_squeeze %dma_start3A_822 : memref<1x50x64xf32, #tpu.memory_space<hbm>> -> memref<50x64xf32, #tpu.memory_space<hbm>>
      %dma_start3A_824 = arith.constant 0 : i32
      %dma_start3A_825 = arith.constant 0 : i32
      %dma_start3A_826 = tpu.memref_slice %arg4[%add3A_816, %dma_start3A_824, %dma_start3A_825] : memref<16384x50x64xf32, #tpu.memory_space<hbm>> -> memref<1x50x64xf32, #tpu.memory_space<hbm>>
      %dma_start3A_827 = tpu.memref_squeeze %dma_start3A_826 : memref<1x50x64xf32, #tpu.memory_space<hbm>> -> memref<50x64xf32, #tpu.memory_space<hbm>>
      %dma_start3A_828 = arith.constant 100 : i32
      %dma_start3A_829 = arith.constant 0 : i32
      %dma_start3A_830 = tpu.memref_slice %arg7[%dma_start3A_828, %dma_start3A_829] : memref<400x64xf32, #tpu.memory_space<vmem>> -> memref<50x64xf32, #tpu.memory_space<vmem>>
      tpu.enqueue_dma source(%dma_start3A_830 : memref<50x64xf32, #tpu.memory_space<vmem>>) target(%dma_start3A_827 : memref<50x64xf32, #tpu.memory_space<hbm>>) target_semaphore(%arg15 : memref<!tpu.dma_semaphore, #tpu.memory_space<semaphore_mem>>)
      %mul3A_831 = arith.constant 8 : i32
      %mul3A_832 = arith.muli %add3A_761, %mul3A_831 : i32
      %add3A_833 = arith.addi %mul3A_4, %mul3A_832 : i32
      %add3A_834 = arith.constant 3 : i32
      %add3A_835 = arith.addi %add3A_833, %add3A_834 : i32
      %dma_start3A_836 = arith.constant 150 : i32
      %dma_start3A_837 = arith.constant 0 : i32
      %dma_start3A_838 = tpu.memref_slice %arg7[%dma_start3A_836, %dma_start3A_837] : memref<400x64xf32, #tpu.memory_space<vmem>> -> memref<50x64xf32, #tpu.memory_space<vmem>>
      %dma_start3A_839 = arith.constant 0 : i32
      %dma_start3A_840 = arith.constant 0 : i32
      %dma_start3A_841 = tpu.memref_slice %arg4[%add3A_835, %dma_start3A_839, %dma_start3A_840] : memref<16384x50x64xf32, #tpu.memory_space<hbm>> -> memref<1x50x64xf32, #tpu.memory_space<hbm>>
      %dma_start3A_842 = tpu.memref_squeeze %dma_start3A_841 : memref<1x50x64xf32, #tpu.memory_space<hbm>> -> memref<50x64xf32, #tpu.memory_space<hbm>>
      %dma_start3A_843 = arith.constant 0 : i32
      %dma_start3A_844 = arith.constant 0 : i32
      %dma_start3A_845 = tpu.memref_slice %arg4[%add3A_835, %dma_start3A_843, %dma_start3A_844] : memref<16384x50x64xf32, #tpu.memory_space<hbm>> -> memref<1x50x64xf32, #tpu.memory_space<hbm>>
      %dma_start3A_846 = tpu.memref_squeeze %dma_start3A_845 : memref<1x50x64xf32, #tpu.memory_space<hbm>> -> memref<50x64xf32, #tpu.memory_space<hbm>>
      %dma_start3A_847 = arith.constant 150 : i32
      %dma_start3A_848 = arith.constant 0 : i32
      %dma_start3A_849 = tpu.memref_slice %arg7[%dma_start3A_847, %dma_start3A_848] : memref<400x64xf32, #tpu.memory_space<vmem>> -> memref<50x64xf32, #tpu.memory_space<vmem>>
      tpu.enqueue_dma source(%dma_start3A_849 : memref<50x64xf32, #tpu.memory_space<vmem>>) target(%dma_start3A_846 : memref<50x64xf32, #tpu.memory_space<hbm>>) target_semaphore(%arg15 : memref<!tpu.dma_semaphore, #tpu.memory_space<semaphore_mem>>)
      %mul3A_850 = arith.constant 8 : i32
      %mul3A_851 = arith.muli %add3A_761, %mul3A_850 : i32
      %add3A_852 = arith.addi %mul3A_4, %mul3A_851 : i32
      %add3A_853 = arith.constant 4 : i32
      %add3A_854 = arith.addi %add3A_852, %add3A_853 : i32
      %dma_start3A_855 = arith.constant 200 : i32
      %dma_start3A_856 = arith.constant 0 : i32
      %dma_start3A_857 = tpu.memref_slice %arg7[%dma_start3A_855, %dma_start3A_856] : memref<400x64xf32, #tpu.memory_space<vmem>> -> memref<50x64xf32, #tpu.memory_space<vmem>>
      %dma_start3A_858 = arith.constant 0 : i32
      %dma_start3A_859 = arith.constant 0 : i32
      %dma_start3A_860 = tpu.memref_slice %arg4[%add3A_854, %dma_start3A_858, %dma_start3A_859] : memref<16384x50x64xf32, #tpu.memory_space<hbm>> -> memref<1x50x64xf32, #tpu.memory_space<hbm>>
      %dma_start3A_861 = tpu.memref_squeeze %dma_start3A_860 : memref<1x50x64xf32, #tpu.memory_space<hbm>> -> memref<50x64xf32, #tpu.memory_space<hbm>>
      %dma_start3A_862 = arith.constant 0 : i32
      %dma_start3A_863 = arith.constant 0 : i32
      %dma_start3A_864 = tpu.memref_slice %arg4[%add3A_854, %dma_start3A_862, %dma_start3A_863] : memref<16384x50x64xf32, #tpu.memory_space<hbm>> -> memref<1x50x64xf32, #tpu.memory_space<hbm>>
      %dma_start3A_865 = tpu.memref_squeeze %dma_start3A_864 : memref<1x50x64xf32, #tpu.memory_space<hbm>> -> memref<50x64xf32, #tpu.memory_space<hbm>>
      %dma_start3A_866 = arith.constant 200 : i32
      %dma_start3A_867 = arith.constant 0 : i32
      %dma_start3A_868 = tpu.memref_slice %arg7[%dma_start3A_866, %dma_start3A_867] : memref<400x64xf32, #tpu.memory_space<vmem>> -> memref<50x64xf32, #tpu.memory_space<vmem>>
      tpu.enqueue_dma source(%dma_start3A_868 : memref<50x64xf32, #tpu.memory_space<vmem>>) target(%dma_start3A_865 : memref<50x64xf32, #tpu.memory_space<hbm>>) target_semaphore(%arg15 : memref<!tpu.dma_semaphore, #tpu.memory_space<semaphore_mem>>)
      %mul3A_869 = arith.constant 8 : i32
      %mul3A_870 = arith.muli %add3A_761, %mul3A_869 : i32
      %add3A_871 = arith.addi %mul3A_4, %mul3A_870 : i32
      %add3A_872 = arith.constant 5 : i32
      %add3A_873 = arith.addi %add3A_871, %add3A_872 : i32
      %dma_start3A_874 = arith.constant 250 : i32
      %dma_start3A_875 = arith.constant 0 : i32
      %dma_start3A_876 = tpu.memref_slice %arg7[%dma_start3A_874, %dma_start3A_875] : memref<400x64xf32, #tpu.memory_space<vmem>> -> memref<50x64xf32, #tpu.memory_space<vmem>>
      %dma_start3A_877 = arith.constant 0 : i32
      %dma_start3A_878 = arith.constant 0 : i32
      %dma_start3A_879 = tpu.memref_slice %arg4[%add3A_873, %dma_start3A_877, %dma_start3A_878] : memref<16384x50x64xf32, #tpu.memory_space<hbm>> -> memref<1x50x64xf32, #tpu.memory_space<hbm>>
      %dma_start3A_880 = tpu.memref_squeeze %dma_start3A_879 : memref<1x50x64xf32, #tpu.memory_space<hbm>> -> memref<50x64xf32, #tpu.memory_space<hbm>>
      %dma_start3A_881 = arith.constant 0 : i32
      %dma_start3A_882 = arith.constant 0 : i32
      %dma_start3A_883 = tpu.memref_slice %arg4[%add3A_873, %dma_start3A_881, %dma_start3A_882] : memref<16384x50x64xf32, #tpu.memory_space<hbm>> -> memref<1x50x64xf32, #tpu.memory_space<hbm>>
      %dma_start3A_884 = tpu.memref_squeeze %dma_start3A_883 : memref<1x50x64xf32, #tpu.memory_space<hbm>> -> memref<50x64xf32, #tpu.memory_space<hbm>>
      %dma_start3A_885 = arith.constant 250 : i32
      %dma_start3A_886 = arith.constant 0 : i32
      %dma_start3A_887 = tpu.memref_slice %arg7[%dma_start3A_885, %dma_start3A_886] : memref<400x64xf32, #tpu.memory_space<vmem>> -> memref<50x64xf32, #tpu.memory_space<vmem>>
      tpu.enqueue_dma source(%dma_start3A_887 : memref<50x64xf32, #tpu.memory_space<vmem>>) target(%dma_start3A_884 : memref<50x64xf32, #tpu.memory_space<hbm>>) target_semaphore(%arg15 : memref<!tpu.dma_semaphore, #tpu.memory_space<semaphore_mem>>)
      %mul3A_888 = arith.constant 8 : i32
      %mul3A_889 = arith.muli %add3A_761, %mul3A_888 : i32
      %add3A_890 = arith.addi %mul3A_4, %mul3A_889 : i32
      %add3A_891 = arith.constant 6 : i32
      %add3A_892 = arith.addi %add3A_890, %add3A_891 : i32
      %dma_start3A_893 = arith.constant 300 : i32
      %dma_start3A_894 = arith.constant 0 : i32
      %dma_start3A_895 = tpu.memref_slice %arg7[%dma_start3A_893, %dma_start3A_894] : memref<400x64xf32, #tpu.memory_space<vmem>> -> memref<50x64xf32, #tpu.memory_space<vmem>>
      %dma_start3A_896 = arith.constant 0 : i32
      %dma_start3A_897 = arith.constant 0 : i32
      %dma_start3A_898 = tpu.memref_slice %arg4[%add3A_892, %dma_start3A_896, %dma_start3A_897] : memref<16384x50x64xf32, #tpu.memory_space<hbm>> -> memref<1x50x64xf32, #tpu.memory_space<hbm>>
      %dma_start3A_899 = tpu.memref_squeeze %dma_start3A_898 : memref<1x50x64xf32, #tpu.memory_space<hbm>> -> memref<50x64xf32, #tpu.memory_space<hbm>>
      %dma_start3A_900 = arith.constant 0 : i32
      %dma_start3A_901 = arith.constant 0 : i32
      %dma_start3A_902 = tpu.memref_slice %arg4[%add3A_892, %dma_start3A_900, %dma_start3A_901] : memref<16384x50x64xf32, #tpu.memory_space<hbm>> -> memref<1x50x64xf32, #tpu.memory_space<hbm>>
      %dma_start3A_903 = tpu.memref_squeeze %dma_start3A_902 : memref<1x50x64xf32, #tpu.memory_space<hbm>> -> memref<50x64xf32, #tpu.memory_space<hbm>>
      %dma_start3A_904 = arith.constant 300 : i32
      %dma_start3A_905 = arith.constant 0 : i32
      %dma_start3A_906 = tpu.memref_slice %arg7[%dma_start3A_904, %dma_start3A_905] : memref<400x64xf32, #tpu.memory_space<vmem>> -> memref<50x64xf32, #tpu.memory_space<vmem>>
      tpu.enqueue_dma source(%dma_start3A_906 : memref<50x64xf32, #tpu.memory_space<vmem>>) target(%dma_start3A_903 : memref<50x64xf32, #tpu.memory_space<hbm>>) target_semaphore(%arg15 : memref<!tpu.dma_semaphore, #tpu.memory_space<semaphore_mem>>)
      %mul3A_907 = arith.constant 8 : i32
      %mul3A_908 = arith.muli %add3A_761, %mul3A_907 : i32
      %add3A_909 = arith.addi %mul3A_4, %mul3A_908 : i32
      %add3A_910 = arith.constant 7 : i32
      %add3A_911 = arith.addi %add3A_909, %add3A_910 : i32
      %dma_start3A_912 = arith.constant 350 : i32
      %dma_start3A_913 = arith.constant 0 : i32
      %dma_start3A_914 = tpu.memref_slice %arg7[%dma_start3A_912, %dma_start3A_913] : memref<400x64xf32, #tpu.memory_space<vmem>> -> memref<50x64xf32, #tpu.memory_space<vmem>>
      %dma_start3A_915 = arith.constant 0 : i32
      %dma_start3A_916 = arith.constant 0 : i32
      %dma_start3A_917 = tpu.memref_slice %arg4[%add3A_911, %dma_start3A_915, %dma_start3A_916] : memref<16384x50x64xf32, #tpu.memory_space<hbm>> -> memref<1x50x64xf32, #tpu.memory_space<hbm>>
      %dma_start3A_918 = tpu.memref_squeeze %dma_start3A_917 : memref<1x50x64xf32, #tpu.memory_space<hbm>> -> memref<50x64xf32, #tpu.memory_space<hbm>>
      %dma_start3A_919 = arith.constant 0 : i32
      %dma_start3A_920 = arith.constant 0 : i32
      %dma_start3A_921 = tpu.memref_slice %arg4[%add3A_911, %dma_start3A_919, %dma_start3A_920] : memref<16384x50x64xf32, #tpu.memory_space<hbm>> -> memref<1x50x64xf32, #tpu.memory_space<hbm>>
      %dma_start3A_922 = tpu.memref_squeeze %dma_start3A_921 : memref<1x50x64xf32, #tpu.memory_space<hbm>> -> memref<50x64xf32, #tpu.memory_space<hbm>>
      %dma_start3A_923 = arith.constant 350 : i32
      %dma_start3A_924 = arith.constant 0 : i32
      %dma_start3A_925 = tpu.memref_slice %arg7[%dma_start3A_923, %dma_start3A_924] : memref<400x64xf32, #tpu.memory_space<vmem>> -> memref<50x64xf32, #tpu.memory_space<vmem>>
      tpu.enqueue_dma source(%dma_start3A_925 : memref<50x64xf32, #tpu.memory_space<vmem>>) target(%dma_start3A_922 : memref<50x64xf32, #tpu.memory_space<hbm>>) target_semaphore(%arg15 : memref<!tpu.dma_semaphore, #tpu.memory_space<semaphore_mem>>)
      %mul3A_926 = arith.constant 4 : i32
      %mul3A_927 = arith.muli %add3A_592, %mul3A_926 : i32
      %add3A_928 = arith.constant 2 : i32
      %add3A_929 = arith.addi %mul3A_927, %add3A_928 : i32
      %add3A_930 = arith.constant 1 : i32
      %add3A_931 = arith.addi %add3A_929, %add3A_930 : i32
      %lt3A_932 = arith.constant 64 : i32
      %lt3A_933 = arith.cmpi slt, %add3A_931, %lt3A_932 : i32
      %convert_element_type3A_934 = arith.extui %lt3A_933 : i1 to i32
      %cond3A_935 = arith.constant 0 : i32
      %cond3A_936 = arith.cmpi ne, %convert_element_type3A_934, %cond3A_935 : i32
      scf.if %cond3A_936 {
        %ge3A = arith.constant 4 : i32
        %ge3A_1262 = arith.cmpi sge, %add3A_931, %ge3A : i32
        %convert_element_type3A_1263 = arith.extui %ge3A_1262 : i1 to i32
        %cond3A_1264 = arith.constant 0 : i32
        %cond3A_1265 = arith.cmpi ne, %convert_element_type3A_1263, %cond3A_1264 : i32
        scf.if %cond3A_1265 {
          %sub3A = arith.constant 4 : i32
          %sub3A_1272 = arith.subi %add3A_931, %sub3A : i32
          %mul3A_1273 = arith.constant 8 : i32
          %mul3A_1274 = arith.muli %sub3A_1272, %mul3A_1273 : i32
          %add3A_1275 = arith.addi %mul3A_4, %mul3A_1274 : i32
          %add3A_1276 = arith.constant 0 : i32
          %add3A_1277 = arith.addi %add3A_1275, %add3A_1276 : i32
          %dma_wait3A_1278 = arith.constant 0 : i32
          %dma_wait3A_1279 = arith.constant 0 : i32
          %dma_wait3A_1280 = tpu.memref_slice %arg9[%dma_wait3A_1278, %dma_wait3A_1279] : memref<400x64xf32, #tpu.memory_space<vmem>> -> memref<50x64xf32, #tpu.memory_space<vmem>>
          %dma_wait3A_1281 = arith.constant 0 : i32
          %dma_wait3A_1282 = arith.constant 0 : i32
          %dma_wait3A_1283 = tpu.memref_slice %arg4[%add3A_1277, %dma_wait3A_1281, %dma_wait3A_1282] : memref<16384x50x64xf32, #tpu.memory_space<hbm>> -> memref<1x50x64xf32, #tpu.memory_space<hbm>>
          %dma_wait3A_1284 = tpu.memref_squeeze %dma_wait3A_1283 : memref<1x50x64xf32, #tpu.memory_space<hbm>> -> memref<50x64xf32, #tpu.memory_space<hbm>>
          %dma_wait3A_1285 = arith.constant 0 : i32
          %dma_wait3A_1286 = arith.constant 0 : i32
          %dma_wait3A_1287 = tpu.memref_slice %arg4[%add3A_1277, %dma_wait3A_1285, %dma_wait3A_1286] : memref<16384x50x64xf32, #tpu.memory_space<hbm>> -> memref<1x50x64xf32, #tpu.memory_space<hbm>>
          %dma_wait3A_1288 = tpu.memref_squeeze %dma_wait3A_1287 : memref<1x50x64xf32, #tpu.memory_space<hbm>> -> memref<50x64xf32, #tpu.memory_space<hbm>>
          %dma_wait3A_1289 = arith.constant 0 : i32
          %dma_wait3A_1290 = arith.constant 0 : i32
          %dma_wait3A_1291 = tpu.memref_slice %arg9[%dma_wait3A_1289, %dma_wait3A_1290] : memref<400x64xf32, #tpu.memory_space<vmem>> -> memref<50x64xf32, #tpu.memory_space<vmem>>
          tpu.wait_dma2 semaphore(%arg17 : memref<!tpu.dma_semaphore, #tpu.memory_space<semaphore_mem>>) src(%dma_wait3A_1291 : memref<50x64xf32, #tpu.memory_space<vmem>>) dst(%dma_wait3A_1288 : memref<50x64xf32, #tpu.memory_space<hbm>>)
          %mul3A_1292 = arith.constant 8 : i32
          %mul3A_1293 = arith.muli %sub3A_1272, %mul3A_1292 : i32
          %add3A_1294 = arith.addi %mul3A_4, %mul3A_1293 : i32
          %add3A_1295 = arith.constant 1 : i32
          %add3A_1296 = arith.addi %add3A_1294, %add3A_1295 : i32
          %dma_wait3A_1297 = arith.constant 50 : i32
          %dma_wait3A_1298 = arith.constant 0 : i32
          %dma_wait3A_1299 = tpu.memref_slice %arg9[%dma_wait3A_1297, %dma_wait3A_1298] : memref<400x64xf32, #tpu.memory_space<vmem>> -> memref<50x64xf32, #tpu.memory_space<vmem>>
          %dma_wait3A_1300 = arith.constant 0 : i32
          %dma_wait3A_1301 = arith.constant 0 : i32
          %dma_wait3A_1302 = tpu.memref_slice %arg4[%add3A_1296, %dma_wait3A_1300, %dma_wait3A_1301] : memref<16384x50x64xf32, #tpu.memory_space<hbm>> -> memref<1x50x64xf32, #tpu.memory_space<hbm>>
          %dma_wait3A_1303 = tpu.memref_squeeze %dma_wait3A_1302 : memref<1x50x64xf32, #tpu.memory_space<hbm>> -> memref<50x64xf32, #tpu.memory_space<hbm>>
          %dma_wait3A_1304 = arith.constant 0 : i32
          %dma_wait3A_1305 = arith.constant 0 : i32
          %dma_wait3A_1306 = tpu.memref_slice %arg4[%add3A_1296, %dma_wait3A_1304, %dma_wait3A_1305] : memref<16384x50x64xf32, #tpu.memory_space<hbm>> -> memref<1x50x64xf32, #tpu.memory_space<hbm>>
          %dma_wait3A_1307 = tpu.memref_squeeze %dma_wait3A_1306 : memref<1x50x64xf32, #tpu.memory_space<hbm>> -> memref<50x64xf32, #tpu.memory_space<hbm>>
          %dma_wait3A_1308 = arith.constant 50 : i32
          %dma_wait3A_1309 = arith.constant 0 : i32
          %dma_wait3A_1310 = tpu.memref_slice %arg9[%dma_wait3A_1308, %dma_wait3A_1309] : memref<400x64xf32, #tpu.memory_space<vmem>> -> memref<50x64xf32, #tpu.memory_space<vmem>>
          tpu.wait_dma2 semaphore(%arg17 : memref<!tpu.dma_semaphore, #tpu.memory_space<semaphore_mem>>) src(%dma_wait3A_1310 : memref<50x64xf32, #tpu.memory_space<vmem>>) dst(%dma_wait3A_1307 : memref<50x64xf32, #tpu.memory_space<hbm>>)
          %mul3A_1311 = arith.constant 8 : i32
          %mul3A_1312 = arith.muli %sub3A_1272, %mul3A_1311 : i32
          %add3A_1313 = arith.addi %mul3A_4, %mul3A_1312 : i32
          %add3A_1314 = arith.constant 2 : i32
          %add3A_1315 = arith.addi %add3A_1313, %add3A_1314 : i32
          %dma_wait3A_1316 = arith.constant 100 : i32
          %dma_wait3A_1317 = arith.constant 0 : i32
          %dma_wait3A_1318 = tpu.memref_slice %arg9[%dma_wait3A_1316, %dma_wait3A_1317] : memref<400x64xf32, #tpu.memory_space<vmem>> -> memref<50x64xf32, #tpu.memory_space<vmem>>
          %dma_wait3A_1319 = arith.constant 0 : i32
          %dma_wait3A_1320 = arith.constant 0 : i32
          %dma_wait3A_1321 = tpu.memref_slice %arg4[%add3A_1315, %dma_wait3A_1319, %dma_wait3A_1320] : memref<16384x50x64xf32, #tpu.memory_space<hbm>> -> memref<1x50x64xf32, #tpu.memory_space<hbm>>
          %dma_wait3A_1322 = tpu.memref_squeeze %dma_wait3A_1321 : memref<1x50x64xf32, #tpu.memory_space<hbm>> -> memref<50x64xf32, #tpu.memory_space<hbm>>
          %dma_wait3A_1323 = arith.constant 0 : i32
          %dma_wait3A_1324 = arith.constant 0 : i32
          %dma_wait3A_1325 = tpu.memref_slice %arg4[%add3A_1315, %dma_wait3A_1323, %dma_wait3A_1324] : memref<16384x50x64xf32, #tpu.memory_space<hbm>> -> memref<1x50x64xf32, #tpu.memory_space<hbm>>
          %dma_wait3A_1326 = tpu.memref_squeeze %dma_wait3A_1325 : memref<1x50x64xf32, #tpu.memory_space<hbm>> -> memref<50x64xf32, #tpu.memory_space<hbm>>
          %dma_wait3A_1327 = arith.constant 100 : i32
          %dma_wait3A_1328 = arith.constant 0 : i32
          %dma_wait3A_1329 = tpu.memref_slice %arg9[%dma_wait3A_1327, %dma_wait3A_1328] : memref<400x64xf32, #tpu.memory_space<vmem>> -> memref<50x64xf32, #tpu.memory_space<vmem>>
          tpu.wait_dma2 semaphore(%arg17 : memref<!tpu.dma_semaphore, #tpu.memory_space<semaphore_mem>>) src(%dma_wait3A_1329 : memref<50x64xf32, #tpu.memory_space<vmem>>) dst(%dma_wait3A_1326 : memref<50x64xf32, #tpu.memory_space<hbm>>)
          %mul3A_1330 = arith.constant 8 : i32
          %mul3A_1331 = arith.muli %sub3A_1272, %mul3A_1330 : i32
          %add3A_1332 = arith.addi %mul3A_4, %mul3A_1331 : i32
          %add3A_1333 = arith.constant 3 : i32
          %add3A_1334 = arith.addi %add3A_1332, %add3A_1333 : i32
          %dma_wait3A_1335 = arith.constant 150 : i32
          %dma_wait3A_1336 = arith.constant 0 : i32
          %dma_wait3A_1337 = tpu.memref_slice %arg9[%dma_wait3A_1335, %dma_wait3A_1336] : memref<400x64xf32, #tpu.memory_space<vmem>> -> memref<50x64xf32, #tpu.memory_space<vmem>>
          %dma_wait3A_1338 = arith.constant 0 : i32
          %dma_wait3A_1339 = arith.constant 0 : i32
          %dma_wait3A_1340 = tpu.memref_slice %arg4[%add3A_1334, %dma_wait3A_1338, %dma_wait3A_1339] : memref<16384x50x64xf32, #tpu.memory_space<hbm>> -> memref<1x50x64xf32, #tpu.memory_space<hbm>>
          %dma_wait3A_1341 = tpu.memref_squeeze %dma_wait3A_1340 : memref<1x50x64xf32, #tpu.memory_space<hbm>> -> memref<50x64xf32, #tpu.memory_space<hbm>>
          %dma_wait3A_1342 = arith.constant 0 : i32
          %dma_wait3A_1343 = arith.constant 0 : i32
          %dma_wait3A_1344 = tpu.memref_slice %arg4[%add3A_1334, %dma_wait3A_1342, %dma_wait3A_1343] : memref<16384x50x64xf32, #tpu.memory_space<hbm>> -> memref<1x50x64xf32, #tpu.memory_space<hbm>>
          %dma_wait3A_1345 = tpu.memref_squeeze %dma_wait3A_1344 : memref<1x50x64xf32, #tpu.memory_space<hbm>> -> memref<50x64xf32, #tpu.memory_space<hbm>>
          %dma_wait3A_1346 = arith.constant 150 : i32
          %dma_wait3A_1347 = arith.constant 0 : i32
          %dma_wait3A_1348 = tpu.memref_slice %arg9[%dma_wait3A_1346, %dma_wait3A_1347] : memref<400x64xf32, #tpu.memory_space<vmem>> -> memref<50x64xf32, #tpu.memory_space<vmem>>
          tpu.wait_dma2 semaphore(%arg17 : memref<!tpu.dma_semaphore, #tpu.memory_space<semaphore_mem>>) src(%dma_wait3A_1348 : memref<50x64xf32, #tpu.memory_space<vmem>>) dst(%dma_wait3A_1345 : memref<50x64xf32, #tpu.memory_space<hbm>>)
          %mul3A_1349 = arith.constant 8 : i32
          %mul3A_1350 = arith.muli %sub3A_1272, %mul3A_1349 : i32
          %add3A_1351 = arith.addi %mul3A_4, %mul3A_1350 : i32
          %add3A_1352 = arith.constant 4 : i32
          %add3A_1353 = arith.addi %add3A_1351, %add3A_1352 : i32
          %dma_wait3A_1354 = arith.constant 200 : i32
          %dma_wait3A_1355 = arith.constant 0 : i32
          %dma_wait3A_1356 = tpu.memref_slice %arg9[%dma_wait3A_1354, %dma_wait3A_1355] : memref<400x64xf32, #tpu.memory_space<vmem>> -> memref<50x64xf32, #tpu.memory_space<vmem>>
          %dma_wait3A_1357 = arith.constant 0 : i32
          %dma_wait3A_1358 = arith.constant 0 : i32
          %dma_wait3A_1359 = tpu.memref_slice %arg4[%add3A_1353, %dma_wait3A_1357, %dma_wait3A_1358] : memref<16384x50x64xf32, #tpu.memory_space<hbm>> -> memref<1x50x64xf32, #tpu.memory_space<hbm>>
          %dma_wait3A_1360 = tpu.memref_squeeze %dma_wait3A_1359 : memref<1x50x64xf32, #tpu.memory_space<hbm>> -> memref<50x64xf32, #tpu.memory_space<hbm>>
          %dma_wait3A_1361 = arith.constant 0 : i32
          %dma_wait3A_1362 = arith.constant 0 : i32
          %dma_wait3A_1363 = tpu.memref_slice %arg4[%add3A_1353, %dma_wait3A_1361, %dma_wait3A_1362] : memref<16384x50x64xf32, #tpu.memory_space<hbm>> -> memref<1x50x64xf32, #tpu.memory_space<hbm>>
          %dma_wait3A_1364 = tpu.memref_squeeze %dma_wait3A_1363 : memref<1x50x64xf32, #tpu.memory_space<hbm>> -> memref<50x64xf32, #tpu.memory_space<hbm>>
          %dma_wait3A_1365 = arith.constant 200 : i32
          %dma_wait3A_1366 = arith.constant 0 : i32
          %dma_wait3A_1367 = tpu.memref_slice %arg9[%dma_wait3A_1365, %dma_wait3A_1366] : memref<400x64xf32, #tpu.memory_space<vmem>> -> memref<50x64xf32, #tpu.memory_space<vmem>>
          tpu.wait_dma2 semaphore(%arg17 : memref<!tpu.dma_semaphore, #tpu.memory_space<semaphore_mem>>) src(%dma_wait3A_1367 : memref<50x64xf32, #tpu.memory_space<vmem>>) dst(%dma_wait3A_1364 : memref<50x64xf32, #tpu.memory_space<hbm>>)
          %mul3A_1368 = arith.constant 8 : i32
          %mul3A_1369 = arith.muli %sub3A_1272, %mul3A_1368 : i32
          %add3A_1370 = arith.addi %mul3A_4, %mul3A_1369 : i32
          %add3A_1371 = arith.constant 5 : i32
          %add3A_1372 = arith.addi %add3A_1370, %add3A_1371 : i32
          %dma_wait3A_1373 = arith.constant 250 : i32
          %dma_wait3A_1374 = arith.constant 0 : i32
          %dma_wait3A_1375 = tpu.memref_slice %arg9[%dma_wait3A_1373, %dma_wait3A_1374] : memref<400x64xf32, #tpu.memory_space<vmem>> -> memref<50x64xf32, #tpu.memory_space<vmem>>
          %dma_wait3A_1376 = arith.constant 0 : i32
          %dma_wait3A_1377 = arith.constant 0 : i32
          %dma_wait3A_1378 = tpu.memref_slice %arg4[%add3A_1372, %dma_wait3A_1376, %dma_wait3A_1377] : memref<16384x50x64xf32, #tpu.memory_space<hbm>> -> memref<1x50x64xf32, #tpu.memory_space<hbm>>
          %dma_wait3A_1379 = tpu.memref_squeeze %dma_wait3A_1378 : memref<1x50x64xf32, #tpu.memory_space<hbm>> -> memref<50x64xf32, #tpu.memory_space<hbm>>
          %dma_wait3A_1380 = arith.constant 0 : i32
          %dma_wait3A_1381 = arith.constant 0 : i32
          %dma_wait3A_1382 = tpu.memref_slice %arg4[%add3A_1372, %dma_wait3A_1380, %dma_wait3A_1381] : memref<16384x50x64xf32, #tpu.memory_space<hbm>> -> memref<1x50x64xf32, #tpu.memory_space<hbm>>
          %dma_wait3A_1383 = tpu.memref_squeeze %dma_wait3A_1382 : memref<1x50x64xf32, #tpu.memory_space<hbm>> -> memref<50x64xf32, #tpu.memory_space<hbm>>
          %dma_wait3A_1384 = arith.constant 250 : i32
          %dma_wait3A_1385 = arith.constant 0 : i32
          %dma_wait3A_1386 = tpu.memref_slice %arg9[%dma_wait3A_1384, %dma_wait3A_1385] : memref<400x64xf32, #tpu.memory_space<vmem>> -> memref<50x64xf32, #tpu.memory_space<vmem>>
          tpu.wait_dma2 semaphore(%arg17 : memref<!tpu.dma_semaphore, #tpu.memory_space<semaphore_mem>>) src(%dma_wait3A_1386 : memref<50x64xf32, #tpu.memory_space<vmem>>) dst(%dma_wait3A_1383 : memref<50x64xf32, #tpu.memory_space<hbm>>)
          %mul3A_1387 = arith.constant 8 : i32
          %mul3A_1388 = arith.muli %sub3A_1272, %mul3A_1387 : i32
          %add3A_1389 = arith.addi %mul3A_4, %mul3A_1388 : i32
          %add3A_1390 = arith.constant 6 : i32
          %add3A_1391 = arith.addi %add3A_1389, %add3A_1390 : i32
          %dma_wait3A_1392 = arith.constant 300 : i32
          %dma_wait3A_1393 = arith.constant 0 : i32
          %dma_wait3A_1394 = tpu.memref_slice %arg9[%dma_wait3A_1392, %dma_wait3A_1393] : memref<400x64xf32, #tpu.memory_space<vmem>> -> memref<50x64xf32, #tpu.memory_space<vmem>>
          %dma_wait3A_1395 = arith.constant 0 : i32
          %dma_wait3A_1396 = arith.constant 0 : i32
          %dma_wait3A_1397 = tpu.memref_slice %arg4[%add3A_1391, %dma_wait3A_1395, %dma_wait3A_1396] : memref<16384x50x64xf32, #tpu.memory_space<hbm>> -> memref<1x50x64xf32, #tpu.memory_space<hbm>>
          %dma_wait3A_1398 = tpu.memref_squeeze %dma_wait3A_1397 : memref<1x50x64xf32, #tpu.memory_space<hbm>> -> memref<50x64xf32, #tpu.memory_space<hbm>>
          %dma_wait3A_1399 = arith.constant 0 : i32
          %dma_wait3A_1400 = arith.constant 0 : i32
          %dma_wait3A_1401 = tpu.memref_slice %arg4[%add3A_1391, %dma_wait3A_1399, %dma_wait3A_1400] : memref<16384x50x64xf32, #tpu.memory_space<hbm>> -> memref<1x50x64xf32, #tpu.memory_space<hbm>>
          %dma_wait3A_1402 = tpu.memref_squeeze %dma_wait3A_1401 : memref<1x50x64xf32, #tpu.memory_space<hbm>> -> memref<50x64xf32, #tpu.memory_space<hbm>>
          %dma_wait3A_1403 = arith.constant 300 : i32
          %dma_wait3A_1404 = arith.constant 0 : i32
          %dma_wait3A_1405 = tpu.memref_slice %arg9[%dma_wait3A_1403, %dma_wait3A_1404] : memref<400x64xf32, #tpu.memory_space<vmem>> -> memref<50x64xf32, #tpu.memory_space<vmem>>
          tpu.wait_dma2 semaphore(%arg17 : memref<!tpu.dma_semaphore, #tpu.memory_space<semaphore_mem>>) src(%dma_wait3A_1405 : memref<50x64xf32, #tpu.memory_space<vmem>>) dst(%dma_wait3A_1402 : memref<50x64xf32, #tpu.memory_space<hbm>>)
          %mul3A_1406 = arith.constant 8 : i32
          %mul3A_1407 = arith.muli %sub3A_1272, %mul3A_1406 : i32
          %add3A_1408 = arith.addi %mul3A_4, %mul3A_1407 : i32
          %add3A_1409 = arith.constant 7 : i32
          %add3A_1410 = arith.addi %add3A_1408, %add3A_1409 : i32
          %dma_wait3A_1411 = arith.constant 350 : i32
          %dma_wait3A_1412 = arith.constant 0 : i32
          %dma_wait3A_1413 = tpu.memref_slice %arg9[%dma_wait3A_1411, %dma_wait3A_1412] : memref<400x64xf32, #tpu.memory_space<vmem>> -> memref<50x64xf32, #tpu.memory_space<vmem>>
          %dma_wait3A_1414 = arith.constant 0 : i32
          %dma_wait3A_1415 = arith.constant 0 : i32
          %dma_wait3A_1416 = tpu.memref_slice %arg4[%add3A_1410, %dma_wait3A_1414, %dma_wait3A_1415] : memref<16384x50x64xf32, #tpu.memory_space<hbm>> -> memref<1x50x64xf32, #tpu.memory_space<hbm>>
          %dma_wait3A_1417 = tpu.memref_squeeze %dma_wait3A_1416 : memref<1x50x64xf32, #tpu.memory_space<hbm>> -> memref<50x64xf32, #tpu.memory_space<hbm>>
          %dma_wait3A_1418 = arith.constant 0 : i32
          %dma_wait3A_1419 = arith.constant 0 : i32
          %dma_wait3A_1420 = tpu.memref_slice %arg4[%add3A_1410, %dma_wait3A_1418, %dma_wait3A_1419] : memref<16384x50x64xf32, #tpu.memory_space<hbm>> -> memref<1x50x64xf32, #tpu.memory_space<hbm>>
          %dma_wait3A_1421 = tpu.memref_squeeze %dma_wait3A_1420 : memref<1x50x64xf32, #tpu.memory_space<hbm>> -> memref<50x64xf32, #tpu.memory_space<hbm>>
          %dma_wait3A_1422 = arith.constant 350 : i32
          %dma_wait3A_1423 = arith.constant 0 : i32
          %dma_wait3A_1424 = tpu.memref_slice %arg9[%dma_wait3A_1422, %dma_wait3A_1423] : memref<400x64xf32, #tpu.memory_space<vmem>> -> memref<50x64xf32, #tpu.memory_space<vmem>>
          tpu.wait_dma2 semaphore(%arg17 : memref<!tpu.dma_semaphore, #tpu.memory_space<semaphore_mem>>) src(%dma_wait3A_1424 : memref<50x64xf32, #tpu.memory_space<vmem>>) dst(%dma_wait3A_1421 : memref<50x64xf32, #tpu.memory_space<hbm>>)
        } else {
        }
        %mul3A_1266 = arith.constant 400 : i32
        %mul3A_1267 = arith.muli %add3A_931, %mul3A_1266 : i32
        %dma_start3A_1268 = tpu.memref_slice %arg5[%mul3A_1267] : memref<25600xi32, #tpu.memory_space<vmem>> -> memref<400xi32, #tpu.memory_space<vmem>>
        %dma_start3A_1269 = arith.constant 0 : i32
        %dma_start3A_1270 = arith.constant 0 : i32
        %dma_start3A_1271 = tpu.memref_slice %arg3[%dma_start3A_1269, %dma_start3A_1270] : memref<1000000x64xf32, #tpu.memory_space<hbm>> -> memref<1000000x64xf32, #tpu.memory_space<hbm>>
        tpu.enqueue_indirect_dma source(%dma_start3A_1271 : memref<1000000x64xf32, #tpu.memory_space<hbm>>) target(%arg9 : memref<400x64xf32, #tpu.memory_space<vmem>>) offsets(%dma_start3A_1268 : memref<400xi32, #tpu.memory_space<vmem>>) semaphore(%arg13 : memref<!tpu.dma_semaphore, #tpu.memory_space<semaphore_mem>>)
      } else {
      }
      %dma_wait3A_937 = arith.constant 0 : i32
      %dma_wait3A_938 = tpu.memref_slice %arg5[%dma_wait3A_937] : memref<25600xi32, #tpu.memory_space<vmem>> -> memref<400xi32, #tpu.memory_space<vmem>>
      %dma_wait3A_939 = arith.constant 0 : i32
      %dma_wait3A_940 = arith.constant 0 : i32
      %dma_wait3A_941 = tpu.memref_slice %arg3[%dma_wait3A_939, %dma_wait3A_940] : memref<1000000x64xf32, #tpu.memory_space<hbm>> -> memref<1000000x64xf32, #tpu.memory_space<hbm>>
      tpu.wait_indirect_dma semaphore(%arg12 : memref<!tpu.dma_semaphore, #tpu.memory_space<semaphore_mem>>) src(%dma_wait3A_941 : memref<1000000x64xf32, #tpu.memory_space<hbm>>) dst(%arg8 : memref<400x64xf32, #tpu.memory_space<vmem>>)
      %mul3A_942 = arith.constant 8 : i32
      %mul3A_943 = arith.muli %add3A_929, %mul3A_942 : i32
      %add3A_944 = arith.addi %mul3A_4, %mul3A_943 : i32
      %add3A_945 = arith.constant 0 : i32
      %add3A_946 = arith.addi %add3A_944, %add3A_945 : i32
      %dma_start3A_947 = arith.constant 0 : i32
      %dma_start3A_948 = arith.constant 0 : i32
      %dma_start3A_949 = tpu.memref_slice %arg8[%dma_start3A_947, %dma_start3A_948] : memref<400x64xf32, #tpu.memory_space<vmem>> -> memref<50x64xf32, #tpu.memory_space<vmem>>
      %dma_start3A_950 = arith.constant 0 : i32
      %dma_start3A_951 = arith.constant 0 : i32
      %dma_start3A_952 = tpu.memref_slice %arg4[%add3A_946, %dma_start3A_950, %dma_start3A_951] : memref<16384x50x64xf32, #tpu.memory_space<hbm>> -> memref<1x50x64xf32, #tpu.memory_space<hbm>>
      %dma_start3A_953 = tpu.memref_squeeze %dma_start3A_952 : memref<1x50x64xf32, #tpu.memory_space<hbm>> -> memref<50x64xf32, #tpu.memory_space<hbm>>
      %dma_start3A_954 = arith.constant 0 : i32
      %dma_start3A_955 = arith.constant 0 : i32
      %dma_start3A_956 = tpu.memref_slice %arg4[%add3A_946, %dma_start3A_954, %dma_start3A_955] : memref<16384x50x64xf32, #tpu.memory_space<hbm>> -> memref<1x50x64xf32, #tpu.memory_space<hbm>>
      %dma_start3A_957 = tpu.memref_squeeze %dma_start3A_956 : memref<1x50x64xf32, #tpu.memory_space<hbm>> -> memref<50x64xf32, #tpu.memory_space<hbm>>
      %dma_start3A_958 = arith.constant 0 : i32
      %dma_start3A_959 = arith.constant 0 : i32
      %dma_start3A_960 = tpu.memref_slice %arg8[%dma_start3A_958, %dma_start3A_959] : memref<400x64xf32, #tpu.memory_space<vmem>> -> memref<50x64xf32, #tpu.memory_space<vmem>>
      tpu.enqueue_dma source(%dma_start3A_960 : memref<50x64xf32, #tpu.memory_space<vmem>>) target(%dma_start3A_957 : memref<50x64xf32, #tpu.memory_space<hbm>>) target_semaphore(%arg16 : memref<!tpu.dma_semaphore, #tpu.memory_space<semaphore_mem>>)
      %mul3A_961 = arith.constant 8 : i32
      %mul3A_962 = arith.muli %add3A_929, %mul3A_961 : i32
      %add3A_963 = arith.addi %mul3A_4, %mul3A_962 : i32
      %add3A_964 = arith.constant 1 : i32
      %add3A_965 = arith.addi %add3A_963, %add3A_964 : i32
      %dma_start3A_966 = arith.constant 50 : i32
      %dma_start3A_967 = arith.constant 0 : i32
      %dma_start3A_968 = tpu.memref_slice %arg8[%dma_start3A_966, %dma_start3A_967] : memref<400x64xf32, #tpu.memory_space<vmem>> -> memref<50x64xf32, #tpu.memory_space<vmem>>
      %dma_start3A_969 = arith.constant 0 : i32
      %dma_start3A_970 = arith.constant 0 : i32
      %dma_start3A_971 = tpu.memref_slice %arg4[%add3A_965, %dma_start3A_969, %dma_start3A_970] : memref<16384x50x64xf32, #tpu.memory_space<hbm>> -> memref<1x50x64xf32, #tpu.memory_space<hbm>>
      %dma_start3A_972 = tpu.memref_squeeze %dma_start3A_971 : memref<1x50x64xf32, #tpu.memory_space<hbm>> -> memref<50x64xf32, #tpu.memory_space<hbm>>
      %dma_start3A_973 = arith.constant 0 : i32
      %dma_start3A_974 = arith.constant 0 : i32
      %dma_start3A_975 = tpu.memref_slice %arg4[%add3A_965, %dma_start3A_973, %dma_start3A_974] : memref<16384x50x64xf32, #tpu.memory_space<hbm>> -> memref<1x50x64xf32, #tpu.memory_space<hbm>>
      %dma_start3A_976 = tpu.memref_squeeze %dma_start3A_975 : memref<1x50x64xf32, #tpu.memory_space<hbm>> -> memref<50x64xf32, #tpu.memory_space<hbm>>
      %dma_start3A_977 = arith.constant 50 : i32
      %dma_start3A_978 = arith.constant 0 : i32
      %dma_start3A_979 = tpu.memref_slice %arg8[%dma_start3A_977, %dma_start3A_978] : memref<400x64xf32, #tpu.memory_space<vmem>> -> memref<50x64xf32, #tpu.memory_space<vmem>>
      tpu.enqueue_dma source(%dma_start3A_979 : memref<50x64xf32, #tpu.memory_space<vmem>>) target(%dma_start3A_976 : memref<50x64xf32, #tpu.memory_space<hbm>>) target_semaphore(%arg16 : memref<!tpu.dma_semaphore, #tpu.memory_space<semaphore_mem>>)
      %mul3A_980 = arith.constant 8 : i32
      %mul3A_981 = arith.muli %add3A_929, %mul3A_980 : i32
      %add3A_982 = arith.addi %mul3A_4, %mul3A_981 : i32
      %add3A_983 = arith.constant 2 : i32
      %add3A_984 = arith.addi %add3A_982, %add3A_983 : i32
      %dma_start3A_985 = arith.constant 100 : i32
      %dma_start3A_986 = arith.constant 0 : i32
      %dma_start3A_987 = tpu.memref_slice %arg8[%dma_start3A_985, %dma_start3A_986] : memref<400x64xf32, #tpu.memory_space<vmem>> -> memref<50x64xf32, #tpu.memory_space<vmem>>
      %dma_start3A_988 = arith.constant 0 : i32
      %dma_start3A_989 = arith.constant 0 : i32
      %dma_start3A_990 = tpu.memref_slice %arg4[%add3A_984, %dma_start3A_988, %dma_start3A_989] : memref<16384x50x64xf32, #tpu.memory_space<hbm>> -> memref<1x50x64xf32, #tpu.memory_space<hbm>>
      %dma_start3A_991 = tpu.memref_squeeze %dma_start3A_990 : memref<1x50x64xf32, #tpu.memory_space<hbm>> -> memref<50x64xf32, #tpu.memory_space<hbm>>
      %dma_start3A_992 = arith.constant 0 : i32
      %dma_start3A_993 = arith.constant 0 : i32
      %dma_start3A_994 = tpu.memref_slice %arg4[%add3A_984, %dma_start3A_992, %dma_start3A_993] : memref<16384x50x64xf32, #tpu.memory_space<hbm>> -> memref<1x50x64xf32, #tpu.memory_space<hbm>>
      %dma_start3A_995 = tpu.memref_squeeze %dma_start3A_994 : memref<1x50x64xf32, #tpu.memory_space<hbm>> -> memref<50x64xf32, #tpu.memory_space<hbm>>
      %dma_start3A_996 = arith.constant 100 : i32
      %dma_start3A_997 = arith.constant 0 : i32
      %dma_start3A_998 = tpu.memref_slice %arg8[%dma_start3A_996, %dma_start3A_997] : memref<400x64xf32, #tpu.memory_space<vmem>> -> memref<50x64xf32, #tpu.memory_space<vmem>>
      tpu.enqueue_dma source(%dma_start3A_998 : memref<50x64xf32, #tpu.memory_space<vmem>>) target(%dma_start3A_995 : memref<50x64xf32, #tpu.memory_space<hbm>>) target_semaphore(%arg16 : memref<!tpu.dma_semaphore, #tpu.memory_space<semaphore_mem>>)
      %mul3A_999 = arith.constant 8 : i32
      %mul3A_1000 = arith.muli %add3A_929, %mul3A_999 : i32
      %add3A_1001 = arith.addi %mul3A_4, %mul3A_1000 : i32
      %add3A_1002 = arith.constant 3 : i32
      %add3A_1003 = arith.addi %add3A_1001, %add3A_1002 : i32
      %dma_start3A_1004 = arith.constant 150 : i32
      %dma_start3A_1005 = arith.constant 0 : i32
      %dma_start3A_1006 = tpu.memref_slice %arg8[%dma_start3A_1004, %dma_start3A_1005] : memref<400x64xf32, #tpu.memory_space<vmem>> -> memref<50x64xf32, #tpu.memory_space<vmem>>
      %dma_start3A_1007 = arith.constant 0 : i32
      %dma_start3A_1008 = arith.constant 0 : i32
      %dma_start3A_1009 = tpu.memref_slice %arg4[%add3A_1003, %dma_start3A_1007, %dma_start3A_1008] : memref<16384x50x64xf32, #tpu.memory_space<hbm>> -> memref<1x50x64xf32, #tpu.memory_space<hbm>>
      %dma_start3A_1010 = tpu.memref_squeeze %dma_start3A_1009 : memref<1x50x64xf32, #tpu.memory_space<hbm>> -> memref<50x64xf32, #tpu.memory_space<hbm>>
      %dma_start3A_1011 = arith.constant 0 : i32
      %dma_start3A_1012 = arith.constant 0 : i32
      %dma_start3A_1013 = tpu.memref_slice %arg4[%add3A_1003, %dma_start3A_1011, %dma_start3A_1012] : memref<16384x50x64xf32, #tpu.memory_space<hbm>> -> memref<1x50x64xf32, #tpu.memory_space<hbm>>
      %dma_start3A_1014 = tpu.memref_squeeze %dma_start3A_1013 : memref<1x50x64xf32, #tpu.memory_space<hbm>> -> memref<50x64xf32, #tpu.memory_space<hbm>>
      %dma_start3A_1015 = arith.constant 150 : i32
      %dma_start3A_1016 = arith.constant 0 : i32
      %dma_start3A_1017 = tpu.memref_slice %arg8[%dma_start3A_1015, %dma_start3A_1016] : memref<400x64xf32, #tpu.memory_space<vmem>> -> memref<50x64xf32, #tpu.memory_space<vmem>>
      tpu.enqueue_dma source(%dma_start3A_1017 : memref<50x64xf32, #tpu.memory_space<vmem>>) target(%dma_start3A_1014 : memref<50x64xf32, #tpu.memory_space<hbm>>) target_semaphore(%arg16 : memref<!tpu.dma_semaphore, #tpu.memory_space<semaphore_mem>>)
      %mul3A_1018 = arith.constant 8 : i32
      %mul3A_1019 = arith.muli %add3A_929, %mul3A_1018 : i32
      %add3A_1020 = arith.addi %mul3A_4, %mul3A_1019 : i32
      %add3A_1021 = arith.constant 4 : i32
      %add3A_1022 = arith.addi %add3A_1020, %add3A_1021 : i32
      %dma_start3A_1023 = arith.constant 200 : i32
      %dma_start3A_1024 = arith.constant 0 : i32
      %dma_start3A_1025 = tpu.memref_slice %arg8[%dma_start3A_1023, %dma_start3A_1024] : memref<400x64xf32, #tpu.memory_space<vmem>> -> memref<50x64xf32, #tpu.memory_space<vmem>>
      %dma_start3A_1026 = arith.constant 0 : i32
      %dma_start3A_1027 = arith.constant 0 : i32
      %dma_start3A_1028 = tpu.memref_slice %arg4[%add3A_1022, %dma_start3A_1026, %dma_start3A_1027] : memref<16384x50x64xf32, #tpu.memory_space<hbm>> -> memref<1x50x64xf32, #tpu.memory_space<hbm>>
      %dma_start3A_1029 = tpu.memref_squeeze %dma_start3A_1028 : memref<1x50x64xf32, #tpu.memory_space<hbm>> -> memref<50x64xf32, #tpu.memory_space<hbm>>
      %dma_start3A_1030 = arith.constant 0 : i32
      %dma_start3A_1031 = arith.constant 0 : i32
      %dma_start3A_1032 = tpu.memref_slice %arg4[%add3A_1022, %dma_start3A_1030, %dma_start3A_1031] : memref<16384x50x64xf32, #tpu.memory_space<hbm>> -> memref<1x50x64xf32, #tpu.memory_space<hbm>>
      %dma_start3A_1033 = tpu.memref_squeeze %dma_start3A_1032 : memref<1x50x64xf32, #tpu.memory_space<hbm>> -> memref<50x64xf32, #tpu.memory_space<hbm>>
      %dma_start3A_1034 = arith.constant 200 : i32
      %dma_start3A_1035 = arith.constant 0 : i32
      %dma_start3A_1036 = tpu.memref_slice %arg8[%dma_start3A_1034, %dma_start3A_1035] : memref<400x64xf32, #tpu.memory_space<vmem>> -> memref<50x64xf32, #tpu.memory_space<vmem>>
      tpu.enqueue_dma source(%dma_start3A_1036 : memref<50x64xf32, #tpu.memory_space<vmem>>) target(%dma_start3A_1033 : memref<50x64xf32, #tpu.memory_space<hbm>>) target_semaphore(%arg16 : memref<!tpu.dma_semaphore, #tpu.memory_space<semaphore_mem>>)
      %mul3A_1037 = arith.constant 8 : i32
      %mul3A_1038 = arith.muli %add3A_929, %mul3A_1037 : i32
      %add3A_1039 = arith.addi %mul3A_4, %mul3A_1038 : i32
      %add3A_1040 = arith.constant 5 : i32
      %add3A_1041 = arith.addi %add3A_1039, %add3A_1040 : i32
      %dma_start3A_1042 = arith.constant 250 : i32
      %dma_start3A_1043 = arith.constant 0 : i32
      %dma_start3A_1044 = tpu.memref_slice %arg8[%dma_start3A_1042, %dma_start3A_1043] : memref<400x64xf32, #tpu.memory_space<vmem>> -> memref<50x64xf32, #tpu.memory_space<vmem>>
      %dma_start3A_1045 = arith.constant 0 : i32
      %dma_start3A_1046 = arith.constant 0 : i32
      %dma_start3A_1047 = tpu.memref_slice %arg4[%add3A_1041, %dma_start3A_1045, %dma_start3A_1046] : memref<16384x50x64xf32, #tpu.memory_space<hbm>> -> memref<1x50x64xf32, #tpu.memory_space<hbm>>
      %dma_start3A_1048 = tpu.memref_squeeze %dma_start3A_1047 : memref<1x50x64xf32, #tpu.memory_space<hbm>> -> memref<50x64xf32, #tpu.memory_space<hbm>>
      %dma_start3A_1049 = arith.constant 0 : i32
      %dma_start3A_1050 = arith.constant 0 : i32
      %dma_start3A_1051 = tpu.memref_slice %arg4[%add3A_1041, %dma_start3A_1049, %dma_start3A_1050] : memref<16384x50x64xf32, #tpu.memory_space<hbm>> -> memref<1x50x64xf32, #tpu.memory_space<hbm>>
      %dma_start3A_1052 = tpu.memref_squeeze %dma_start3A_1051 : memref<1x50x64xf32, #tpu.memory_space<hbm>> -> memref<50x64xf32, #tpu.memory_space<hbm>>
      %dma_start3A_1053 = arith.constant 250 : i32
      %dma_start3A_1054 = arith.constant 0 : i32
      %dma_start3A_1055 = tpu.memref_slice %arg8[%dma_start3A_1053, %dma_start3A_1054] : memref<400x64xf32, #tpu.memory_space<vmem>> -> memref<50x64xf32, #tpu.memory_space<vmem>>
      tpu.enqueue_dma source(%dma_start3A_1055 : memref<50x64xf32, #tpu.memory_space<vmem>>) target(%dma_start3A_1052 : memref<50x64xf32, #tpu.memory_space<hbm>>) target_semaphore(%arg16 : memref<!tpu.dma_semaphore, #tpu.memory_space<semaphore_mem>>)
      %mul3A_1056 = arith.constant 8 : i32
      %mul3A_1057 = arith.muli %add3A_929, %mul3A_1056 : i32
      %add3A_1058 = arith.addi %mul3A_4, %mul3A_1057 : i32
      %add3A_1059 = arith.constant 6 : i32
      %add3A_1060 = arith.addi %add3A_1058, %add3A_1059 : i32
      %dma_start3A_1061 = arith.constant 300 : i32
      %dma_start3A_1062 = arith.constant 0 : i32
      %dma_start3A_1063 = tpu.memref_slice %arg8[%dma_start3A_1061, %dma_start3A_1062] : memref<400x64xf32, #tpu.memory_space<vmem>> -> memref<50x64xf32, #tpu.memory_space<vmem>>
      %dma_start3A_1064 = arith.constant 0 : i32
      %dma_start3A_1065 = arith.constant 0 : i32
      %dma_start3A_1066 = tpu.memref_slice %arg4[%add3A_1060, %dma_start3A_1064, %dma_start3A_1065] : memref<16384x50x64xf32, #tpu.memory_space<hbm>> -> memref<1x50x64xf32, #tpu.memory_space<hbm>>
      %dma_start3A_1067 = tpu.memref_squeeze %dma_start3A_1066 : memref<1x50x64xf32, #tpu.memory_space<hbm>> -> memref<50x64xf32, #tpu.memory_space<hbm>>
      %dma_start3A_1068 = arith.constant 0 : i32
      %dma_start3A_1069 = arith.constant 0 : i32
      %dma_start3A_1070 = tpu.memref_slice %arg4[%add3A_1060, %dma_start3A_1068, %dma_start3A_1069] : memref<16384x50x64xf32, #tpu.memory_space<hbm>> -> memref<1x50x64xf32, #tpu.memory_space<hbm>>
      %dma_start3A_1071 = tpu.memref_squeeze %dma_start3A_1070 : memref<1x50x64xf32, #tpu.memory_space<hbm>> -> memref<50x64xf32, #tpu.memory_space<hbm>>
      %dma_start3A_1072 = arith.constant 300 : i32
      %dma_start3A_1073 = arith.constant 0 : i32
      %dma_start3A_1074 = tpu.memref_slice %arg8[%dma_start3A_1072, %dma_start3A_1073] : memref<400x64xf32, #tpu.memory_space<vmem>> -> memref<50x64xf32, #tpu.memory_space<vmem>>
      tpu.enqueue_dma source(%dma_start3A_1074 : memref<50x64xf32, #tpu.memory_space<vmem>>) target(%dma_start3A_1071 : memref<50x64xf32, #tpu.memory_space<hbm>>) target_semaphore(%arg16 : memref<!tpu.dma_semaphore, #tpu.memory_space<semaphore_mem>>)
      %mul3A_1075 = arith.constant 8 : i32
      %mul3A_1076 = arith.muli %add3A_929, %mul3A_1075 : i32
      %add3A_1077 = arith.addi %mul3A_4, %mul3A_1076 : i32
      %add3A_1078 = arith.constant 7 : i32
      %add3A_1079 = arith.addi %add3A_1077, %add3A_1078 : i32
      %dma_start3A_1080 = arith.constant 350 : i32
      %dma_start3A_1081 = arith.constant 0 : i32
      %dma_start3A_1082 = tpu.memref_slice %arg8[%dma_start3A_1080, %dma_start3A_1081] : memref<400x64xf32, #tpu.memory_space<vmem>> -> memref<50x64xf32, #tpu.memory_space<vmem>>
      %dma_start3A_1083 = arith.constant 0 : i32
      %dma_start3A_1084 = arith.constant 0 : i32
      %dma_start3A_1085 = tpu.memref_slice %arg4[%add3A_1079, %dma_start3A_1083, %dma_start3A_1084] : memref<16384x50x64xf32, #tpu.memory_space<hbm>> -> memref<1x50x64xf32, #tpu.memory_space<hbm>>
      %dma_start3A_1086 = tpu.memref_squeeze %dma_start3A_1085 : memref<1x50x64xf32, #tpu.memory_space<hbm>> -> memref<50x64xf32, #tpu.memory_space<hbm>>
      %dma_start3A_1087 = arith.constant 0 : i32
      %dma_start3A_1088 = arith.constant 0 : i32
      %dma_start3A_1089 = tpu.memref_slice %arg4[%add3A_1079, %dma_start3A_1087, %dma_start3A_1088] : memref<16384x50x64xf32, #tpu.memory_space<hbm>> -> memref<1x50x64xf32, #tpu.memory_space<hbm>>
      %dma_start3A_1090 = tpu.memref_squeeze %dma_start3A_1089 : memref<1x50x64xf32, #tpu.memory_space<hbm>> -> memref<50x64xf32, #tpu.memory_space<hbm>>
      %dma_start3A_1091 = arith.constant 350 : i32
      %dma_start3A_1092 = arith.constant 0 : i32
      %dma_start3A_1093 = tpu.memref_slice %arg8[%dma_start3A_1091, %dma_start3A_1092] : memref<400x64xf32, #tpu.memory_space<vmem>> -> memref<50x64xf32, #tpu.memory_space<vmem>>
      tpu.enqueue_dma source(%dma_start3A_1093 : memref<50x64xf32, #tpu.memory_space<vmem>>) target(%dma_start3A_1090 : memref<50x64xf32, #tpu.memory_space<hbm>>) target_semaphore(%arg16 : memref<!tpu.dma_semaphore, #tpu.memory_space<semaphore_mem>>)
      %mul3A_1094 = arith.constant 4 : i32
      %mul3A_1095 = arith.muli %add3A_592, %mul3A_1094 : i32
      %add3A_1096 = arith.constant 3 : i32
      %add3A_1097 = arith.addi %mul3A_1095, %add3A_1096 : i32
      %add3A_1098 = arith.constant 1 : i32
      %add3A_1099 = arith.addi %add3A_1097, %add3A_1098 : i32
      %lt3A_1100 = arith.constant 64 : i32
      %lt3A_1101 = arith.cmpi slt, %add3A_1099, %lt3A_1100 : i32
      %convert_element_type3A_1102 = arith.extui %lt3A_1101 : i1 to i32
      %cond3A_1103 = arith.constant 0 : i32
      %cond3A_1104 = arith.cmpi ne, %convert_element_type3A_1102, %cond3A_1103 : i32
      scf.if %cond3A_1104 {
        %ge3A = arith.constant 4 : i32
        %ge3A_1262 = arith.cmpi sge, %add3A_1099, %ge3A : i32
        %convert_element_type3A_1263 = arith.extui %ge3A_1262 : i1 to i32
        %cond3A_1264 = arith.constant 0 : i32
        %cond3A_1265 = arith.cmpi ne, %convert_element_type3A_1263, %cond3A_1264 : i32
        scf.if %cond3A_1265 {
          %sub3A = arith.constant 4 : i32
          %sub3A_1272 = arith.subi %add3A_1099, %sub3A : i32
          %mul3A_1273 = arith.constant 8 : i32
          %mul3A_1274 = arith.muli %sub3A_1272, %mul3A_1273 : i32
          %add3A_1275 = arith.addi %mul3A_4, %mul3A_1274 : i32
          %add3A_1276 = arith.constant 0 : i32
          %add3A_1277 = arith.addi %add3A_1275, %add3A_1276 : i32
          %dma_wait3A_1278 = arith.constant 0 : i32
          %dma_wait3A_1279 = arith.constant 0 : i32
          %dma_wait3A_1280 = tpu.memref_slice %arg6[%dma_wait3A_1278, %dma_wait3A_1279] : memref<400x64xf32, #tpu.memory_space<vmem>> -> memref<50x64xf32, #tpu.memory_space<vmem>>
          %dma_wait3A_1281 = arith.constant 0 : i32
          %dma_wait3A_1282 = arith.constant 0 : i32
          %dma_wait3A_1283 = tpu.memref_slice %arg4[%add3A_1277, %dma_wait3A_1281, %dma_wait3A_1282] : memref<16384x50x64xf32, #tpu.memory_space<hbm>> -> memref<1x50x64xf32, #tpu.memory_space<hbm>>
          %dma_wait3A_1284 = tpu.memref_squeeze %dma_wait3A_1283 : memref<1x50x64xf32, #tpu.memory_space<hbm>> -> memref<50x64xf32, #tpu.memory_space<hbm>>
          %dma_wait3A_1285 = arith.constant 0 : i32
          %dma_wait3A_1286 = arith.constant 0 : i32
          %dma_wait3A_1287 = tpu.memref_slice %arg4[%add3A_1277, %dma_wait3A_1285, %dma_wait3A_1286] : memref<16384x50x64xf32, #tpu.memory_space<hbm>> -> memref<1x50x64xf32, #tpu.memory_space<hbm>>
          %dma_wait3A_1288 = tpu.memref_squeeze %dma_wait3A_1287 : memref<1x50x64xf32, #tpu.memory_space<hbm>> -> memref<50x64xf32, #tpu.memory_space<hbm>>
          %dma_wait3A_1289 = arith.constant 0 : i32
          %dma_wait3A_1290 = arith.constant 0 : i32
          %dma_wait3A_1291 = tpu.memref_slice %arg6[%dma_wait3A_1289, %dma_wait3A_1290] : memref<400x64xf32, #tpu.memory_space<vmem>> -> memref<50x64xf32, #tpu.memory_space<vmem>>
          tpu.wait_dma2 semaphore(%arg14 : memref<!tpu.dma_semaphore, #tpu.memory_space<semaphore_mem>>) src(%dma_wait3A_1291 : memref<50x64xf32, #tpu.memory_space<vmem>>) dst(%dma_wait3A_1288 : memref<50x64xf32, #tpu.memory_space<hbm>>)
          %mul3A_1292 = arith.constant 8 : i32
          %mul3A_1293 = arith.muli %sub3A_1272, %mul3A_1292 : i32
          %add3A_1294 = arith.addi %mul3A_4, %mul3A_1293 : i32
          %add3A_1295 = arith.constant 1 : i32
          %add3A_1296 = arith.addi %add3A_1294, %add3A_1295 : i32
          %dma_wait3A_1297 = arith.constant 50 : i32
          %dma_wait3A_1298 = arith.constant 0 : i32
          %dma_wait3A_1299 = tpu.memref_slice %arg6[%dma_wait3A_1297, %dma_wait3A_1298] : memref<400x64xf32, #tpu.memory_space<vmem>> -> memref<50x64xf32, #tpu.memory_space<vmem>>
          %dma_wait3A_1300 = arith.constant 0 : i32
          %dma_wait3A_1301 = arith.constant 0 : i32
          %dma_wait3A_1302 = tpu.memref_slice %arg4[%add3A_1296, %dma_wait3A_1300, %dma_wait3A_1301] : memref<16384x50x64xf32, #tpu.memory_space<hbm>> -> memref<1x50x64xf32, #tpu.memory_space<hbm>>
          %dma_wait3A_1303 = tpu.memref_squeeze %dma_wait3A_1302 : memref<1x50x64xf32, #tpu.memory_space<hbm>> -> memref<50x64xf32, #tpu.memory_space<hbm>>
          %dma_wait3A_1304 = arith.constant 0 : i32
          %dma_wait3A_1305 = arith.constant 0 : i32
          %dma_wait3A_1306 = tpu.memref_slice %arg4[%add3A_1296, %dma_wait3A_1304, %dma_wait3A_1305] : memref<16384x50x64xf32, #tpu.memory_space<hbm>> -> memref<1x50x64xf32, #tpu.memory_space<hbm>>
          %dma_wait3A_1307 = tpu.memref_squeeze %dma_wait3A_1306 : memref<1x50x64xf32, #tpu.memory_space<hbm>> -> memref<50x64xf32, #tpu.memory_space<hbm>>
          %dma_wait3A_1308 = arith.constant 50 : i32
          %dma_wait3A_1309 = arith.constant 0 : i32
          %dma_wait3A_1310 = tpu.memref_slice %arg6[%dma_wait3A_1308, %dma_wait3A_1309] : memref<400x64xf32, #tpu.memory_space<vmem>> -> memref<50x64xf32, #tpu.memory_space<vmem>>
          tpu.wait_dma2 semaphore(%arg14 : memref<!tpu.dma_semaphore, #tpu.memory_space<semaphore_mem>>) src(%dma_wait3A_1310 : memref<50x64xf32, #tpu.memory_space<vmem>>) dst(%dma_wait3A_1307 : memref<50x64xf32, #tpu.memory_space<hbm>>)
          %mul3A_1311 = arith.constant 8 : i32
          %mul3A_1312 = arith.muli %sub3A_1272, %mul3A_1311 : i32
          %add3A_1313 = arith.addi %mul3A_4, %mul3A_1312 : i32
          %add3A_1314 = arith.constant 2 : i32
          %add3A_1315 = arith.addi %add3A_1313, %add3A_1314 : i32
          %dma_wait3A_1316 = arith.constant 100 : i32
          %dma_wait3A_1317 = arith.constant 0 : i32
          %dma_wait3A_1318 = tpu.memref_slice %arg6[%dma_wait3A_1316, %dma_wait3A_1317] : memref<400x64xf32, #tpu.memory_space<vmem>> -> memref<50x64xf32, #tpu.memory_space<vmem>>
          %dma_wait3A_1319 = arith.constant 0 : i32
          %dma_wait3A_1320 = arith.constant 0 : i32
          %dma_wait3A_1321 = tpu.memref_slice %arg4[%add3A_1315, %dma_wait3A_1319, %dma_wait3A_1320] : memref<16384x50x64xf32, #tpu.memory_space<hbm>> -> memref<1x50x64xf32, #tpu.memory_space<hbm>>
          %dma_wait3A_1322 = tpu.memref_squeeze %dma_wait3A_1321 : memref<1x50x64xf32, #tpu.memory_space<hbm>> -> memref<50x64xf32, #tpu.memory_space<hbm>>
          %dma_wait3A_1323 = arith.constant 0 : i32
          %dma_wait3A_1324 = arith.constant 0 : i32
          %dma_wait3A_1325 = tpu.memref_slice %arg4[%add3A_1315, %dma_wait3A_1323, %dma_wait3A_1324] : memref<16384x50x64xf32, #tpu.memory_space<hbm>> -> memref<1x50x64xf32, #tpu.memory_space<hbm>>
          %dma_wait3A_1326 = tpu.memref_squeeze %dma_wait3A_1325 : memref<1x50x64xf32, #tpu.memory_space<hbm>> -> memref<50x64xf32, #tpu.memory_space<hbm>>
          %dma_wait3A_1327 = arith.constant 100 : i32
          %dma_wait3A_1328 = arith.constant 0 : i32
          %dma_wait3A_1329 = tpu.memref_slice %arg6[%dma_wait3A_1327, %dma_wait3A_1328] : memref<400x64xf32, #tpu.memory_space<vmem>> -> memref<50x64xf32, #tpu.memory_space<vmem>>
          tpu.wait_dma2 semaphore(%arg14 : memref<!tpu.dma_semaphore, #tpu.memory_space<semaphore_mem>>) src(%dma_wait3A_1329 : memref<50x64xf32, #tpu.memory_space<vmem>>) dst(%dma_wait3A_1326 : memref<50x64xf32, #tpu.memory_space<hbm>>)
          %mul3A_1330 = arith.constant 8 : i32
          %mul3A_1331 = arith.muli %sub3A_1272, %mul3A_1330 : i32
          %add3A_1332 = arith.addi %mul3A_4, %mul3A_1331 : i32
          %add3A_1333 = arith.constant 3 : i32
          %add3A_1334 = arith.addi %add3A_1332, %add3A_1333 : i32
          %dma_wait3A_1335 = arith.constant 150 : i32
          %dma_wait3A_1336 = arith.constant 0 : i32
          %dma_wait3A_1337 = tpu.memref_slice %arg6[%dma_wait3A_1335, %dma_wait3A_1336] : memref<400x64xf32, #tpu.memory_space<vmem>> -> memref<50x64xf32, #tpu.memory_space<vmem>>
          %dma_wait3A_1338 = arith.constant 0 : i32
          %dma_wait3A_1339 = arith.constant 0 : i32
          %dma_wait3A_1340 = tpu.memref_slice %arg4[%add3A_1334, %dma_wait3A_1338, %dma_wait3A_1339] : memref<16384x50x64xf32, #tpu.memory_space<hbm>> -> memref<1x50x64xf32, #tpu.memory_space<hbm>>
          %dma_wait3A_1341 = tpu.memref_squeeze %dma_wait3A_1340 : memref<1x50x64xf32, #tpu.memory_space<hbm>> -> memref<50x64xf32, #tpu.memory_space<hbm>>
          %dma_wait3A_1342 = arith.constant 0 : i32
          %dma_wait3A_1343 = arith.constant 0 : i32
          %dma_wait3A_1344 = tpu.memref_slice %arg4[%add3A_1334, %dma_wait3A_1342, %dma_wait3A_1343] : memref<16384x50x64xf32, #tpu.memory_space<hbm>> -> memref<1x50x64xf32, #tpu.memory_space<hbm>>
          %dma_wait3A_1345 = tpu.memref_squeeze %dma_wait3A_1344 : memref<1x50x64xf32, #tpu.memory_space<hbm>> -> memref<50x64xf32, #tpu.memory_space<hbm>>
          %dma_wait3A_1346 = arith.constant 150 : i32
          %dma_wait3A_1347 = arith.constant 0 : i32
          %dma_wait3A_1348 = tpu.memref_slice %arg6[%dma_wait3A_1346, %dma_wait3A_1347] : memref<400x64xf32, #tpu.memory_space<vmem>> -> memref<50x64xf32, #tpu.memory_space<vmem>>
          tpu.wait_dma2 semaphore(%arg14 : memref<!tpu.dma_semaphore, #tpu.memory_space<semaphore_mem>>) src(%dma_wait3A_1348 : memref<50x64xf32, #tpu.memory_space<vmem>>) dst(%dma_wait3A_1345 : memref<50x64xf32, #tpu.memory_space<hbm>>)
          %mul3A_1349 = arith.constant 8 : i32
          %mul3A_1350 = arith.muli %sub3A_1272, %mul3A_1349 : i32
          %add3A_1351 = arith.addi %mul3A_4, %mul3A_1350 : i32
          %add3A_1352 = arith.constant 4 : i32
          %add3A_1353 = arith.addi %add3A_1351, %add3A_1352 : i32
          %dma_wait3A_1354 = arith.constant 200 : i32
          %dma_wait3A_1355 = arith.constant 0 : i32
          %dma_wait3A_1356 = tpu.memref_slice %arg6[%dma_wait3A_1354, %dma_wait3A_1355] : memref<400x64xf32, #tpu.memory_space<vmem>> -> memref<50x64xf32, #tpu.memory_space<vmem>>
          %dma_wait3A_1357 = arith.constant 0 : i32
          %dma_wait3A_1358 = arith.constant 0 : i32
          %dma_wait3A_1359 = tpu.memref_slice %arg4[%add3A_1353, %dma_wait3A_1357, %dma_wait3A_1358] : memref<16384x50x64xf32, #tpu.memory_space<hbm>> -> memref<1x50x64xf32, #tpu.memory_space<hbm>>
          %dma_wait3A_1360 = tpu.memref_squeeze %dma_wait3A_1359 : memref<1x50x64xf32, #tpu.memory_space<hbm>> -> memref<50x64xf32, #tpu.memory_space<hbm>>
          %dma_wait3A_1361 = arith.constant 0 : i32
          %dma_wait3A_1362 = arith.constant 0 : i32
          %dma_wait3A_1363 = tpu.memref_slice %arg4[%add3A_1353, %dma_wait3A_1361, %dma_wait3A_1362] : memref<16384x50x64xf32, #tpu.memory_space<hbm>> -> memref<1x50x64xf32, #tpu.memory_space<hbm>>
          %dma_wait3A_1364 = tpu.memref_squeeze %dma_wait3A_1363 : memref<1x50x64xf32, #tpu.memory_space<hbm>> -> memref<50x64xf32, #tpu.memory_space<hbm>>
          %dma_wait3A_1365 = arith.constant 200 : i32
          %dma_wait3A_1366 = arith.constant 0 : i32
          %dma_wait3A_1367 = tpu.memref_slice %arg6[%dma_wait3A_1365, %dma_wait3A_1366] : memref<400x64xf32, #tpu.memory_space<vmem>> -> memref<50x64xf32, #tpu.memory_space<vmem>>
          tpu.wait_dma2 semaphore(%arg14 : memref<!tpu.dma_semaphore, #tpu.memory_space<semaphore_mem>>) src(%dma_wait3A_1367 : memref<50x64xf32, #tpu.memory_space<vmem>>) dst(%dma_wait3A_1364 : memref<50x64xf32, #tpu.memory_space<hbm>>)
          %mul3A_1368 = arith.constant 8 : i32
          %mul3A_1369 = arith.muli %sub3A_1272, %mul3A_1368 : i32
          %add3A_1370 = arith.addi %mul3A_4, %mul3A_1369 : i32
          %add3A_1371 = arith.constant 5 : i32
          %add3A_1372 = arith.addi %add3A_1370, %add3A_1371 : i32
          %dma_wait3A_1373 = arith.constant 250 : i32
          %dma_wait3A_1374 = arith.constant 0 : i32
          %dma_wait3A_1375 = tpu.memref_slice %arg6[%dma_wait3A_1373, %dma_wait3A_1374] : memref<400x64xf32, #tpu.memory_space<vmem>> -> memref<50x64xf32, #tpu.memory_space<vmem>>
          %dma_wait3A_1376 = arith.constant 0 : i32
          %dma_wait3A_1377 = arith.constant 0 : i32
          %dma_wait3A_1378 = tpu.memref_slice %arg4[%add3A_1372, %dma_wait3A_1376, %dma_wait3A_1377] : memref<16384x50x64xf32, #tpu.memory_space<hbm>> -> memref<1x50x64xf32, #tpu.memory_space<hbm>>
          %dma_wait3A_1379 = tpu.memref_squeeze %dma_wait3A_1378 : memref<1x50x64xf32, #tpu.memory_space<hbm>> -> memref<50x64xf32, #tpu.memory_space<hbm>>
          %dma_wait3A_1380 = arith.constant 0 : i32
          %dma_wait3A_1381 = arith.constant 0 : i32
          %dma_wait3A_1382 = tpu.memref_slice %arg4[%add3A_1372, %dma_wait3A_1380, %dma_wait3A_1381] : memref<16384x50x64xf32, #tpu.memory_space<hbm>> -> memref<1x50x64xf32, #tpu.memory_space<hbm>>
          %dma_wait3A_1383 = tpu.memref_squeeze %dma_wait3A_1382 : memref<1x50x64xf32, #tpu.memory_space<hbm>> -> memref<50x64xf32, #tpu.memory_space<hbm>>
          %dma_wait3A_1384 = arith.constant 250 : i32
          %dma_wait3A_1385 = arith.constant 0 : i32
          %dma_wait3A_1386 = tpu.memref_slice %arg6[%dma_wait3A_1384, %dma_wait3A_1385] : memref<400x64xf32, #tpu.memory_space<vmem>> -> memref<50x64xf32, #tpu.memory_space<vmem>>
          tpu.wait_dma2 semaphore(%arg14 : memref<!tpu.dma_semaphore, #tpu.memory_space<semaphore_mem>>) src(%dma_wait3A_1386 : memref<50x64xf32, #tpu.memory_space<vmem>>) dst(%dma_wait3A_1383 : memref<50x64xf32, #tpu.memory_space<hbm>>)
          %mul3A_1387 = arith.constant 8 : i32
          %mul3A_1388 = arith.muli %sub3A_1272, %mul3A_1387 : i32
          %add3A_1389 = arith.addi %mul3A_4, %mul3A_1388 : i32
          %add3A_1390 = arith.constant 6 : i32
          %add3A_1391 = arith.addi %add3A_1389, %add3A_1390 : i32
          %dma_wait3A_1392 = arith.constant 300 : i32
          %dma_wait3A_1393 = arith.constant 0 : i32
          %dma_wait3A_1394 = tpu.memref_slice %arg6[%dma_wait3A_1392, %dma_wait3A_1393] : memref<400x64xf32, #tpu.memory_space<vmem>> -> memref<50x64xf32, #tpu.memory_space<vmem>>
          %dma_wait3A_1395 = arith.constant 0 : i32
          %dma_wait3A_1396 = arith.constant 0 : i32
          %dma_wait3A_1397 = tpu.memref_slice %arg4[%add3A_1391, %dma_wait3A_1395, %dma_wait3A_1396] : memref<16384x50x64xf32, #tpu.memory_space<hbm>> -> memref<1x50x64xf32, #tpu.memory_space<hbm>>
          %dma_wait3A_1398 = tpu.memref_squeeze %dma_wait3A_1397 : memref<1x50x64xf32, #tpu.memory_space<hbm>> -> memref<50x64xf32, #tpu.memory_space<hbm>>
          %dma_wait3A_1399 = arith.constant 0 : i32
          %dma_wait3A_1400 = arith.constant 0 : i32
          %dma_wait3A_1401 = tpu.memref_slice %arg4[%add3A_1391, %dma_wait3A_1399, %dma_wait3A_1400] : memref<16384x50x64xf32, #tpu.memory_space<hbm>> -> memref<1x50x64xf32, #tpu.memory_space<hbm>>
          %dma_wait3A_1402 = tpu.memref_squeeze %dma_wait3A_1401 : memref<1x50x64xf32, #tpu.memory_space<hbm>> -> memref<50x64xf32, #tpu.memory_space<hbm>>
          %dma_wait3A_1403 = arith.constant 300 : i32
          %dma_wait3A_1404 = arith.constant 0 : i32
          %dma_wait3A_1405 = tpu.memref_slice %arg6[%dma_wait3A_1403, %dma_wait3A_1404] : memref<400x64xf32, #tpu.memory_space<vmem>> -> memref<50x64xf32, #tpu.memory_space<vmem>>
          tpu.wait_dma2 semaphore(%arg14 : memref<!tpu.dma_semaphore, #tpu.memory_space<semaphore_mem>>) src(%dma_wait3A_1405 : memref<50x64xf32, #tpu.memory_space<vmem>>) dst(%dma_wait3A_1402 : memref<50x64xf32, #tpu.memory_space<hbm>>)
          %mul3A_1406 = arith.constant 8 : i32
          %mul3A_1407 = arith.muli %sub3A_1272, %mul3A_1406 : i32
          %add3A_1408 = arith.addi %mul3A_4, %mul3A_1407 : i32
          %add3A_1409 = arith.constant 7 : i32
          %add3A_1410 = arith.addi %add3A_1408, %add3A_1409 : i32
          %dma_wait3A_1411 = arith.constant 350 : i32
          %dma_wait3A_1412 = arith.constant 0 : i32
          %dma_wait3A_1413 = tpu.memref_slice %arg6[%dma_wait3A_1411, %dma_wait3A_1412] : memref<400x64xf32, #tpu.memory_space<vmem>> -> memref<50x64xf32, #tpu.memory_space<vmem>>
          %dma_wait3A_1414 = arith.constant 0 : i32
          %dma_wait3A_1415 = arith.constant 0 : i32
          %dma_wait3A_1416 = tpu.memref_slice %arg4[%add3A_1410, %dma_wait3A_1414, %dma_wait3A_1415] : memref<16384x50x64xf32, #tpu.memory_space<hbm>> -> memref<1x50x64xf32, #tpu.memory_space<hbm>>
          %dma_wait3A_1417 = tpu.memref_squeeze %dma_wait3A_1416 : memref<1x50x64xf32, #tpu.memory_space<hbm>> -> memref<50x64xf32, #tpu.memory_space<hbm>>
          %dma_wait3A_1418 = arith.constant 0 : i32
          %dma_wait3A_1419 = arith.constant 0 : i32
          %dma_wait3A_1420 = tpu.memref_slice %arg4[%add3A_1410, %dma_wait3A_1418, %dma_wait3A_1419] : memref<16384x50x64xf32, #tpu.memory_space<hbm>> -> memref<1x50x64xf32, #tpu.memory_space<hbm>>
          %dma_wait3A_1421 = tpu.memref_squeeze %dma_wait3A_1420 : memref<1x50x64xf32, #tpu.memory_space<hbm>> -> memref<50x64xf32, #tpu.memory_space<hbm>>
          %dma_wait3A_1422 = arith.constant 350 : i32
          %dma_wait3A_1423 = arith.constant 0 : i32
          %dma_wait3A_1424 = tpu.memref_slice %arg6[%dma_wait3A_1422, %dma_wait3A_1423] : memref<400x64xf32, #tpu.memory_space<vmem>> -> memref<50x64xf32, #tpu.memory_space<vmem>>
          tpu.wait_dma2 semaphore(%arg14 : memref<!tpu.dma_semaphore, #tpu.memory_space<semaphore_mem>>) src(%dma_wait3A_1424 : memref<50x64xf32, #tpu.memory_space<vmem>>) dst(%dma_wait3A_1421 : memref<50x64xf32, #tpu.memory_space<hbm>>)
        } else {
        }
        %mul3A_1266 = arith.constant 400 : i32
        %mul3A_1267 = arith.muli %add3A_1099, %mul3A_1266 : i32
        %dma_start3A_1268 = tpu.memref_slice %arg5[%mul3A_1267] : memref<25600xi32, #tpu.memory_space<vmem>> -> memref<400xi32, #tpu.memory_space<vmem>>
        %dma_start3A_1269 = arith.constant 0 : i32
        %dma_start3A_1270 = arith.constant 0 : i32
        %dma_start3A_1271 = tpu.memref_slice %arg3[%dma_start3A_1269, %dma_start3A_1270] : memref<1000000x64xf32, #tpu.memory_space<hbm>> -> memref<1000000x64xf32, #tpu.memory_space<hbm>>
        tpu.enqueue_indirect_dma source(%dma_start3A_1271 : memref<1000000x64xf32, #tpu.memory_space<hbm>>) target(%arg6 : memref<400x64xf32, #tpu.memory_space<vmem>>) offsets(%dma_start3A_1268 : memref<400xi32, #tpu.memory_space<vmem>>) semaphore(%arg10 : memref<!tpu.dma_semaphore, #tpu.memory_space<semaphore_mem>>)
      } else {
      }
      %dma_wait3A_1105 = arith.constant 0 : i32
      %dma_wait3A_1106 = tpu.memref_slice %arg5[%dma_wait3A_1105] : memref<25600xi32, #tpu.memory_space<vmem>> -> memref<400xi32, #tpu.memory_space<vmem>>
      %dma_wait3A_1107 = arith.constant 0 : i32
      %dma_wait3A_1108 = arith.constant 0 : i32
      %dma_wait3A_1109 = tpu.memref_slice %arg3[%dma_wait3A_1107, %dma_wait3A_1108] : memref<1000000x64xf32, #tpu.memory_space<hbm>> -> memref<1000000x64xf32, #tpu.memory_space<hbm>>
      tpu.wait_indirect_dma semaphore(%arg13 : memref<!tpu.dma_semaphore, #tpu.memory_space<semaphore_mem>>) src(%dma_wait3A_1109 : memref<1000000x64xf32, #tpu.memory_space<hbm>>) dst(%arg9 : memref<400x64xf32, #tpu.memory_space<vmem>>)
      %mul3A_1110 = arith.constant 8 : i32
      %mul3A_1111 = arith.muli %add3A_1097, %mul3A_1110 : i32
      %add3A_1112 = arith.addi %mul3A_4, %mul3A_1111 : i32
      %add3A_1113 = arith.constant 0 : i32
      %add3A_1114 = arith.addi %add3A_1112, %add3A_1113 : i32
      %dma_start3A_1115 = arith.constant 0 : i32
      %dma_start3A_1116 = arith.constant 0 : i32
      %dma_start3A_1117 = tpu.memref_slice %arg9[%dma_start3A_1115, %dma_start3A_1116] : memref<400x64xf32, #tpu.memory_space<vmem>> -> memref<50x64xf32, #tpu.memory_space<vmem>>
      %dma_start3A_1118 = arith.constant 0 : i32
      %dma_start3A_1119 = arith.constant 0 : i32
      %dma_start3A_1120 = tpu.memref_slice %arg4[%add3A_1114, %dma_start3A_1118, %dma_start3A_1119] : memref<16384x50x64xf32, #tpu.memory_space<hbm>> -> memref<1x50x64xf32, #tpu.memory_space<hbm>>
      %dma_start3A_1121 = tpu.memref_squeeze %dma_start3A_1120 : memref<1x50x64xf32, #tpu.memory_space<hbm>> -> memref<50x64xf32, #tpu.memory_space<hbm>>
      %dma_start3A_1122 = arith.constant 0 : i32
      %dma_start3A_1123 = arith.constant 0 : i32
      %dma_start3A_1124 = tpu.memref_slice %arg4[%add3A_1114, %dma_start3A_1122, %dma_start3A_1123] : memref<16384x50x64xf32, #tpu.memory_space<hbm>> -> memref<1x50x64xf32, #tpu.memory_space<hbm>>
      %dma_start3A_1125 = tpu.memref_squeeze %dma_start3A_1124 : memref<1x50x64xf32, #tpu.memory_space<hbm>> -> memref<50x64xf32, #tpu.memory_space<hbm>>
      %dma_start3A_1126 = arith.constant 0 : i32
      %dma_start3A_1127 = arith.constant 0 : i32
      %dma_start3A_1128 = tpu.memref_slice %arg9[%dma_start3A_1126, %dma_start3A_1127] : memref<400x64xf32, #tpu.memory_space<vmem>> -> memref<50x64xf32, #tpu.memory_space<vmem>>
      tpu.enqueue_dma source(%dma_start3A_1128 : memref<50x64xf32, #tpu.memory_space<vmem>>) target(%dma_start3A_1125 : memref<50x64xf32, #tpu.memory_space<hbm>>) target_semaphore(%arg17 : memref<!tpu.dma_semaphore, #tpu.memory_space<semaphore_mem>>)
      %mul3A_1129 = arith.constant 8 : i32
      %mul3A_1130 = arith.muli %add3A_1097, %mul3A_1129 : i32
      %add3A_1131 = arith.addi %mul3A_4, %mul3A_1130 : i32
      %add3A_1132 = arith.constant 1 : i32
      %add3A_1133 = arith.addi %add3A_1131, %add3A_1132 : i32
      %dma_start3A_1134 = arith.constant 50 : i32
      %dma_start3A_1135 = arith.constant 0 : i32
      %dma_start3A_1136 = tpu.memref_slice %arg9[%dma_start3A_1134, %dma_start3A_1135] : memref<400x64xf32, #tpu.memory_space<vmem>> -> memref<50x64xf32, #tpu.memory_space<vmem>>
      %dma_start3A_1137 = arith.constant 0 : i32
      %dma_start3A_1138 = arith.constant 0 : i32
      %dma_start3A_1139 = tpu.memref_slice %arg4[%add3A_1133, %dma_start3A_1137, %dma_start3A_1138] : memref<16384x50x64xf32, #tpu.memory_space<hbm>> -> memref<1x50x64xf32, #tpu.memory_space<hbm>>
      %dma_start3A_1140 = tpu.memref_squeeze %dma_start3A_1139 : memref<1x50x64xf32, #tpu.memory_space<hbm>> -> memref<50x64xf32, #tpu.memory_space<hbm>>
      %dma_start3A_1141 = arith.constant 0 : i32
      %dma_start3A_1142 = arith.constant 0 : i32
      %dma_start3A_1143 = tpu.memref_slice %arg4[%add3A_1133, %dma_start3A_1141, %dma_start3A_1142] : memref<16384x50x64xf32, #tpu.memory_space<hbm>> -> memref<1x50x64xf32, #tpu.memory_space<hbm>>
      %dma_start3A_1144 = tpu.memref_squeeze %dma_start3A_1143 : memref<1x50x64xf32, #tpu.memory_space<hbm>> -> memref<50x64xf32, #tpu.memory_space<hbm>>
      %dma_start3A_1145 = arith.constant 50 : i32
      %dma_start3A_1146 = arith.constant 0 : i32
      %dma_start3A_1147 = tpu.memref_slice %arg9[%dma_start3A_1145, %dma_start3A_1146] : memref<400x64xf32, #tpu.memory_space<vmem>> -> memref<50x64xf32, #tpu.memory_space<vmem>>
      tpu.enqueue_dma source(%dma_start3A_1147 : memref<50x64xf32, #tpu.memory_space<vmem>>) target(%dma_start3A_1144 : memref<50x64xf32, #tpu.memory_space<hbm>>) target_semaphore(%arg17 : memref<!tpu.dma_semaphore, #tpu.memory_space<semaphore_mem>>)
      %mul3A_1148 = arith.constant 8 : i32
      %mul3A_1149 = arith.muli %add3A_1097, %mul3A_1148 : i32
      %add3A_1150 = arith.addi %mul3A_4, %mul3A_1149 : i32
      %add3A_1151 = arith.constant 2 : i32
      %add3A_1152 = arith.addi %add3A_1150, %add3A_1151 : i32
      %dma_start3A_1153 = arith.constant 100 : i32
      %dma_start3A_1154 = arith.constant 0 : i32
      %dma_start3A_1155 = tpu.memref_slice %arg9[%dma_start3A_1153, %dma_start3A_1154] : memref<400x64xf32, #tpu.memory_space<vmem>> -> memref<50x64xf32, #tpu.memory_space<vmem>>
      %dma_start3A_1156 = arith.constant 0 : i32
      %dma_start3A_1157 = arith.constant 0 : i32
      %dma_start3A_1158 = tpu.memref_slice %arg4[%add3A_1152, %dma_start3A_1156, %dma_start3A_1157] : memref<16384x50x64xf32, #tpu.memory_space<hbm>> -> memref<1x50x64xf32, #tpu.memory_space<hbm>>
      %dma_start3A_1159 = tpu.memref_squeeze %dma_start3A_1158 : memref<1x50x64xf32, #tpu.memory_space<hbm>> -> memref<50x64xf32, #tpu.memory_space<hbm>>
      %dma_start3A_1160 = arith.constant 0 : i32
      %dma_start3A_1161 = arith.constant 0 : i32
      %dma_start3A_1162 = tpu.memref_slice %arg4[%add3A_1152, %dma_start3A_1160, %dma_start3A_1161] : memref<16384x50x64xf32, #tpu.memory_space<hbm>> -> memref<1x50x64xf32, #tpu.memory_space<hbm>>
      %dma_start3A_1163 = tpu.memref_squeeze %dma_start3A_1162 : memref<1x50x64xf32, #tpu.memory_space<hbm>> -> memref<50x64xf32, #tpu.memory_space<hbm>>
      %dma_start3A_1164 = arith.constant 100 : i32
      %dma_start3A_1165 = arith.constant 0 : i32
      %dma_start3A_1166 = tpu.memref_slice %arg9[%dma_start3A_1164, %dma_start3A_1165] : memref<400x64xf32, #tpu.memory_space<vmem>> -> memref<50x64xf32, #tpu.memory_space<vmem>>
      tpu.enqueue_dma source(%dma_start3A_1166 : memref<50x64xf32, #tpu.memory_space<vmem>>) target(%dma_start3A_1163 : memref<50x64xf32, #tpu.memory_space<hbm>>) target_semaphore(%arg17 : memref<!tpu.dma_semaphore, #tpu.memory_space<semaphore_mem>>)
      %mul3A_1167 = arith.constant 8 : i32
      %mul3A_1168 = arith.muli %add3A_1097, %mul3A_1167 : i32
      %add3A_1169 = arith.addi %mul3A_4, %mul3A_1168 : i32
      %add3A_1170 = arith.constant 3 : i32
      %add3A_1171 = arith.addi %add3A_1169, %add3A_1170 : i32
      %dma_start3A_1172 = arith.constant 150 : i32
      %dma_start3A_1173 = arith.constant 0 : i32
      %dma_start3A_1174 = tpu.memref_slice %arg9[%dma_start3A_1172, %dma_start3A_1173] : memref<400x64xf32, #tpu.memory_space<vmem>> -> memref<50x64xf32, #tpu.memory_space<vmem>>
      %dma_start3A_1175 = arith.constant 0 : i32
      %dma_start3A_1176 = arith.constant 0 : i32
      %dma_start3A_1177 = tpu.memref_slice %arg4[%add3A_1171, %dma_start3A_1175, %dma_start3A_1176] : memref<16384x50x64xf32, #tpu.memory_space<hbm>> -> memref<1x50x64xf32, #tpu.memory_space<hbm>>
      %dma_start3A_1178 = tpu.memref_squeeze %dma_start3A_1177 : memref<1x50x64xf32, #tpu.memory_space<hbm>> -> memref<50x64xf32, #tpu.memory_space<hbm>>
      %dma_start3A_1179 = arith.constant 0 : i32
      %dma_start3A_1180 = arith.constant 0 : i32
      %dma_start3A_1181 = tpu.memref_slice %arg4[%add3A_1171, %dma_start3A_1179, %dma_start3A_1180] : memref<16384x50x64xf32, #tpu.memory_space<hbm>> -> memref<1x50x64xf32, #tpu.memory_space<hbm>>
      %dma_start3A_1182 = tpu.memref_squeeze %dma_start3A_1181 : memref<1x50x64xf32, #tpu.memory_space<hbm>> -> memref<50x64xf32, #tpu.memory_space<hbm>>
      %dma_start3A_1183 = arith.constant 150 : i32
      %dma_start3A_1184 = arith.constant 0 : i32
      %dma_start3A_1185 = tpu.memref_slice %arg9[%dma_start3A_1183, %dma_start3A_1184] : memref<400x64xf32, #tpu.memory_space<vmem>> -> memref<50x64xf32, #tpu.memory_space<vmem>>
      tpu.enqueue_dma source(%dma_start3A_1185 : memref<50x64xf32, #tpu.memory_space<vmem>>) target(%dma_start3A_1182 : memref<50x64xf32, #tpu.memory_space<hbm>>) target_semaphore(%arg17 : memref<!tpu.dma_semaphore, #tpu.memory_space<semaphore_mem>>)
      %mul3A_1186 = arith.constant 8 : i32
      %mul3A_1187 = arith.muli %add3A_1097, %mul3A_1186 : i32
      %add3A_1188 = arith.addi %mul3A_4, %mul3A_1187 : i32
      %add3A_1189 = arith.constant 4 : i32
      %add3A_1190 = arith.addi %add3A_1188, %add3A_1189 : i32
      %dma_start3A_1191 = arith.constant 200 : i32
      %dma_start3A_1192 = arith.constant 0 : i32
      %dma_start3A_1193 = tpu.memref_slice %arg9[%dma_start3A_1191, %dma_start3A_1192] : memref<400x64xf32, #tpu.memory_space<vmem>> -> memref<50x64xf32, #tpu.memory_space<vmem>>
      %dma_start3A_1194 = arith.constant 0 : i32
      %dma_start3A_1195 = arith.constant 0 : i32
      %dma_start3A_1196 = tpu.memref_slice %arg4[%add3A_1190, %dma_start3A_1194, %dma_start3A_1195] : memref<16384x50x64xf32, #tpu.memory_space<hbm>> -> memref<1x50x64xf32, #tpu.memory_space<hbm>>
      %dma_start3A_1197 = tpu.memref_squeeze %dma_start3A_1196 : memref<1x50x64xf32, #tpu.memory_space<hbm>> -> memref<50x64xf32, #tpu.memory_space<hbm>>
      %dma_start3A_1198 = arith.constant 0 : i32
      %dma_start3A_1199 = arith.constant 0 : i32
      %dma_start3A_1200 = tpu.memref_slice %arg4[%add3A_1190, %dma_start3A_1198, %dma_start3A_1199] : memref<16384x50x64xf32, #tpu.memory_space<hbm>> -> memref<1x50x64xf32, #tpu.memory_space<hbm>>
      %dma_start3A_1201 = tpu.memref_squeeze %dma_start3A_1200 : memref<1x50x64xf32, #tpu.memory_space<hbm>> -> memref<50x64xf32, #tpu.memory_space<hbm>>
      %dma_start3A_1202 = arith.constant 200 : i32
      %dma_start3A_1203 = arith.constant 0 : i32
      %dma_start3A_1204 = tpu.memref_slice %arg9[%dma_start3A_1202, %dma_start3A_1203] : memref<400x64xf32, #tpu.memory_space<vmem>> -> memref<50x64xf32, #tpu.memory_space<vmem>>
      tpu.enqueue_dma source(%dma_start3A_1204 : memref<50x64xf32, #tpu.memory_space<vmem>>) target(%dma_start3A_1201 : memref<50x64xf32, #tpu.memory_space<hbm>>) target_semaphore(%arg17 : memref<!tpu.dma_semaphore, #tpu.memory_space<semaphore_mem>>)
      %mul3A_1205 = arith.constant 8 : i32
      %mul3A_1206 = arith.muli %add3A_1097, %mul3A_1205 : i32
      %add3A_1207 = arith.addi %mul3A_4, %mul3A_1206 : i32
      %add3A_1208 = arith.constant 5 : i32
      %add3A_1209 = arith.addi %add3A_1207, %add3A_1208 : i32
      %dma_start3A_1210 = arith.constant 250 : i32
      %dma_start3A_1211 = arith.constant 0 : i32
      %dma_start3A_1212 = tpu.memref_slice %arg9[%dma_start3A_1210, %dma_start3A_1211] : memref<400x64xf32, #tpu.memory_space<vmem>> -> memref<50x64xf32, #tpu.memory_space<vmem>>
      %dma_start3A_1213 = arith.constant 0 : i32
      %dma_start3A_1214 = arith.constant 0 : i32
      %dma_start3A_1215 = tpu.memref_slice %arg4[%add3A_1209, %dma_start3A_1213, %dma_start3A_1214] : memref<16384x50x64xf32, #tpu.memory_space<hbm>> -> memref<1x50x64xf32, #tpu.memory_space<hbm>>
      %dma_start3A_1216 = tpu.memref_squeeze %dma_start3A_1215 : memref<1x50x64xf32, #tpu.memory_space<hbm>> -> memref<50x64xf32, #tpu.memory_space<hbm>>
      %dma_start3A_1217 = arith.constant 0 : i32
      %dma_start3A_1218 = arith.constant 0 : i32
      %dma_start3A_1219 = tpu.memref_slice %arg4[%add3A_1209, %dma_start3A_1217, %dma_start3A_1218] : memref<16384x50x64xf32, #tpu.memory_space<hbm>> -> memref<1x50x64xf32, #tpu.memory_space<hbm>>
      %dma_start3A_1220 = tpu.memref_squeeze %dma_start3A_1219 : memref<1x50x64xf32, #tpu.memory_space<hbm>> -> memref<50x64xf32, #tpu.memory_space<hbm>>
      %dma_start3A_1221 = arith.constant 250 : i32
      %dma_start3A_1222 = arith.constant 0 : i32
      %dma_start3A_1223 = tpu.memref_slice %arg9[%dma_start3A_1221, %dma_start3A_1222] : memref<400x64xf32, #tpu.memory_space<vmem>> -> memref<50x64xf32, #tpu.memory_space<vmem>>
      tpu.enqueue_dma source(%dma_start3A_1223 : memref<50x64xf32, #tpu.memory_space<vmem>>) target(%dma_start3A_1220 : memref<50x64xf32, #tpu.memory_space<hbm>>) target_semaphore(%arg17 : memref<!tpu.dma_semaphore, #tpu.memory_space<semaphore_mem>>)
      %mul3A_1224 = arith.constant 8 : i32
      %mul3A_1225 = arith.muli %add3A_1097, %mul3A_1224 : i32
      %add3A_1226 = arith.addi %mul3A_4, %mul3A_1225 : i32
      %add3A_1227 = arith.constant 6 : i32
      %add3A_1228 = arith.addi %add3A_1226, %add3A_1227 : i32
      %dma_start3A_1229 = arith.constant 300 : i32
      %dma_start3A_1230 = arith.constant 0 : i32
      %dma_start3A_1231 = tpu.memref_slice %arg9[%dma_start3A_1229, %dma_start3A_1230] : memref<400x64xf32, #tpu.memory_space<vmem>> -> memref<50x64xf32, #tpu.memory_space<vmem>>
      %dma_start3A_1232 = arith.constant 0 : i32
      %dma_start3A_1233 = arith.constant 0 : i32
      %dma_start3A_1234 = tpu.memref_slice %arg4[%add3A_1228, %dma_start3A_1232, %dma_start3A_1233] : memref<16384x50x64xf32, #tpu.memory_space<hbm>> -> memref<1x50x64xf32, #tpu.memory_space<hbm>>
      %dma_start3A_1235 = tpu.memref_squeeze %dma_start3A_1234 : memref<1x50x64xf32, #tpu.memory_space<hbm>> -> memref<50x64xf32, #tpu.memory_space<hbm>>
      %dma_start3A_1236 = arith.constant 0 : i32
      %dma_start3A_1237 = arith.constant 0 : i32
      %dma_start3A_1238 = tpu.memref_slice %arg4[%add3A_1228, %dma_start3A_1236, %dma_start3A_1237] : memref<16384x50x64xf32, #tpu.memory_space<hbm>> -> memref<1x50x64xf32, #tpu.memory_space<hbm>>
      %dma_start3A_1239 = tpu.memref_squeeze %dma_start3A_1238 : memref<1x50x64xf32, #tpu.memory_space<hbm>> -> memref<50x64xf32, #tpu.memory_space<hbm>>
      %dma_start3A_1240 = arith.constant 300 : i32
      %dma_start3A_1241 = arith.constant 0 : i32
      %dma_start3A_1242 = tpu.memref_slice %arg9[%dma_start3A_1240, %dma_start3A_1241] : memref<400x64xf32, #tpu.memory_space<vmem>> -> memref<50x64xf32, #tpu.memory_space<vmem>>
      tpu.enqueue_dma source(%dma_start3A_1242 : memref<50x64xf32, #tpu.memory_space<vmem>>) target(%dma_start3A_1239 : memref<50x64xf32, #tpu.memory_space<hbm>>) target_semaphore(%arg17 : memref<!tpu.dma_semaphore, #tpu.memory_space<semaphore_mem>>)
      %mul3A_1243 = arith.constant 8 : i32
      %mul3A_1244 = arith.muli %add3A_1097, %mul3A_1243 : i32
      %add3A_1245 = arith.addi %mul3A_4, %mul3A_1244 : i32
      %add3A_1246 = arith.constant 7 : i32
      %add3A_1247 = arith.addi %add3A_1245, %add3A_1246 : i32
      %dma_start3A_1248 = arith.constant 350 : i32
      %dma_start3A_1249 = arith.constant 0 : i32
      %dma_start3A_1250 = tpu.memref_slice %arg9[%dma_start3A_1248, %dma_start3A_1249] : memref<400x64xf32, #tpu.memory_space<vmem>> -> memref<50x64xf32, #tpu.memory_space<vmem>>
      %dma_start3A_1251 = arith.constant 0 : i32
      %dma_start3A_1252 = arith.constant 0 : i32
      %dma_start3A_1253 = tpu.memref_slice %arg4[%add3A_1247, %dma_start3A_1251, %dma_start3A_1252] : memref<16384x50x64xf32, #tpu.memory_space<hbm>> -> memref<1x50x64xf32, #tpu.memory_space<hbm>>
      %dma_start3A_1254 = tpu.memref_squeeze %dma_start3A_1253 : memref<1x50x64xf32, #tpu.memory_space<hbm>> -> memref<50x64xf32, #tpu.memory_space<hbm>>
      %dma_start3A_1255 = arith.constant 0 : i32
      %dma_start3A_1256 = arith.constant 0 : i32
      %dma_start3A_1257 = tpu.memref_slice %arg4[%add3A_1247, %dma_start3A_1255, %dma_start3A_1256] : memref<16384x50x64xf32, #tpu.memory_space<hbm>> -> memref<1x50x64xf32, #tpu.memory_space<hbm>>
      %dma_start3A_1258 = tpu.memref_squeeze %dma_start3A_1257 : memref<1x50x64xf32, #tpu.memory_space<hbm>> -> memref<50x64xf32, #tpu.memory_space<hbm>>
      %dma_start3A_1259 = arith.constant 350 : i32
      %dma_start3A_1260 = arith.constant 0 : i32
      %dma_start3A_1261 = tpu.memref_slice %arg9[%dma_start3A_1259, %dma_start3A_1260] : memref<400x64xf32, #tpu.memory_space<vmem>> -> memref<50x64xf32, #tpu.memory_space<vmem>>
      tpu.enqueue_dma source(%dma_start3A_1261 : memref<50x64xf32, #tpu.memory_space<vmem>>) target(%dma_start3A_1258 : memref<50x64xf32, #tpu.memory_space<hbm>>) target_semaphore(%arg17 : memref<!tpu.dma_semaphore, #tpu.memory_space<semaphore_mem>>)
    }
    %scan3A_12 = arith.constant 16 : i32
    %add3A_13 = arith.constant 480 : i32
    %add3A_14 = arith.addi %mul3A_4, %add3A_13 : i32
    %add3A_15 = arith.constant 0 : i32
    %add3A_16 = arith.addi %add3A_14, %add3A_15 : i32
    %dma_wait3A = arith.constant 0 : i32
    %dma_wait3A_17 = arith.constant 0 : i32
    %dma_wait3A_18 = tpu.memref_slice %arg6[%dma_wait3A, %dma_wait3A_17] : memref<400x64xf32, #tpu.memory_space<vmem>> -> memref<50x64xf32, #tpu.memory_space<vmem>>
    %dma_wait3A_19 = arith.constant 0 : i32
    %dma_wait3A_20 = arith.constant 0 : i32
    %dma_wait3A_21 = tpu.memref_slice %arg4[%add3A_16, %dma_wait3A_19, %dma_wait3A_20] : memref<16384x50x64xf32, #tpu.memory_space<hbm>> -> memref<1x50x64xf32, #tpu.memory_space<hbm>>
    %dma_wait3A_22 = tpu.memref_squeeze %dma_wait3A_21 : memref<1x50x64xf32, #tpu.memory_space<hbm>> -> memref<50x64xf32, #tpu.memory_space<hbm>>
    %dma_wait3A_23 = arith.constant 0 : i32
    %dma_wait3A_24 = arith.constant 0 : i32
    %dma_wait3A_25 = tpu.memref_slice %arg4[%add3A_16, %dma_wait3A_23, %dma_wait3A_24] : memref<16384x50x64xf32, #tpu.memory_space<hbm>> -> memref<1x50x64xf32, #tpu.memory_space<hbm>>
    %dma_wait3A_26 = tpu.memref_squeeze %dma_wait3A_25 : memref<1x50x64xf32, #tpu.memory_space<hbm>> -> memref<50x64xf32, #tpu.memory_space<hbm>>
    %dma_wait3A_27 = arith.constant 0 : i32
    %dma_wait3A_28 = arith.constant 0 : i32
    %dma_wait3A_29 = tpu.memref_slice %arg6[%dma_wait3A_27, %dma_wait3A_28] : memref<400x64xf32, #tpu.memory_space<vmem>> -> memref<50x64xf32, #tpu.memory_space<vmem>>
    tpu.wait_dma2 semaphore(%arg14 : memref<!tpu.dma_semaphore, #tpu.memory_space<semaphore_mem>>) src(%dma_wait3A_29 : memref<50x64xf32, #tpu.memory_space<vmem>>) dst(%dma_wait3A_26 : memref<50x64xf32, #tpu.memory_space<hbm>>)
    %add3A_30 = arith.constant 480 : i32
    %add3A_31 = arith.addi %mul3A_4, %add3A_30 : i32
    %add3A_32 = arith.constant 1 : i32
    %add3A_33 = arith.addi %add3A_31, %add3A_32 : i32
    %dma_wait3A_34 = arith.constant 50 : i32
    %dma_wait3A_35 = arith.constant 0 : i32
    %dma_wait3A_36 = tpu.memref_slice %arg6[%dma_wait3A_34, %dma_wait3A_35] : memref<400x64xf32, #tpu.memory_space<vmem>> -> memref<50x64xf32, #tpu.memory_space<vmem>>
    %dma_wait3A_37 = arith.constant 0 : i32
    %dma_wait3A_38 = arith.constant 0 : i32
    %dma_wait3A_39 = tpu.memref_slice %arg4[%add3A_33, %dma_wait3A_37, %dma_wait3A_38] : memref<16384x50x64xf32, #tpu.memory_space<hbm>> -> memref<1x50x64xf32, #tpu.memory_space<hbm>>
    %dma_wait3A_40 = tpu.memref_squeeze %dma_wait3A_39 : memref<1x50x64xf32, #tpu.memory_space<hbm>> -> memref<50x64xf32, #tpu.memory_space<hbm>>
    %dma_wait3A_41 = arith.constant 0 : i32
    %dma_wait3A_42 = arith.constant 0 : i32
    %dma_wait3A_43 = tpu.memref_slice %arg4[%add3A_33, %dma_wait3A_41, %dma_wait3A_42] : memref<16384x50x64xf32, #tpu.memory_space<hbm>> -> memref<1x50x64xf32, #tpu.memory_space<hbm>>
    %dma_wait3A_44 = tpu.memref_squeeze %dma_wait3A_43 : memref<1x50x64xf32, #tpu.memory_space<hbm>> -> memref<50x64xf32, #tpu.memory_space<hbm>>
    %dma_wait3A_45 = arith.constant 50 : i32
    %dma_wait3A_46 = arith.constant 0 : i32
    %dma_wait3A_47 = tpu.memref_slice %arg6[%dma_wait3A_45, %dma_wait3A_46] : memref<400x64xf32, #tpu.memory_space<vmem>> -> memref<50x64xf32, #tpu.memory_space<vmem>>
    tpu.wait_dma2 semaphore(%arg14 : memref<!tpu.dma_semaphore, #tpu.memory_space<semaphore_mem>>) src(%dma_wait3A_47 : memref<50x64xf32, #tpu.memory_space<vmem>>) dst(%dma_wait3A_44 : memref<50x64xf32, #tpu.memory_space<hbm>>)
    %add3A_48 = arith.constant 480 : i32
    %add3A_49 = arith.addi %mul3A_4, %add3A_48 : i32
    %add3A_50 = arith.constant 2 : i32
    %add3A_51 = arith.addi %add3A_49, %add3A_50 : i32
    %dma_wait3A_52 = arith.constant 100 : i32
    %dma_wait3A_53 = arith.constant 0 : i32
    %dma_wait3A_54 = tpu.memref_slice %arg6[%dma_wait3A_52, %dma_wait3A_53] : memref<400x64xf32, #tpu.memory_space<vmem>> -> memref<50x64xf32, #tpu.memory_space<vmem>>
    %dma_wait3A_55 = arith.constant 0 : i32
    %dma_wait3A_56 = arith.constant 0 : i32
    %dma_wait3A_57 = tpu.memref_slice %arg4[%add3A_51, %dma_wait3A_55, %dma_wait3A_56] : memref<16384x50x64xf32, #tpu.memory_space<hbm>> -> memref<1x50x64xf32, #tpu.memory_space<hbm>>
    %dma_wait3A_58 = tpu.memref_squeeze %dma_wait3A_57 : memref<1x50x64xf32, #tpu.memory_space<hbm>> -> memref<50x64xf32, #tpu.memory_space<hbm>>
    %dma_wait3A_59 = arith.constant 0 : i32
    %dma_wait3A_60 = arith.constant 0 : i32
    %dma_wait3A_61 = tpu.memref_slice %arg4[%add3A_51, %dma_wait3A_59, %dma_wait3A_60] : memref<16384x50x64xf32, #tpu.memory_space<hbm>> -> memref<1x50x64xf32, #tpu.memory_space<hbm>>
    %dma_wait3A_62 = tpu.memref_squeeze %dma_wait3A_61 : memref<1x50x64xf32, #tpu.memory_space<hbm>> -> memref<50x64xf32, #tpu.memory_space<hbm>>
    %dma_wait3A_63 = arith.constant 100 : i32
    %dma_wait3A_64 = arith.constant 0 : i32
    %dma_wait3A_65 = tpu.memref_slice %arg6[%dma_wait3A_63, %dma_wait3A_64] : memref<400x64xf32, #tpu.memory_space<vmem>> -> memref<50x64xf32, #tpu.memory_space<vmem>>
    tpu.wait_dma2 semaphore(%arg14 : memref<!tpu.dma_semaphore, #tpu.memory_space<semaphore_mem>>) src(%dma_wait3A_65 : memref<50x64xf32, #tpu.memory_space<vmem>>) dst(%dma_wait3A_62 : memref<50x64xf32, #tpu.memory_space<hbm>>)
    %add3A_66 = arith.constant 480 : i32
    %add3A_67 = arith.addi %mul3A_4, %add3A_66 : i32
    %add3A_68 = arith.constant 3 : i32
    %add3A_69 = arith.addi %add3A_67, %add3A_68 : i32
    %dma_wait3A_70 = arith.constant 150 : i32
    %dma_wait3A_71 = arith.constant 0 : i32
    %dma_wait3A_72 = tpu.memref_slice %arg6[%dma_wait3A_70, %dma_wait3A_71] : memref<400x64xf32, #tpu.memory_space<vmem>> -> memref<50x64xf32, #tpu.memory_space<vmem>>
    %dma_wait3A_73 = arith.constant 0 : i32
    %dma_wait3A_74 = arith.constant 0 : i32
    %dma_wait3A_75 = tpu.memref_slice %arg4[%add3A_69, %dma_wait3A_73, %dma_wait3A_74] : memref<16384x50x64xf32, #tpu.memory_space<hbm>> -> memref<1x50x64xf32, #tpu.memory_space<hbm>>
    %dma_wait3A_76 = tpu.memref_squeeze %dma_wait3A_75 : memref<1x50x64xf32, #tpu.memory_space<hbm>> -> memref<50x64xf32, #tpu.memory_space<hbm>>
    %dma_wait3A_77 = arith.constant 0 : i32
    %dma_wait3A_78 = arith.constant 0 : i32
    %dma_wait3A_79 = tpu.memref_slice %arg4[%add3A_69, %dma_wait3A_77, %dma_wait3A_78] : memref<16384x50x64xf32, #tpu.memory_space<hbm>> -> memref<1x50x64xf32, #tpu.memory_space<hbm>>
    %dma_wait3A_80 = tpu.memref_squeeze %dma_wait3A_79 : memref<1x50x64xf32, #tpu.memory_space<hbm>> -> memref<50x64xf32, #tpu.memory_space<hbm>>
    %dma_wait3A_81 = arith.constant 150 : i32
    %dma_wait3A_82 = arith.constant 0 : i32
    %dma_wait3A_83 = tpu.memref_slice %arg6[%dma_wait3A_81, %dma_wait3A_82] : memref<400x64xf32, #tpu.memory_space<vmem>> -> memref<50x64xf32, #tpu.memory_space<vmem>>
    tpu.wait_dma2 semaphore(%arg14 : memref<!tpu.dma_semaphore, #tpu.memory_space<semaphore_mem>>) src(%dma_wait3A_83 : memref<50x64xf32, #tpu.memory_space<vmem>>) dst(%dma_wait3A_80 : memref<50x64xf32, #tpu.memory_space<hbm>>)
    %add3A_84 = arith.constant 480 : i32
    %add3A_85 = arith.addi %mul3A_4, %add3A_84 : i32
    %add3A_86 = arith.constant 4 : i32
    %add3A_87 = arith.addi %add3A_85, %add3A_86 : i32
    %dma_wait3A_88 = arith.constant 200 : i32
    %dma_wait3A_89 = arith.constant 0 : i32
    %dma_wait3A_90 = tpu.memref_slice %arg6[%dma_wait3A_88, %dma_wait3A_89] : memref<400x64xf32, #tpu.memory_space<vmem>> -> memref<50x64xf32, #tpu.memory_space<vmem>>
    %dma_wait3A_91 = arith.constant 0 : i32
    %dma_wait3A_92 = arith.constant 0 : i32
    %dma_wait3A_93 = tpu.memref_slice %arg4[%add3A_87, %dma_wait3A_91, %dma_wait3A_92] : memref<16384x50x64xf32, #tpu.memory_space<hbm>> -> memref<1x50x64xf32, #tpu.memory_space<hbm>>
    %dma_wait3A_94 = tpu.memref_squeeze %dma_wait3A_93 : memref<1x50x64xf32, #tpu.memory_space<hbm>> -> memref<50x64xf32, #tpu.memory_space<hbm>>
    %dma_wait3A_95 = arith.constant 0 : i32
    %dma_wait3A_96 = arith.constant 0 : i32
    %dma_wait3A_97 = tpu.memref_slice %arg4[%add3A_87, %dma_wait3A_95, %dma_wait3A_96] : memref<16384x50x64xf32, #tpu.memory_space<hbm>> -> memref<1x50x64xf32, #tpu.memory_space<hbm>>
    %dma_wait3A_98 = tpu.memref_squeeze %dma_wait3A_97 : memref<1x50x64xf32, #tpu.memory_space<hbm>> -> memref<50x64xf32, #tpu.memory_space<hbm>>
    %dma_wait3A_99 = arith.constant 200 : i32
    %dma_wait3A_100 = arith.constant 0 : i32
    %dma_wait3A_101 = tpu.memref_slice %arg6[%dma_wait3A_99, %dma_wait3A_100] : memref<400x64xf32, #tpu.memory_space<vmem>> -> memref<50x64xf32, #tpu.memory_space<vmem>>
    tpu.wait_dma2 semaphore(%arg14 : memref<!tpu.dma_semaphore, #tpu.memory_space<semaphore_mem>>) src(%dma_wait3A_101 : memref<50x64xf32, #tpu.memory_space<vmem>>) dst(%dma_wait3A_98 : memref<50x64xf32, #tpu.memory_space<hbm>>)
    %add3A_102 = arith.constant 480 : i32
    %add3A_103 = arith.addi %mul3A_4, %add3A_102 : i32
    %add3A_104 = arith.constant 5 : i32
    %add3A_105 = arith.addi %add3A_103, %add3A_104 : i32
    %dma_wait3A_106 = arith.constant 250 : i32
    %dma_wait3A_107 = arith.constant 0 : i32
    %dma_wait3A_108 = tpu.memref_slice %arg6[%dma_wait3A_106, %dma_wait3A_107] : memref<400x64xf32, #tpu.memory_space<vmem>> -> memref<50x64xf32, #tpu.memory_space<vmem>>
    %dma_wait3A_109 = arith.constant 0 : i32
    %dma_wait3A_110 = arith.constant 0 : i32
    %dma_wait3A_111 = tpu.memref_slice %arg4[%add3A_105, %dma_wait3A_109, %dma_wait3A_110] : memref<16384x50x64xf32, #tpu.memory_space<hbm>> -> memref<1x50x64xf32, #tpu.memory_space<hbm>>
    %dma_wait3A_112 = tpu.memref_squeeze %dma_wait3A_111 : memref<1x50x64xf32, #tpu.memory_space<hbm>> -> memref<50x64xf32, #tpu.memory_space<hbm>>
    %dma_wait3A_113 = arith.constant 0 : i32
    %dma_wait3A_114 = arith.constant 0 : i32
    %dma_wait3A_115 = tpu.memref_slice %arg4[%add3A_105, %dma_wait3A_113, %dma_wait3A_114] : memref<16384x50x64xf32, #tpu.memory_space<hbm>> -> memref<1x50x64xf32, #tpu.memory_space<hbm>>
    %dma_wait3A_116 = tpu.memref_squeeze %dma_wait3A_115 : memref<1x50x64xf32, #tpu.memory_space<hbm>> -> memref<50x64xf32, #tpu.memory_space<hbm>>
    %dma_wait3A_117 = arith.constant 250 : i32
    %dma_wait3A_118 = arith.constant 0 : i32
    %dma_wait3A_119 = tpu.memref_slice %arg6[%dma_wait3A_117, %dma_wait3A_118] : memref<400x64xf32, #tpu.memory_space<vmem>> -> memref<50x64xf32, #tpu.memory_space<vmem>>
    tpu.wait_dma2 semaphore(%arg14 : memref<!tpu.dma_semaphore, #tpu.memory_space<semaphore_mem>>) src(%dma_wait3A_119 : memref<50x64xf32, #tpu.memory_space<vmem>>) dst(%dma_wait3A_116 : memref<50x64xf32, #tpu.memory_space<hbm>>)
    %add3A_120 = arith.constant 480 : i32
    %add3A_121 = arith.addi %mul3A_4, %add3A_120 : i32
    %add3A_122 = arith.constant 6 : i32
    %add3A_123 = arith.addi %add3A_121, %add3A_122 : i32
    %dma_wait3A_124 = arith.constant 300 : i32
    %dma_wait3A_125 = arith.constant 0 : i32
    %dma_wait3A_126 = tpu.memref_slice %arg6[%dma_wait3A_124, %dma_wait3A_125] : memref<400x64xf32, #tpu.memory_space<vmem>> -> memref<50x64xf32, #tpu.memory_space<vmem>>
    %dma_wait3A_127 = arith.constant 0 : i32
    %dma_wait3A_128 = arith.constant 0 : i32
    %dma_wait3A_129 = tpu.memref_slice %arg4[%add3A_123, %dma_wait3A_127, %dma_wait3A_128] : memref<16384x50x64xf32, #tpu.memory_space<hbm>> -> memref<1x50x64xf32, #tpu.memory_space<hbm>>
    %dma_wait3A_130 = tpu.memref_squeeze %dma_wait3A_129 : memref<1x50x64xf32, #tpu.memory_space<hbm>> -> memref<50x64xf32, #tpu.memory_space<hbm>>
    %dma_wait3A_131 = arith.constant 0 : i32
    %dma_wait3A_132 = arith.constant 0 : i32
    %dma_wait3A_133 = tpu.memref_slice %arg4[%add3A_123, %dma_wait3A_131, %dma_wait3A_132] : memref<16384x50x64xf32, #tpu.memory_space<hbm>> -> memref<1x50x64xf32, #tpu.memory_space<hbm>>
    %dma_wait3A_134 = tpu.memref_squeeze %dma_wait3A_133 : memref<1x50x64xf32, #tpu.memory_space<hbm>> -> memref<50x64xf32, #tpu.memory_space<hbm>>
    %dma_wait3A_135 = arith.constant 300 : i32
    %dma_wait3A_136 = arith.constant 0 : i32
    %dma_wait3A_137 = tpu.memref_slice %arg6[%dma_wait3A_135, %dma_wait3A_136] : memref<400x64xf32, #tpu.memory_space<vmem>> -> memref<50x64xf32, #tpu.memory_space<vmem>>
    tpu.wait_dma2 semaphore(%arg14 : memref<!tpu.dma_semaphore, #tpu.memory_space<semaphore_mem>>) src(%dma_wait3A_137 : memref<50x64xf32, #tpu.memory_space<vmem>>) dst(%dma_wait3A_134 : memref<50x64xf32, #tpu.memory_space<hbm>>)
    %add3A_138 = arith.constant 480 : i32
    %add3A_139 = arith.addi %mul3A_4, %add3A_138 : i32
    %add3A_140 = arith.constant 7 : i32
    %add3A_141 = arith.addi %add3A_139, %add3A_140 : i32
    %dma_wait3A_142 = arith.constant 350 : i32
    %dma_wait3A_143 = arith.constant 0 : i32
    %dma_wait3A_144 = tpu.memref_slice %arg6[%dma_wait3A_142, %dma_wait3A_143] : memref<400x64xf32, #tpu.memory_space<vmem>> -> memref<50x64xf32, #tpu.memory_space<vmem>>
    %dma_wait3A_145 = arith.constant 0 : i32
    %dma_wait3A_146 = arith.constant 0 : i32
    %dma_wait3A_147 = tpu.memref_slice %arg4[%add3A_141, %dma_wait3A_145, %dma_wait3A_146] : memref<16384x50x64xf32, #tpu.memory_space<hbm>> -> memref<1x50x64xf32, #tpu.memory_space<hbm>>
    %dma_wait3A_148 = tpu.memref_squeeze %dma_wait3A_147 : memref<1x50x64xf32, #tpu.memory_space<hbm>> -> memref<50x64xf32, #tpu.memory_space<hbm>>
    %dma_wait3A_149 = arith.constant 0 : i32
    %dma_wait3A_150 = arith.constant 0 : i32
    %dma_wait3A_151 = tpu.memref_slice %arg4[%add3A_141, %dma_wait3A_149, %dma_wait3A_150] : memref<16384x50x64xf32, #tpu.memory_space<hbm>> -> memref<1x50x64xf32, #tpu.memory_space<hbm>>
    %dma_wait3A_152 = tpu.memref_squeeze %dma_wait3A_151 : memref<1x50x64xf32, #tpu.memory_space<hbm>> -> memref<50x64xf32, #tpu.memory_space<hbm>>
    %dma_wait3A_153 = arith.constant 350 : i32
    %dma_wait3A_154 = arith.constant 0 : i32
    %dma_wait3A_155 = tpu.memref_slice %arg6[%dma_wait3A_153, %dma_wait3A_154] : memref<400x64xf32, #tpu.memory_space<vmem>> -> memref<50x64xf32, #tpu.memory_space<vmem>>
    tpu.wait_dma2 semaphore(%arg14 : memref<!tpu.dma_semaphore, #tpu.memory_space<semaphore_mem>>) src(%dma_wait3A_155 : memref<50x64xf32, #tpu.memory_space<vmem>>) dst(%dma_wait3A_152 : memref<50x64xf32, #tpu.memory_space<hbm>>)
    %add3A_156 = arith.constant 488 : i32
    %add3A_157 = arith.addi %mul3A_4, %add3A_156 : i32
    %add3A_158 = arith.constant 0 : i32
    %add3A_159 = arith.addi %add3A_157, %add3A_158 : i32
    %dma_wait3A_160 = arith.constant 0 : i32
    %dma_wait3A_161 = arith.constant 0 : i32
    %dma_wait3A_162 = tpu.memref_slice %arg7[%dma_wait3A_160, %dma_wait3A_161] : memref<400x64xf32, #tpu.memory_space<vmem>> -> memref<50x64xf32, #tpu.memory_space<vmem>>
    %dma_wait3A_163 = arith.constant 0 : i32
    %dma_wait3A_164 = arith.constant 0 : i32
    %dma_wait3A_165 = tpu.memref_slice %arg4[%add3A_159, %dma_wait3A_163, %dma_wait3A_164] : memref<16384x50x64xf32, #tpu.memory_space<hbm>> -> memref<1x50x64xf32, #tpu.memory_space<hbm>>
    %dma_wait3A_166 = tpu.memref_squeeze %dma_wait3A_165 : memref<1x50x64xf32, #tpu.memory_space<hbm>> -> memref<50x64xf32, #tpu.memory_space<hbm>>
    %dma_wait3A_167 = arith.constant 0 : i32
    %dma_wait3A_168 = arith.constant 0 : i32
    %dma_wait3A_169 = tpu.memref_slice %arg4[%add3A_159, %dma_wait3A_167, %dma_wait3A_168] : memref<16384x50x64xf32, #tpu.memory_space<hbm>> -> memref<1x50x64xf32, #tpu.memory_space<hbm>>
    %dma_wait3A_170 = tpu.memref_squeeze %dma_wait3A_169 : memref<1x50x64xf32, #tpu.memory_space<hbm>> -> memref<50x64xf32, #tpu.memory_space<hbm>>
    %dma_wait3A_171 = arith.constant 0 : i32
    %dma_wait3A_172 = arith.constant 0 : i32
    %dma_wait3A_173 = tpu.memref_slice %arg7[%dma_wait3A_171, %dma_wait3A_172] : memref<400x64xf32, #tpu.memory_space<vmem>> -> memref<50x64xf32, #tpu.memory_space<vmem>>
    tpu.wait_dma2 semaphore(%arg15 : memref<!tpu.dma_semaphore, #tpu.memory_space<semaphore_mem>>) src(%dma_wait3A_173 : memref<50x64xf32, #tpu.memory_space<vmem>>) dst(%dma_wait3A_170 : memref<50x64xf32, #tpu.memory_space<hbm>>)
    %add3A_174 = arith.constant 488 : i32
    %add3A_175 = arith.addi %mul3A_4, %add3A_174 : i32
    %add3A_176 = arith.constant 1 : i32
    %add3A_177 = arith.addi %add3A_175, %add3A_176 : i32
    %dma_wait3A_178 = arith.constant 50 : i32
    %dma_wait3A_179 = arith.constant 0 : i32
    %dma_wait3A_180 = tpu.memref_slice %arg7[%dma_wait3A_178, %dma_wait3A_179] : memref<400x64xf32, #tpu.memory_space<vmem>> -> memref<50x64xf32, #tpu.memory_space<vmem>>
    %dma_wait3A_181 = arith.constant 0 : i32
    %dma_wait3A_182 = arith.constant 0 : i32
    %dma_wait3A_183 = tpu.memref_slice %arg4[%add3A_177, %dma_wait3A_181, %dma_wait3A_182] : memref<16384x50x64xf32, #tpu.memory_space<hbm>> -> memref<1x50x64xf32, #tpu.memory_space<hbm>>
    %dma_wait3A_184 = tpu.memref_squeeze %dma_wait3A_183 : memref<1x50x64xf32, #tpu.memory_space<hbm>> -> memref<50x64xf32, #tpu.memory_space<hbm>>
    %dma_wait3A_185 = arith.constant 0 : i32
    %dma_wait3A_186 = arith.constant 0 : i32
    %dma_wait3A_187 = tpu.memref_slice %arg4[%add3A_177, %dma_wait3A_185, %dma_wait3A_186] : memref<16384x50x64xf32, #tpu.memory_space<hbm>> -> memref<1x50x64xf32, #tpu.memory_space<hbm>>
    %dma_wait3A_188 = tpu.memref_squeeze %dma_wait3A_187 : memref<1x50x64xf32, #tpu.memory_space<hbm>> -> memref<50x64xf32, #tpu.memory_space<hbm>>
    %dma_wait3A_189 = arith.constant 50 : i32
    %dma_wait3A_190 = arith.constant 0 : i32
    %dma_wait3A_191 = tpu.memref_slice %arg7[%dma_wait3A_189, %dma_wait3A_190] : memref<400x64xf32, #tpu.memory_space<vmem>> -> memref<50x64xf32, #tpu.memory_space<vmem>>
    tpu.wait_dma2 semaphore(%arg15 : memref<!tpu.dma_semaphore, #tpu.memory_space<semaphore_mem>>) src(%dma_wait3A_191 : memref<50x64xf32, #tpu.memory_space<vmem>>) dst(%dma_wait3A_188 : memref<50x64xf32, #tpu.memory_space<hbm>>)
    %add3A_192 = arith.constant 488 : i32
    %add3A_193 = arith.addi %mul3A_4, %add3A_192 : i32
    %add3A_194 = arith.constant 2 : i32
    %add3A_195 = arith.addi %add3A_193, %add3A_194 : i32
    %dma_wait3A_196 = arith.constant 100 : i32
    %dma_wait3A_197 = arith.constant 0 : i32
    %dma_wait3A_198 = tpu.memref_slice %arg7[%dma_wait3A_196, %dma_wait3A_197] : memref<400x64xf32, #tpu.memory_space<vmem>> -> memref<50x64xf32, #tpu.memory_space<vmem>>
    %dma_wait3A_199 = arith.constant 0 : i32
    %dma_wait3A_200 = arith.constant 0 : i32
    %dma_wait3A_201 = tpu.memref_slice %arg4[%add3A_195, %dma_wait3A_199, %dma_wait3A_200] : memref<16384x50x64xf32, #tpu.memory_space<hbm>> -> memref<1x50x64xf32, #tpu.memory_space<hbm>>
    %dma_wait3A_202 = tpu.memref_squeeze %dma_wait3A_201 : memref<1x50x64xf32, #tpu.memory_space<hbm>> -> memref<50x64xf32, #tpu.memory_space<hbm>>
    %dma_wait3A_203 = arith.constant 0 : i32
    %dma_wait3A_204 = arith.constant 0 : i32
    %dma_wait3A_205 = tpu.memref_slice %arg4[%add3A_195, %dma_wait3A_203, %dma_wait3A_204] : memref<16384x50x64xf32, #tpu.memory_space<hbm>> -> memref<1x50x64xf32, #tpu.memory_space<hbm>>
    %dma_wait3A_206 = tpu.memref_squeeze %dma_wait3A_205 : memref<1x50x64xf32, #tpu.memory_space<hbm>> -> memref<50x64xf32, #tpu.memory_space<hbm>>
    %dma_wait3A_207 = arith.constant 100 : i32
    %dma_wait3A_208 = arith.constant 0 : i32
    %dma_wait3A_209 = tpu.memref_slice %arg7[%dma_wait3A_207, %dma_wait3A_208] : memref<400x64xf32, #tpu.memory_space<vmem>> -> memref<50x64xf32, #tpu.memory_space<vmem>>
    tpu.wait_dma2 semaphore(%arg15 : memref<!tpu.dma_semaphore, #tpu.memory_space<semaphore_mem>>) src(%dma_wait3A_209 : memref<50x64xf32, #tpu.memory_space<vmem>>) dst(%dma_wait3A_206 : memref<50x64xf32, #tpu.memory_space<hbm>>)
    %add3A_210 = arith.constant 488 : i32
    %add3A_211 = arith.addi %mul3A_4, %add3A_210 : i32
    %add3A_212 = arith.constant 3 : i32
    %add3A_213 = arith.addi %add3A_211, %add3A_212 : i32
    %dma_wait3A_214 = arith.constant 150 : i32
    %dma_wait3A_215 = arith.constant 0 : i32
    %dma_wait3A_216 = tpu.memref_slice %arg7[%dma_wait3A_214, %dma_wait3A_215] : memref<400x64xf32, #tpu.memory_space<vmem>> -> memref<50x64xf32, #tpu.memory_space<vmem>>
    %dma_wait3A_217 = arith.constant 0 : i32
    %dma_wait3A_218 = arith.constant 0 : i32
    %dma_wait3A_219 = tpu.memref_slice %arg4[%add3A_213, %dma_wait3A_217, %dma_wait3A_218] : memref<16384x50x64xf32, #tpu.memory_space<hbm>> -> memref<1x50x64xf32, #tpu.memory_space<hbm>>
    %dma_wait3A_220 = tpu.memref_squeeze %dma_wait3A_219 : memref<1x50x64xf32, #tpu.memory_space<hbm>> -> memref<50x64xf32, #tpu.memory_space<hbm>>
    %dma_wait3A_221 = arith.constant 0 : i32
    %dma_wait3A_222 = arith.constant 0 : i32
    %dma_wait3A_223 = tpu.memref_slice %arg4[%add3A_213, %dma_wait3A_221, %dma_wait3A_222] : memref<16384x50x64xf32, #tpu.memory_space<hbm>> -> memref<1x50x64xf32, #tpu.memory_space<hbm>>
    %dma_wait3A_224 = tpu.memref_squeeze %dma_wait3A_223 : memref<1x50x64xf32, #tpu.memory_space<hbm>> -> memref<50x64xf32, #tpu.memory_space<hbm>>
    %dma_wait3A_225 = arith.constant 150 : i32
    %dma_wait3A_226 = arith.constant 0 : i32
    %dma_wait3A_227 = tpu.memref_slice %arg7[%dma_wait3A_225, %dma_wait3A_226] : memref<400x64xf32, #tpu.memory_space<vmem>> -> memref<50x64xf32, #tpu.memory_space<vmem>>
    tpu.wait_dma2 semaphore(%arg15 : memref<!tpu.dma_semaphore, #tpu.memory_space<semaphore_mem>>) src(%dma_wait3A_227 : memref<50x64xf32, #tpu.memory_space<vmem>>) dst(%dma_wait3A_224 : memref<50x64xf32, #tpu.memory_space<hbm>>)
    %add3A_228 = arith.constant 488 : i32
    %add3A_229 = arith.addi %mul3A_4, %add3A_228 : i32
    %add3A_230 = arith.constant 4 : i32
    %add3A_231 = arith.addi %add3A_229, %add3A_230 : i32
    %dma_wait3A_232 = arith.constant 200 : i32
    %dma_wait3A_233 = arith.constant 0 : i32
    %dma_wait3A_234 = tpu.memref_slice %arg7[%dma_wait3A_232, %dma_wait3A_233] : memref<400x64xf32, #tpu.memory_space<vmem>> -> memref<50x64xf32, #tpu.memory_space<vmem>>
    %dma_wait3A_235 = arith.constant 0 : i32
    %dma_wait3A_236 = arith.constant 0 : i32
    %dma_wait3A_237 = tpu.memref_slice %arg4[%add3A_231, %dma_wait3A_235, %dma_wait3A_236] : memref<16384x50x64xf32, #tpu.memory_space<hbm>> -> memref<1x50x64xf32, #tpu.memory_space<hbm>>
    %dma_wait3A_238 = tpu.memref_squeeze %dma_wait3A_237 : memref<1x50x64xf32, #tpu.memory_space<hbm>> -> memref<50x64xf32, #tpu.memory_space<hbm>>
    %dma_wait3A_239 = arith.constant 0 : i32
    %dma_wait3A_240 = arith.constant 0 : i32
    %dma_wait3A_241 = tpu.memref_slice %arg4[%add3A_231, %dma_wait3A_239, %dma_wait3A_240] : memref<16384x50x64xf32, #tpu.memory_space<hbm>> -> memref<1x50x64xf32, #tpu.memory_space<hbm>>
    %dma_wait3A_242 = tpu.memref_squeeze %dma_wait3A_241 : memref<1x50x64xf32, #tpu.memory_space<hbm>> -> memref<50x64xf32, #tpu.memory_space<hbm>>
    %dma_wait3A_243 = arith.constant 200 : i32
    %dma_wait3A_244 = arith.constant 0 : i32
    %dma_wait3A_245 = tpu.memref_slice %arg7[%dma_wait3A_243, %dma_wait3A_244] : memref<400x64xf32, #tpu.memory_space<vmem>> -> memref<50x64xf32, #tpu.memory_space<vmem>>
    tpu.wait_dma2 semaphore(%arg15 : memref<!tpu.dma_semaphore, #tpu.memory_space<semaphore_mem>>) src(%dma_wait3A_245 : memref<50x64xf32, #tpu.memory_space<vmem>>) dst(%dma_wait3A_242 : memref<50x64xf32, #tpu.memory_space<hbm>>)
    %add3A_246 = arith.constant 488 : i32
    %add3A_247 = arith.addi %mul3A_4, %add3A_246 : i32
    %add3A_248 = arith.constant 5 : i32
    %add3A_249 = arith.addi %add3A_247, %add3A_248 : i32
    %dma_wait3A_250 = arith.constant 250 : i32
    %dma_wait3A_251 = arith.constant 0 : i32
    %dma_wait3A_252 = tpu.memref_slice %arg7[%dma_wait3A_250, %dma_wait3A_251] : memref<400x64xf32, #tpu.memory_space<vmem>> -> memref<50x64xf32, #tpu.memory_space<vmem>>
    %dma_wait3A_253 = arith.constant 0 : i32
    %dma_wait3A_254 = arith.constant 0 : i32
    %dma_wait3A_255 = tpu.memref_slice %arg4[%add3A_249, %dma_wait3A_253, %dma_wait3A_254] : memref<16384x50x64xf32, #tpu.memory_space<hbm>> -> memref<1x50x64xf32, #tpu.memory_space<hbm>>
    %dma_wait3A_256 = tpu.memref_squeeze %dma_wait3A_255 : memref<1x50x64xf32, #tpu.memory_space<hbm>> -> memref<50x64xf32, #tpu.memory_space<hbm>>
    %dma_wait3A_257 = arith.constant 0 : i32
    %dma_wait3A_258 = arith.constant 0 : i32
    %dma_wait3A_259 = tpu.memref_slice %arg4[%add3A_249, %dma_wait3A_257, %dma_wait3A_258] : memref<16384x50x64xf32, #tpu.memory_space<hbm>> -> memref<1x50x64xf32, #tpu.memory_space<hbm>>
    %dma_wait3A_260 = tpu.memref_squeeze %dma_wait3A_259 : memref<1x50x64xf32, #tpu.memory_space<hbm>> -> memref<50x64xf32, #tpu.memory_space<hbm>>
    %dma_wait3A_261 = arith.constant 250 : i32
    %dma_wait3A_262 = arith.constant 0 : i32
    %dma_wait3A_263 = tpu.memref_slice %arg7[%dma_wait3A_261, %dma_wait3A_262] : memref<400x64xf32, #tpu.memory_space<vmem>> -> memref<50x64xf32, #tpu.memory_space<vmem>>
    tpu.wait_dma2 semaphore(%arg15 : memref<!tpu.dma_semaphore, #tpu.memory_space<semaphore_mem>>) src(%dma_wait3A_263 : memref<50x64xf32, #tpu.memory_space<vmem>>) dst(%dma_wait3A_260 : memref<50x64xf32, #tpu.memory_space<hbm>>)
    %add3A_264 = arith.constant 488 : i32
    %add3A_265 = arith.addi %mul3A_4, %add3A_264 : i32
    %add3A_266 = arith.constant 6 : i32
    %add3A_267 = arith.addi %add3A_265, %add3A_266 : i32
    %dma_wait3A_268 = arith.constant 300 : i32
    %dma_wait3A_269 = arith.constant 0 : i32
    %dma_wait3A_270 = tpu.memref_slice %arg7[%dma_wait3A_268, %dma_wait3A_269] : memref<400x64xf32, #tpu.memory_space<vmem>> -> memref<50x64xf32, #tpu.memory_space<vmem>>
    %dma_wait3A_271 = arith.constant 0 : i32
    %dma_wait3A_272 = arith.constant 0 : i32
    %dma_wait3A_273 = tpu.memref_slice %arg4[%add3A_267, %dma_wait3A_271, %dma_wait3A_272] : memref<16384x50x64xf32, #tpu.memory_space<hbm>> -> memref<1x50x64xf32, #tpu.memory_space<hbm>>
    %dma_wait3A_274 = tpu.memref_squeeze %dma_wait3A_273 : memref<1x50x64xf32, #tpu.memory_space<hbm>> -> memref<50x64xf32, #tpu.memory_space<hbm>>
    %dma_wait3A_275 = arith.constant 0 : i32
    %dma_wait3A_276 = arith.constant 0 : i32
    %dma_wait3A_277 = tpu.memref_slice %arg4[%add3A_267, %dma_wait3A_275, %dma_wait3A_276] : memref<16384x50x64xf32, #tpu.memory_space<hbm>> -> memref<1x50x64xf32, #tpu.memory_space<hbm>>
    %dma_wait3A_278 = tpu.memref_squeeze %dma_wait3A_277 : memref<1x50x64xf32, #tpu.memory_space<hbm>> -> memref<50x64xf32, #tpu.memory_space<hbm>>
    %dma_wait3A_279 = arith.constant 300 : i32
    %dma_wait3A_280 = arith.constant 0 : i32
    %dma_wait3A_281 = tpu.memref_slice %arg7[%dma_wait3A_279, %dma_wait3A_280] : memref<400x64xf32, #tpu.memory_space<vmem>> -> memref<50x64xf32, #tpu.memory_space<vmem>>
    tpu.wait_dma2 semaphore(%arg15 : memref<!tpu.dma_semaphore, #tpu.memory_space<semaphore_mem>>) src(%dma_wait3A_281 : memref<50x64xf32, #tpu.memory_space<vmem>>) dst(%dma_wait3A_278 : memref<50x64xf32, #tpu.memory_space<hbm>>)
    %add3A_282 = arith.constant 488 : i32
    %add3A_283 = arith.addi %mul3A_4, %add3A_282 : i32
    %add3A_284 = arith.constant 7 : i32
    %add3A_285 = arith.addi %add3A_283, %add3A_284 : i32
    %dma_wait3A_286 = arith.constant 350 : i32
    %dma_wait3A_287 = arith.constant 0 : i32
    %dma_wait3A_288 = tpu.memref_slice %arg7[%dma_wait3A_286, %dma_wait3A_287] : memref<400x64xf32, #tpu.memory_space<vmem>> -> memref<50x64xf32, #tpu.memory_space<vmem>>
    %dma_wait3A_289 = arith.constant 0 : i32
    %dma_wait3A_290 = arith.constant 0 : i32
    %dma_wait3A_291 = tpu.memref_slice %arg4[%add3A_285, %dma_wait3A_289, %dma_wait3A_290] : memref<16384x50x64xf32, #tpu.memory_space<hbm>> -> memref<1x50x64xf32, #tpu.memory_space<hbm>>
    %dma_wait3A_292 = tpu.memref_squeeze %dma_wait3A_291 : memref<1x50x64xf32, #tpu.memory_space<hbm>> -> memref<50x64xf32, #tpu.memory_space<hbm>>
    %dma_wait3A_293 = arith.constant 0 : i32
    %dma_wait3A_294 = arith.constant 0 : i32
    %dma_wait3A_295 = tpu.memref_slice %arg4[%add3A_285, %dma_wait3A_293, %dma_wait3A_294] : memref<16384x50x64xf32, #tpu.memory_space<hbm>> -> memref<1x50x64xf32, #tpu.memory_space<hbm>>
    %dma_wait3A_296 = tpu.memref_squeeze %dma_wait3A_295 : memref<1x50x64xf32, #tpu.memory_space<hbm>> -> memref<50x64xf32, #tpu.memory_space<hbm>>
    %dma_wait3A_297 = arith.constant 350 : i32
    %dma_wait3A_298 = arith.constant 0 : i32
    %dma_wait3A_299 = tpu.memref_slice %arg7[%dma_wait3A_297, %dma_wait3A_298] : memref<400x64xf32, #tpu.memory_space<vmem>> -> memref<50x64xf32, #tpu.memory_space<vmem>>
    tpu.wait_dma2 semaphore(%arg15 : memref<!tpu.dma_semaphore, #tpu.memory_space<semaphore_mem>>) src(%dma_wait3A_299 : memref<50x64xf32, #tpu.memory_space<vmem>>) dst(%dma_wait3A_296 : memref<50x64xf32, #tpu.memory_space<hbm>>)
    %add3A_300 = arith.constant 496 : i32
    %add3A_301 = arith.addi %mul3A_4, %add3A_300 : i32
    %add3A_302 = arith.constant 0 : i32
    %add3A_303 = arith.addi %add3A_301, %add3A_302 : i32
    %dma_wait3A_304 = arith.constant 0 : i32
    %dma_wait3A_305 = arith.constant 0 : i32
    %dma_wait3A_306 = tpu.memref_slice %arg8[%dma_wait3A_304, %dma_wait3A_305] : memref<400x64xf32, #tpu.memory_space<vmem>> -> memref<50x64xf32, #tpu.memory_space<vmem>>
    %dma_wait3A_307 = arith.constant 0 : i32
    %dma_wait3A_308 = arith.constant 0 : i32
    %dma_wait3A_309 = tpu.memref_slice %arg4[%add3A_303, %dma_wait3A_307, %dma_wait3A_308] : memref<16384x50x64xf32, #tpu.memory_space<hbm>> -> memref<1x50x64xf32, #tpu.memory_space<hbm>>
    %dma_wait3A_310 = tpu.memref_squeeze %dma_wait3A_309 : memref<1x50x64xf32, #tpu.memory_space<hbm>> -> memref<50x64xf32, #tpu.memory_space<hbm>>
    %dma_wait3A_311 = arith.constant 0 : i32
    %dma_wait3A_312 = arith.constant 0 : i32
    %dma_wait3A_313 = tpu.memref_slice %arg4[%add3A_303, %dma_wait3A_311, %dma_wait3A_312] : memref<16384x50x64xf32, #tpu.memory_space<hbm>> -> memref<1x50x64xf32, #tpu.memory_space<hbm>>
    %dma_wait3A_314 = tpu.memref_squeeze %dma_wait3A_313 : memref<1x50x64xf32, #tpu.memory_space<hbm>> -> memref<50x64xf32, #tpu.memory_space<hbm>>
    %dma_wait3A_315 = arith.constant 0 : i32
    %dma_wait3A_316 = arith.constant 0 : i32
    %dma_wait3A_317 = tpu.memref_slice %arg8[%dma_wait3A_315, %dma_wait3A_316] : memref<400x64xf32, #tpu.memory_space<vmem>> -> memref<50x64xf32, #tpu.memory_space<vmem>>
    tpu.wait_dma2 semaphore(%arg16 : memref<!tpu.dma_semaphore, #tpu.memory_space<semaphore_mem>>) src(%dma_wait3A_317 : memref<50x64xf32, #tpu.memory_space<vmem>>) dst(%dma_wait3A_314 : memref<50x64xf32, #tpu.memory_space<hbm>>)
    %add3A_318 = arith.constant 496 : i32
    %add3A_319 = arith.addi %mul3A_4, %add3A_318 : i32
    %add3A_320 = arith.constant 1 : i32
    %add3A_321 = arith.addi %add3A_319, %add3A_320 : i32
    %dma_wait3A_322 = arith.constant 50 : i32
    %dma_wait3A_323 = arith.constant 0 : i32
    %dma_wait3A_324 = tpu.memref_slice %arg8[%dma_wait3A_322, %dma_wait3A_323] : memref<400x64xf32, #tpu.memory_space<vmem>> -> memref<50x64xf32, #tpu.memory_space<vmem>>
    %dma_wait3A_325 = arith.constant 0 : i32
    %dma_wait3A_326 = arith.constant 0 : i32
    %dma_wait3A_327 = tpu.memref_slice %arg4[%add3A_321, %dma_wait3A_325, %dma_wait3A_326] : memref<16384x50x64xf32, #tpu.memory_space<hbm>> -> memref<1x50x64xf32, #tpu.memory_space<hbm>>
    %dma_wait3A_328 = tpu.memref_squeeze %dma_wait3A_327 : memref<1x50x64xf32, #tpu.memory_space<hbm>> -> memref<50x64xf32, #tpu.memory_space<hbm>>
    %dma_wait3A_329 = arith.constant 0 : i32
    %dma_wait3A_330 = arith.constant 0 : i32
    %dma_wait3A_331 = tpu.memref_slice %arg4[%add3A_321, %dma_wait3A_329, %dma_wait3A_330] : memref<16384x50x64xf32, #tpu.memory_space<hbm>> -> memref<1x50x64xf32, #tpu.memory_space<hbm>>
    %dma_wait3A_332 = tpu.memref_squeeze %dma_wait3A_331 : memref<1x50x64xf32, #tpu.memory_space<hbm>> -> memref<50x64xf32, #tpu.memory_space<hbm>>
    %dma_wait3A_333 = arith.constant 50 : i32
    %dma_wait3A_334 = arith.constant 0 : i32
    %dma_wait3A_335 = tpu.memref_slice %arg8[%dma_wait3A_333, %dma_wait3A_334] : memref<400x64xf32, #tpu.memory_space<vmem>> -> memref<50x64xf32, #tpu.memory_space<vmem>>
    tpu.wait_dma2 semaphore(%arg16 : memref<!tpu.dma_semaphore, #tpu.memory_space<semaphore_mem>>) src(%dma_wait3A_335 : memref<50x64xf32, #tpu.memory_space<vmem>>) dst(%dma_wait3A_332 : memref<50x64xf32, #tpu.memory_space<hbm>>)
    %add3A_336 = arith.constant 496 : i32
    %add3A_337 = arith.addi %mul3A_4, %add3A_336 : i32
    %add3A_338 = arith.constant 2 : i32
    %add3A_339 = arith.addi %add3A_337, %add3A_338 : i32
    %dma_wait3A_340 = arith.constant 100 : i32
    %dma_wait3A_341 = arith.constant 0 : i32
    %dma_wait3A_342 = tpu.memref_slice %arg8[%dma_wait3A_340, %dma_wait3A_341] : memref<400x64xf32, #tpu.memory_space<vmem>> -> memref<50x64xf32, #tpu.memory_space<vmem>>
    %dma_wait3A_343 = arith.constant 0 : i32
    %dma_wait3A_344 = arith.constant 0 : i32
    %dma_wait3A_345 = tpu.memref_slice %arg4[%add3A_339, %dma_wait3A_343, %dma_wait3A_344] : memref<16384x50x64xf32, #tpu.memory_space<hbm>> -> memref<1x50x64xf32, #tpu.memory_space<hbm>>
    %dma_wait3A_346 = tpu.memref_squeeze %dma_wait3A_345 : memref<1x50x64xf32, #tpu.memory_space<hbm>> -> memref<50x64xf32, #tpu.memory_space<hbm>>
    %dma_wait3A_347 = arith.constant 0 : i32
    %dma_wait3A_348 = arith.constant 0 : i32
    %dma_wait3A_349 = tpu.memref_slice %arg4[%add3A_339, %dma_wait3A_347, %dma_wait3A_348] : memref<16384x50x64xf32, #tpu.memory_space<hbm>> -> memref<1x50x64xf32, #tpu.memory_space<hbm>>
    %dma_wait3A_350 = tpu.memref_squeeze %dma_wait3A_349 : memref<1x50x64xf32, #tpu.memory_space<hbm>> -> memref<50x64xf32, #tpu.memory_space<hbm>>
    %dma_wait3A_351 = arith.constant 100 : i32
    %dma_wait3A_352 = arith.constant 0 : i32
    %dma_wait3A_353 = tpu.memref_slice %arg8[%dma_wait3A_351, %dma_wait3A_352] : memref<400x64xf32, #tpu.memory_space<vmem>> -> memref<50x64xf32, #tpu.memory_space<vmem>>
    tpu.wait_dma2 semaphore(%arg16 : memref<!tpu.dma_semaphore, #tpu.memory_space<semaphore_mem>>) src(%dma_wait3A_353 : memref<50x64xf32, #tpu.memory_space<vmem>>) dst(%dma_wait3A_350 : memref<50x64xf32, #tpu.memory_space<hbm>>)
    %add3A_354 = arith.constant 496 : i32
    %add3A_355 = arith.addi %mul3A_4, %add3A_354 : i32
    %add3A_356 = arith.constant 3 : i32
    %add3A_357 = arith.addi %add3A_355, %add3A_356 : i32
    %dma_wait3A_358 = arith.constant 150 : i32
    %dma_wait3A_359 = arith.constant 0 : i32
    %dma_wait3A_360 = tpu.memref_slice %arg8[%dma_wait3A_358, %dma_wait3A_359] : memref<400x64xf32, #tpu.memory_space<vmem>> -> memref<50x64xf32, #tpu.memory_space<vmem>>
    %dma_wait3A_361 = arith.constant 0 : i32
    %dma_wait3A_362 = arith.constant 0 : i32
    %dma_wait3A_363 = tpu.memref_slice %arg4[%add3A_357, %dma_wait3A_361, %dma_wait3A_362] : memref<16384x50x64xf32, #tpu.memory_space<hbm>> -> memref<1x50x64xf32, #tpu.memory_space<hbm>>
    %dma_wait3A_364 = tpu.memref_squeeze %dma_wait3A_363 : memref<1x50x64xf32, #tpu.memory_space<hbm>> -> memref<50x64xf32, #tpu.memory_space<hbm>>
    %dma_wait3A_365 = arith.constant 0 : i32
    %dma_wait3A_366 = arith.constant 0 : i32
    %dma_wait3A_367 = tpu.memref_slice %arg4[%add3A_357, %dma_wait3A_365, %dma_wait3A_366] : memref<16384x50x64xf32, #tpu.memory_space<hbm>> -> memref<1x50x64xf32, #tpu.memory_space<hbm>>
    %dma_wait3A_368 = tpu.memref_squeeze %dma_wait3A_367 : memref<1x50x64xf32, #tpu.memory_space<hbm>> -> memref<50x64xf32, #tpu.memory_space<hbm>>
    %dma_wait3A_369 = arith.constant 150 : i32
    %dma_wait3A_370 = arith.constant 0 : i32
    %dma_wait3A_371 = tpu.memref_slice %arg8[%dma_wait3A_369, %dma_wait3A_370] : memref<400x64xf32, #tpu.memory_space<vmem>> -> memref<50x64xf32, #tpu.memory_space<vmem>>
    tpu.wait_dma2 semaphore(%arg16 : memref<!tpu.dma_semaphore, #tpu.memory_space<semaphore_mem>>) src(%dma_wait3A_371 : memref<50x64xf32, #tpu.memory_space<vmem>>) dst(%dma_wait3A_368 : memref<50x64xf32, #tpu.memory_space<hbm>>)
    %add3A_372 = arith.constant 496 : i32
    %add3A_373 = arith.addi %mul3A_4, %add3A_372 : i32
    %add3A_374 = arith.constant 4 : i32
    %add3A_375 = arith.addi %add3A_373, %add3A_374 : i32
    %dma_wait3A_376 = arith.constant 200 : i32
    %dma_wait3A_377 = arith.constant 0 : i32
    %dma_wait3A_378 = tpu.memref_slice %arg8[%dma_wait3A_376, %dma_wait3A_377] : memref<400x64xf32, #tpu.memory_space<vmem>> -> memref<50x64xf32, #tpu.memory_space<vmem>>
    %dma_wait3A_379 = arith.constant 0 : i32
    %dma_wait3A_380 = arith.constant 0 : i32
    %dma_wait3A_381 = tpu.memref_slice %arg4[%add3A_375, %dma_wait3A_379, %dma_wait3A_380] : memref<16384x50x64xf32, #tpu.memory_space<hbm>> -> memref<1x50x64xf32, #tpu.memory_space<hbm>>
    %dma_wait3A_382 = tpu.memref_squeeze %dma_wait3A_381 : memref<1x50x64xf32, #tpu.memory_space<hbm>> -> memref<50x64xf32, #tpu.memory_space<hbm>>
    %dma_wait3A_383 = arith.constant 0 : i32
    %dma_wait3A_384 = arith.constant 0 : i32
    %dma_wait3A_385 = tpu.memref_slice %arg4[%add3A_375, %dma_wait3A_383, %dma_wait3A_384] : memref<16384x50x64xf32, #tpu.memory_space<hbm>> -> memref<1x50x64xf32, #tpu.memory_space<hbm>>
    %dma_wait3A_386 = tpu.memref_squeeze %dma_wait3A_385 : memref<1x50x64xf32, #tpu.memory_space<hbm>> -> memref<50x64xf32, #tpu.memory_space<hbm>>
    %dma_wait3A_387 = arith.constant 200 : i32
    %dma_wait3A_388 = arith.constant 0 : i32
    %dma_wait3A_389 = tpu.memref_slice %arg8[%dma_wait3A_387, %dma_wait3A_388] : memref<400x64xf32, #tpu.memory_space<vmem>> -> memref<50x64xf32, #tpu.memory_space<vmem>>
    tpu.wait_dma2 semaphore(%arg16 : memref<!tpu.dma_semaphore, #tpu.memory_space<semaphore_mem>>) src(%dma_wait3A_389 : memref<50x64xf32, #tpu.memory_space<vmem>>) dst(%dma_wait3A_386 : memref<50x64xf32, #tpu.memory_space<hbm>>)
    %add3A_390 = arith.constant 496 : i32
    %add3A_391 = arith.addi %mul3A_4, %add3A_390 : i32
    %add3A_392 = arith.constant 5 : i32
    %add3A_393 = arith.addi %add3A_391, %add3A_392 : i32
    %dma_wait3A_394 = arith.constant 250 : i32
    %dma_wait3A_395 = arith.constant 0 : i32
    %dma_wait3A_396 = tpu.memref_slice %arg8[%dma_wait3A_394, %dma_wait3A_395] : memref<400x64xf32, #tpu.memory_space<vmem>> -> memref<50x64xf32, #tpu.memory_space<vmem>>
    %dma_wait3A_397 = arith.constant 0 : i32
    %dma_wait3A_398 = arith.constant 0 : i32
    %dma_wait3A_399 = tpu.memref_slice %arg4[%add3A_393, %dma_wait3A_397, %dma_wait3A_398] : memref<16384x50x64xf32, #tpu.memory_space<hbm>> -> memref<1x50x64xf32, #tpu.memory_space<hbm>>
    %dma_wait3A_400 = tpu.memref_squeeze %dma_wait3A_399 : memref<1x50x64xf32, #tpu.memory_space<hbm>> -> memref<50x64xf32, #tpu.memory_space<hbm>>
    %dma_wait3A_401 = arith.constant 0 : i32
    %dma_wait3A_402 = arith.constant 0 : i32
    %dma_wait3A_403 = tpu.memref_slice %arg4[%add3A_393, %dma_wait3A_401, %dma_wait3A_402] : memref<16384x50x64xf32, #tpu.memory_space<hbm>> -> memref<1x50x64xf32, #tpu.memory_space<hbm>>
    %dma_wait3A_404 = tpu.memref_squeeze %dma_wait3A_403 : memref<1x50x64xf32, #tpu.memory_space<hbm>> -> memref<50x64xf32, #tpu.memory_space<hbm>>
    %dma_wait3A_405 = arith.constant 250 : i32
    %dma_wait3A_406 = arith.constant 0 : i32
    %dma_wait3A_407 = tpu.memref_slice %arg8[%dma_wait3A_405, %dma_wait3A_406] : memref<400x64xf32, #tpu.memory_space<vmem>> -> memref<50x64xf32, #tpu.memory_space<vmem>>
    tpu.wait_dma2 semaphore(%arg16 : memref<!tpu.dma_semaphore, #tpu.memory_space<semaphore_mem>>) src(%dma_wait3A_407 : memref<50x64xf32, #tpu.memory_space<vmem>>) dst(%dma_wait3A_404 : memref<50x64xf32, #tpu.memory_space<hbm>>)
    %add3A_408 = arith.constant 496 : i32
    %add3A_409 = arith.addi %mul3A_4, %add3A_408 : i32
    %add3A_410 = arith.constant 6 : i32
    %add3A_411 = arith.addi %add3A_409, %add3A_410 : i32
    %dma_wait3A_412 = arith.constant 300 : i32
    %dma_wait3A_413 = arith.constant 0 : i32
    %dma_wait3A_414 = tpu.memref_slice %arg8[%dma_wait3A_412, %dma_wait3A_413] : memref<400x64xf32, #tpu.memory_space<vmem>> -> memref<50x64xf32, #tpu.memory_space<vmem>>
    %dma_wait3A_415 = arith.constant 0 : i32
    %dma_wait3A_416 = arith.constant 0 : i32
    %dma_wait3A_417 = tpu.memref_slice %arg4[%add3A_411, %dma_wait3A_415, %dma_wait3A_416] : memref<16384x50x64xf32, #tpu.memory_space<hbm>> -> memref<1x50x64xf32, #tpu.memory_space<hbm>>
    %dma_wait3A_418 = tpu.memref_squeeze %dma_wait3A_417 : memref<1x50x64xf32, #tpu.memory_space<hbm>> -> memref<50x64xf32, #tpu.memory_space<hbm>>
    %dma_wait3A_419 = arith.constant 0 : i32
    %dma_wait3A_420 = arith.constant 0 : i32
    %dma_wait3A_421 = tpu.memref_slice %arg4[%add3A_411, %dma_wait3A_419, %dma_wait3A_420] : memref<16384x50x64xf32, #tpu.memory_space<hbm>> -> memref<1x50x64xf32, #tpu.memory_space<hbm>>
    %dma_wait3A_422 = tpu.memref_squeeze %dma_wait3A_421 : memref<1x50x64xf32, #tpu.memory_space<hbm>> -> memref<50x64xf32, #tpu.memory_space<hbm>>
    %dma_wait3A_423 = arith.constant 300 : i32
    %dma_wait3A_424 = arith.constant 0 : i32
    %dma_wait3A_425 = tpu.memref_slice %arg8[%dma_wait3A_423, %dma_wait3A_424] : memref<400x64xf32, #tpu.memory_space<vmem>> -> memref<50x64xf32, #tpu.memory_space<vmem>>
    tpu.wait_dma2 semaphore(%arg16 : memref<!tpu.dma_semaphore, #tpu.memory_space<semaphore_mem>>) src(%dma_wait3A_425 : memref<50x64xf32, #tpu.memory_space<vmem>>) dst(%dma_wait3A_422 : memref<50x64xf32, #tpu.memory_space<hbm>>)
    %add3A_426 = arith.constant 496 : i32
    %add3A_427 = arith.addi %mul3A_4, %add3A_426 : i32
    %add3A_428 = arith.constant 7 : i32
    %add3A_429 = arith.addi %add3A_427, %add3A_428 : i32
    %dma_wait3A_430 = arith.constant 350 : i32
    %dma_wait3A_431 = arith.constant 0 : i32
    %dma_wait3A_432 = tpu.memref_slice %arg8[%dma_wait3A_430, %dma_wait3A_431] : memref<400x64xf32, #tpu.memory_space<vmem>> -> memref<50x64xf32, #tpu.memory_space<vmem>>
    %dma_wait3A_433 = arith.constant 0 : i32
    %dma_wait3A_434 = arith.constant 0 : i32
    %dma_wait3A_435 = tpu.memref_slice %arg4[%add3A_429, %dma_wait3A_433, %dma_wait3A_434] : memref<16384x50x64xf32, #tpu.memory_space<hbm>> -> memref<1x50x64xf32, #tpu.memory_space<hbm>>
    %dma_wait3A_436 = tpu.memref_squeeze %dma_wait3A_435 : memref<1x50x64xf32, #tpu.memory_space<hbm>> -> memref<50x64xf32, #tpu.memory_space<hbm>>
    %dma_wait3A_437 = arith.constant 0 : i32
    %dma_wait3A_438 = arith.constant 0 : i32
    %dma_wait3A_439 = tpu.memref_slice %arg4[%add3A_429, %dma_wait3A_437, %dma_wait3A_438] : memref<16384x50x64xf32, #tpu.memory_space<hbm>> -> memref<1x50x64xf32, #tpu.memory_space<hbm>>
    %dma_wait3A_440 = tpu.memref_squeeze %dma_wait3A_439 : memref<1x50x64xf32, #tpu.memory_space<hbm>> -> memref<50x64xf32, #tpu.memory_space<hbm>>
    %dma_wait3A_441 = arith.constant 350 : i32
    %dma_wait3A_442 = arith.constant 0 : i32
    %dma_wait3A_443 = tpu.memref_slice %arg8[%dma_wait3A_441, %dma_wait3A_442] : memref<400x64xf32, #tpu.memory_space<vmem>> -> memref<50x64xf32, #tpu.memory_space<vmem>>
    tpu.wait_dma2 semaphore(%arg16 : memref<!tpu.dma_semaphore, #tpu.memory_space<semaphore_mem>>) src(%dma_wait3A_443 : memref<50x64xf32, #tpu.memory_space<vmem>>) dst(%dma_wait3A_440 : memref<50x64xf32, #tpu.memory_space<hbm>>)
    %add3A_444 = arith.constant 504 : i32
    %add3A_445 = arith.addi %mul3A_4, %add3A_444 : i32
    %add3A_446 = arith.constant 0 : i32
    %add3A_447 = arith.addi %add3A_445, %add3A_446 : i32
    %dma_wait3A_448 = arith.constant 0 : i32
    %dma_wait3A_449 = arith.constant 0 : i32
    %dma_wait3A_450 = tpu.memref_slice %arg9[%dma_wait3A_448, %dma_wait3A_449] : memref<400x64xf32, #tpu.memory_space<vmem>> -> memref<50x64xf32, #tpu.memory_space<vmem>>
    %dma_wait3A_451 = arith.constant 0 : i32
    %dma_wait3A_452 = arith.constant 0 : i32
    %dma_wait3A_453 = tpu.memref_slice %arg4[%add3A_447, %dma_wait3A_451, %dma_wait3A_452] : memref<16384x50x64xf32, #tpu.memory_space<hbm>> -> memref<1x50x64xf32, #tpu.memory_space<hbm>>
    %dma_wait3A_454 = tpu.memref_squeeze %dma_wait3A_453 : memref<1x50x64xf32, #tpu.memory_space<hbm>> -> memref<50x64xf32, #tpu.memory_space<hbm>>
    %dma_wait3A_455 = arith.constant 0 : i32
    %dma_wait3A_456 = arith.constant 0 : i32
    %dma_wait3A_457 = tpu.memref_slice %arg4[%add3A_447, %dma_wait3A_455, %dma_wait3A_456] : memref<16384x50x64xf32, #tpu.memory_space<hbm>> -> memref<1x50x64xf32, #tpu.memory_space<hbm>>
    %dma_wait3A_458 = tpu.memref_squeeze %dma_wait3A_457 : memref<1x50x64xf32, #tpu.memory_space<hbm>> -> memref<50x64xf32, #tpu.memory_space<hbm>>
    %dma_wait3A_459 = arith.constant 0 : i32
    %dma_wait3A_460 = arith.constant 0 : i32
    %dma_wait3A_461 = tpu.memref_slice %arg9[%dma_wait3A_459, %dma_wait3A_460] : memref<400x64xf32, #tpu.memory_space<vmem>> -> memref<50x64xf32, #tpu.memory_space<vmem>>
    tpu.wait_dma2 semaphore(%arg17 : memref<!tpu.dma_semaphore, #tpu.memory_space<semaphore_mem>>) src(%dma_wait3A_461 : memref<50x64xf32, #tpu.memory_space<vmem>>) dst(%dma_wait3A_458 : memref<50x64xf32, #tpu.memory_space<hbm>>)
    %add3A_462 = arith.constant 504 : i32
    %add3A_463 = arith.addi %mul3A_4, %add3A_462 : i32
    %add3A_464 = arith.constant 1 : i32
    %add3A_465 = arith.addi %add3A_463, %add3A_464 : i32
    %dma_wait3A_466 = arith.constant 50 : i32
    %dma_wait3A_467 = arith.constant 0 : i32
    %dma_wait3A_468 = tpu.memref_slice %arg9[%dma_wait3A_466, %dma_wait3A_467] : memref<400x64xf32, #tpu.memory_space<vmem>> -> memref<50x64xf32, #tpu.memory_space<vmem>>
    %dma_wait3A_469 = arith.constant 0 : i32
    %dma_wait3A_470 = arith.constant 0 : i32
    %dma_wait3A_471 = tpu.memref_slice %arg4[%add3A_465, %dma_wait3A_469, %dma_wait3A_470] : memref<16384x50x64xf32, #tpu.memory_space<hbm>> -> memref<1x50x64xf32, #tpu.memory_space<hbm>>
    %dma_wait3A_472 = tpu.memref_squeeze %dma_wait3A_471 : memref<1x50x64xf32, #tpu.memory_space<hbm>> -> memref<50x64xf32, #tpu.memory_space<hbm>>
    %dma_wait3A_473 = arith.constant 0 : i32
    %dma_wait3A_474 = arith.constant 0 : i32
    %dma_wait3A_475 = tpu.memref_slice %arg4[%add3A_465, %dma_wait3A_473, %dma_wait3A_474] : memref<16384x50x64xf32, #tpu.memory_space<hbm>> -> memref<1x50x64xf32, #tpu.memory_space<hbm>>
    %dma_wait3A_476 = tpu.memref_squeeze %dma_wait3A_475 : memref<1x50x64xf32, #tpu.memory_space<hbm>> -> memref<50x64xf32, #tpu.memory_space<hbm>>
    %dma_wait3A_477 = arith.constant 50 : i32
    %dma_wait3A_478 = arith.constant 0 : i32
    %dma_wait3A_479 = tpu.memref_slice %arg9[%dma_wait3A_477, %dma_wait3A_478] : memref<400x64xf32, #tpu.memory_space<vmem>> -> memref<50x64xf32, #tpu.memory_space<vmem>>
    tpu.wait_dma2 semaphore(%arg17 : memref<!tpu.dma_semaphore, #tpu.memory_space<semaphore_mem>>) src(%dma_wait3A_479 : memref<50x64xf32, #tpu.memory_space<vmem>>) dst(%dma_wait3A_476 : memref<50x64xf32, #tpu.memory_space<hbm>>)
    %add3A_480 = arith.constant 504 : i32
    %add3A_481 = arith.addi %mul3A_4, %add3A_480 : i32
    %add3A_482 = arith.constant 2 : i32
    %add3A_483 = arith.addi %add3A_481, %add3A_482 : i32
    %dma_wait3A_484 = arith.constant 100 : i32
    %dma_wait3A_485 = arith.constant 0 : i32
    %dma_wait3A_486 = tpu.memref_slice %arg9[%dma_wait3A_484, %dma_wait3A_485] : memref<400x64xf32, #tpu.memory_space<vmem>> -> memref<50x64xf32, #tpu.memory_space<vmem>>
    %dma_wait3A_487 = arith.constant 0 : i32
    %dma_wait3A_488 = arith.constant 0 : i32
    %dma_wait3A_489 = tpu.memref_slice %arg4[%add3A_483, %dma_wait3A_487, %dma_wait3A_488] : memref<16384x50x64xf32, #tpu.memory_space<hbm>> -> memref<1x50x64xf32, #tpu.memory_space<hbm>>
    %dma_wait3A_490 = tpu.memref_squeeze %dma_wait3A_489 : memref<1x50x64xf32, #tpu.memory_space<hbm>> -> memref<50x64xf32, #tpu.memory_space<hbm>>
    %dma_wait3A_491 = arith.constant 0 : i32
    %dma_wait3A_492 = arith.constant 0 : i32
    %dma_wait3A_493 = tpu.memref_slice %arg4[%add3A_483, %dma_wait3A_491, %dma_wait3A_492] : memref<16384x50x64xf32, #tpu.memory_space<hbm>> -> memref<1x50x64xf32, #tpu.memory_space<hbm>>
    %dma_wait3A_494 = tpu.memref_squeeze %dma_wait3A_493 : memref<1x50x64xf32, #tpu.memory_space<hbm>> -> memref<50x64xf32, #tpu.memory_space<hbm>>
    %dma_wait3A_495 = arith.constant 100 : i32
    %dma_wait3A_496 = arith.constant 0 : i32
    %dma_wait3A_497 = tpu.memref_slice %arg9[%dma_wait3A_495, %dma_wait3A_496] : memref<400x64xf32, #tpu.memory_space<vmem>> -> memref<50x64xf32, #tpu.memory_space<vmem>>
    tpu.wait_dma2 semaphore(%arg17 : memref<!tpu.dma_semaphore, #tpu.memory_space<semaphore_mem>>) src(%dma_wait3A_497 : memref<50x64xf32, #tpu.memory_space<vmem>>) dst(%dma_wait3A_494 : memref<50x64xf32, #tpu.memory_space<hbm>>)
    %add3A_498 = arith.constant 504 : i32
    %add3A_499 = arith.addi %mul3A_4, %add3A_498 : i32
    %add3A_500 = arith.constant 3 : i32
    %add3A_501 = arith.addi %add3A_499, %add3A_500 : i32
    %dma_wait3A_502 = arith.constant 150 : i32
    %dma_wait3A_503 = arith.constant 0 : i32
    %dma_wait3A_504 = tpu.memref_slice %arg9[%dma_wait3A_502, %dma_wait3A_503] : memref<400x64xf32, #tpu.memory_space<vmem>> -> memref<50x64xf32, #tpu.memory_space<vmem>>
    %dma_wait3A_505 = arith.constant 0 : i32
    %dma_wait3A_506 = arith.constant 0 : i32
    %dma_wait3A_507 = tpu.memref_slice %arg4[%add3A_501, %dma_wait3A_505, %dma_wait3A_506] : memref<16384x50x64xf32, #tpu.memory_space<hbm>> -> memref<1x50x64xf32, #tpu.memory_space<hbm>>
    %dma_wait3A_508 = tpu.memref_squeeze %dma_wait3A_507 : memref<1x50x64xf32, #tpu.memory_space<hbm>> -> memref<50x64xf32, #tpu.memory_space<hbm>>
    %dma_wait3A_509 = arith.constant 0 : i32
    %dma_wait3A_510 = arith.constant 0 : i32
    %dma_wait3A_511 = tpu.memref_slice %arg4[%add3A_501, %dma_wait3A_509, %dma_wait3A_510] : memref<16384x50x64xf32, #tpu.memory_space<hbm>> -> memref<1x50x64xf32, #tpu.memory_space<hbm>>
    %dma_wait3A_512 = tpu.memref_squeeze %dma_wait3A_511 : memref<1x50x64xf32, #tpu.memory_space<hbm>> -> memref<50x64xf32, #tpu.memory_space<hbm>>
    %dma_wait3A_513 = arith.constant 150 : i32
    %dma_wait3A_514 = arith.constant 0 : i32
    %dma_wait3A_515 = tpu.memref_slice %arg9[%dma_wait3A_513, %dma_wait3A_514] : memref<400x64xf32, #tpu.memory_space<vmem>> -> memref<50x64xf32, #tpu.memory_space<vmem>>
    tpu.wait_dma2 semaphore(%arg17 : memref<!tpu.dma_semaphore, #tpu.memory_space<semaphore_mem>>) src(%dma_wait3A_515 : memref<50x64xf32, #tpu.memory_space<vmem>>) dst(%dma_wait3A_512 : memref<50x64xf32, #tpu.memory_space<hbm>>)
    %add3A_516 = arith.constant 504 : i32
    %add3A_517 = arith.addi %mul3A_4, %add3A_516 : i32
    %add3A_518 = arith.constant 4 : i32
    %add3A_519 = arith.addi %add3A_517, %add3A_518 : i32
    %dma_wait3A_520 = arith.constant 200 : i32
    %dma_wait3A_521 = arith.constant 0 : i32
    %dma_wait3A_522 = tpu.memref_slice %arg9[%dma_wait3A_520, %dma_wait3A_521] : memref<400x64xf32, #tpu.memory_space<vmem>> -> memref<50x64xf32, #tpu.memory_space<vmem>>
    %dma_wait3A_523 = arith.constant 0 : i32
    %dma_wait3A_524 = arith.constant 0 : i32
    %dma_wait3A_525 = tpu.memref_slice %arg4[%add3A_519, %dma_wait3A_523, %dma_wait3A_524] : memref<16384x50x64xf32, #tpu.memory_space<hbm>> -> memref<1x50x64xf32, #tpu.memory_space<hbm>>
    %dma_wait3A_526 = tpu.memref_squeeze %dma_wait3A_525 : memref<1x50x64xf32, #tpu.memory_space<hbm>> -> memref<50x64xf32, #tpu.memory_space<hbm>>
    %dma_wait3A_527 = arith.constant 0 : i32
    %dma_wait3A_528 = arith.constant 0 : i32
    %dma_wait3A_529 = tpu.memref_slice %arg4[%add3A_519, %dma_wait3A_527, %dma_wait3A_528] : memref<16384x50x64xf32, #tpu.memory_space<hbm>> -> memref<1x50x64xf32, #tpu.memory_space<hbm>>
    %dma_wait3A_530 = tpu.memref_squeeze %dma_wait3A_529 : memref<1x50x64xf32, #tpu.memory_space<hbm>> -> memref<50x64xf32, #tpu.memory_space<hbm>>
    %dma_wait3A_531 = arith.constant 200 : i32
    %dma_wait3A_532 = arith.constant 0 : i32
    %dma_wait3A_533 = tpu.memref_slice %arg9[%dma_wait3A_531, %dma_wait3A_532] : memref<400x64xf32, #tpu.memory_space<vmem>> -> memref<50x64xf32, #tpu.memory_space<vmem>>
    tpu.wait_dma2 semaphore(%arg17 : memref<!tpu.dma_semaphore, #tpu.memory_space<semaphore_mem>>) src(%dma_wait3A_533 : memref<50x64xf32, #tpu.memory_space<vmem>>) dst(%dma_wait3A_530 : memref<50x64xf32, #tpu.memory_space<hbm>>)
    %add3A_534 = arith.constant 504 : i32
    %add3A_535 = arith.addi %mul3A_4, %add3A_534 : i32
    %add3A_536 = arith.constant 5 : i32
    %add3A_537 = arith.addi %add3A_535, %add3A_536 : i32
    %dma_wait3A_538 = arith.constant 250 : i32
    %dma_wait3A_539 = arith.constant 0 : i32
    %dma_wait3A_540 = tpu.memref_slice %arg9[%dma_wait3A_538, %dma_wait3A_539] : memref<400x64xf32, #tpu.memory_space<vmem>> -> memref<50x64xf32, #tpu.memory_space<vmem>>
    %dma_wait3A_541 = arith.constant 0 : i32
    %dma_wait3A_542 = arith.constant 0 : i32
    %dma_wait3A_543 = tpu.memref_slice %arg4[%add3A_537, %dma_wait3A_541, %dma_wait3A_542] : memref<16384x50x64xf32, #tpu.memory_space<hbm>> -> memref<1x50x64xf32, #tpu.memory_space<hbm>>
    %dma_wait3A_544 = tpu.memref_squeeze %dma_wait3A_543 : memref<1x50x64xf32, #tpu.memory_space<hbm>> -> memref<50x64xf32, #tpu.memory_space<hbm>>
    %dma_wait3A_545 = arith.constant 0 : i32
    %dma_wait3A_546 = arith.constant 0 : i32
    %dma_wait3A_547 = tpu.memref_slice %arg4[%add3A_537, %dma_wait3A_545, %dma_wait3A_546] : memref<16384x50x64xf32, #tpu.memory_space<hbm>> -> memref<1x50x64xf32, #tpu.memory_space<hbm>>
    %dma_wait3A_548 = tpu.memref_squeeze %dma_wait3A_547 : memref<1x50x64xf32, #tpu.memory_space<hbm>> -> memref<50x64xf32, #tpu.memory_space<hbm>>
    %dma_wait3A_549 = arith.constant 250 : i32
    %dma_wait3A_550 = arith.constant 0 : i32
    %dma_wait3A_551 = tpu.memref_slice %arg9[%dma_wait3A_549, %dma_wait3A_550] : memref<400x64xf32, #tpu.memory_space<vmem>> -> memref<50x64xf32, #tpu.memory_space<vmem>>
    tpu.wait_dma2 semaphore(%arg17 : memref<!tpu.dma_semaphore, #tpu.memory_space<semaphore_mem>>) src(%dma_wait3A_551 : memref<50x64xf32, #tpu.memory_space<vmem>>) dst(%dma_wait3A_548 : memref<50x64xf32, #tpu.memory_space<hbm>>)
    %add3A_552 = arith.constant 504 : i32
    %add3A_553 = arith.addi %mul3A_4, %add3A_552 : i32
    %add3A_554 = arith.constant 6 : i32
    %add3A_555 = arith.addi %add3A_553, %add3A_554 : i32
    %dma_wait3A_556 = arith.constant 300 : i32
    %dma_wait3A_557 = arith.constant 0 : i32
    %dma_wait3A_558 = tpu.memref_slice %arg9[%dma_wait3A_556, %dma_wait3A_557] : memref<400x64xf32, #tpu.memory_space<vmem>> -> memref<50x64xf32, #tpu.memory_space<vmem>>
    %dma_wait3A_559 = arith.constant 0 : i32
    %dma_wait3A_560 = arith.constant 0 : i32
    %dma_wait3A_561 = tpu.memref_slice %arg4[%add3A_555, %dma_wait3A_559, %dma_wait3A_560] : memref<16384x50x64xf32, #tpu.memory_space<hbm>> -> memref<1x50x64xf32, #tpu.memory_space<hbm>>
    %dma_wait3A_562 = tpu.memref_squeeze %dma_wait3A_561 : memref<1x50x64xf32, #tpu.memory_space<hbm>> -> memref<50x64xf32, #tpu.memory_space<hbm>>
    %dma_wait3A_563 = arith.constant 0 : i32
    %dma_wait3A_564 = arith.constant 0 : i32
    %dma_wait3A_565 = tpu.memref_slice %arg4[%add3A_555, %dma_wait3A_563, %dma_wait3A_564] : memref<16384x50x64xf32, #tpu.memory_space<hbm>> -> memref<1x50x64xf32, #tpu.memory_space<hbm>>
    %dma_wait3A_566 = tpu.memref_squeeze %dma_wait3A_565 : memref<1x50x64xf32, #tpu.memory_space<hbm>> -> memref<50x64xf32, #tpu.memory_space<hbm>>
    %dma_wait3A_567 = arith.constant 300 : i32
    %dma_wait3A_568 = arith.constant 0 : i32
    %dma_wait3A_569 = tpu.memref_slice %arg9[%dma_wait3A_567, %dma_wait3A_568] : memref<400x64xf32, #tpu.memory_space<vmem>> -> memref<50x64xf32, #tpu.memory_space<vmem>>
    tpu.wait_dma2 semaphore(%arg17 : memref<!tpu.dma_semaphore, #tpu.memory_space<semaphore_mem>>) src(%dma_wait3A_569 : memref<50x64xf32, #tpu.memory_space<vmem>>) dst(%dma_wait3A_566 : memref<50x64xf32, #tpu.memory_space<hbm>>)
    %add3A_570 = arith.constant 504 : i32
    %add3A_571 = arith.addi %mul3A_4, %add3A_570 : i32
    %add3A_572 = arith.constant 7 : i32
    %add3A_573 = arith.addi %add3A_571, %add3A_572 : i32
    %dma_wait3A_574 = arith.constant 350 : i32
    %dma_wait3A_575 = arith.constant 0 : i32
    %dma_wait3A_576 = tpu.memref_slice %arg9[%dma_wait3A_574, %dma_wait3A_575] : memref<400x64xf32, #tpu.memory_space<vmem>> -> memref<50x64xf32, #tpu.memory_space<vmem>>
    %dma_wait3A_577 = arith.constant 0 : i32
    %dma_wait3A_578 = arith.constant 0 : i32
    %dma_wait3A_579 = tpu.memref_slice %arg4[%add3A_573, %dma_wait3A_577, %dma_wait3A_578] : memref<16384x50x64xf32, #tpu.memory_space<hbm>> -> memref<1x50x64xf32, #tpu.memory_space<hbm>>
    %dma_wait3A_580 = tpu.memref_squeeze %dma_wait3A_579 : memref<1x50x64xf32, #tpu.memory_space<hbm>> -> memref<50x64xf32, #tpu.memory_space<hbm>>
    %dma_wait3A_581 = arith.constant 0 : i32
    %dma_wait3A_582 = arith.constant 0 : i32
    %dma_wait3A_583 = tpu.memref_slice %arg4[%add3A_573, %dma_wait3A_581, %dma_wait3A_582] : memref<16384x50x64xf32, #tpu.memory_space<hbm>> -> memref<1x50x64xf32, #tpu.memory_space<hbm>>
    %dma_wait3A_584 = tpu.memref_squeeze %dma_wait3A_583 : memref<1x50x64xf32, #tpu.memory_space<hbm>> -> memref<50x64xf32, #tpu.memory_space<hbm>>
    %dma_wait3A_585 = arith.constant 350 : i32
    %dma_wait3A_586 = arith.constant 0 : i32
    %dma_wait3A_587 = tpu.memref_slice %arg9[%dma_wait3A_585, %dma_wait3A_586] : memref<400x64xf32, #tpu.memory_space<vmem>> -> memref<50x64xf32, #tpu.memory_space<vmem>>
    tpu.wait_dma2 semaphore(%arg17 : memref<!tpu.dma_semaphore, #tpu.memory_space<semaphore_mem>>) src(%dma_wait3A_587 : memref<50x64xf32, #tpu.memory_space<vmem>>) dst(%dma_wait3A_584 : memref<50x64xf32, #tpu.memory_space<hbm>>)
    return
  }
}

</mosaic_0001>

<sc_bundles>
// kernel: _gather.3.cloned.1.call-start
scs
__scs_entry_jumppad:
0x0: {  	(pc) =	sbr.rel $0x88, $3  }
0x1: {  	(tag) =	ssettag $0x0;
	lr =	simm.s32 $0x1  }
0x2: {  	[smem:$0x3F9F] =	sst lr;
	_ =	strace $0xD0000000  }
0x3: {  	_ = 	snop  }
0x4: {  	_ = 	snop  }
0x5: {  	_ = 	snop  }
0x6: {  	_ = 	snop  }
0x7: {  	_ = 	snop  }
__scs_overlays_trampoline_lowered:
0x8: {  	[smem:$0x3FAE] =	sst s0  }
0x9: {  	[smem:$0x3FAF] =	sst s1  }
0xa: {  	[smem:$0x3FB0] =	sst s2  }
0xb: {  	[smem:$0x3FB1] =	sst s3  }
0xc: {  	[smem:$0x3FB2] =	sst s4  }
0xd: {  	[smem:$0x3FB3] =	sst s5  }
0xe: {  	[smem:$0x3FB4] =	sst s6  }
0xf: {  	[smem:$0x3FB5] =	sst s7  }
0x10: {  	[smem:$0x3FB6] =	sst s8  }
0x11: {  	[smem:$0x3FB7] =	sst s9;
	s0 =	simm.s32 @!p0 $0x0  }
0x12: {  	s1 =	sld [smem:$0x3F9D];
	s0 =	simm.s32 @p0 $0x1  }
0x13: {  	[smem:$0x3FB8] =	sst s0;
	s0 =	simm.s32 @!p1 $0x0  }
0x14: {  	s2 =	sld [smem:$0x3F9C];
	s0 =	simm.s32 @p1 $0x1  }
0x15: {  	[smem:$0x3FB9] =	sst s0;
	s0 =	simm.s32 @!p2 $0x0  }
0x16: {  	s3 =	sld [smem:$0x3FDB];
	s0 =	simm.s32 @p2 $0x1  }
0x17: {  	s4 =	simm.s32 $0x1BF5;
	[smem:$0x3FBB] =	sst s0  }
0x18: {  	s0 =	sld [smem:$0x3F9E];
	_ =	swait.ge [sflag:s4], $0x0  }
0x19: {  	s7 =	sld [smem:$0x3F9F]  }
0x1a: {  	s8 =	sadd.s32 $0xFFFFE003, lr  }
0x1b: {  	s9 =	sadd.s32 $0xFFFFFEF7, lr;
	s5 =	simm.s32 $0xFFFFFFFF;
	p2 =	slt.u32 s8, $0xFFFFF086  }
0x1c: {  	p1 =	slt.u32 s9, $0xF7A;
	s5 =	simm.s32 @!p2 $0x0  }
0x1d: {  	s5 =	simm.s32 @p1 $0x1;
	p0 =	seq.s32 s7, s2  }
0x1e: {  	s7 =	smul.u32 @!p0 $0xF7A, s2;
	p2 =	seq.s32 @!p0 s5, $0x0  }
0x1f: {  	s9 =	smul.u32 $0xF7A, s1;
	s8 =	simm.s32 @!p0 $0x1BF5;
	p2 =	por !p2, p0  }
0x20: {  	[sflag:s8] =	ssyncset.s32 @!p0 $0xFFFFF086;
	s6 =	sadd.s32 @!p0 s3, s7;
	s7 =	simm.s32 @!p0 $0x108  }
0x21: {  	s3 =	sadd.s32 s3, s9;
	s6 =	sadd.s32 @!p0 $0x88, s6;
	s7 =	simm.s32 @p2 $0x1082  }
0x22: {  	[simem:s7], [sflag:s8] =	dma.local @!p0 [hbm:s6], $0xF7A  }
0x23: {  	s9 =	sor.u32 $0xD0000000, s2;
	s6 =	simm.s32 $0x108;
	_ =	swait.ge @!p0 [sflag:s8], $0x0  }
0x24: {  	s3 =	sadd.s32 $0x88, s3;
	s6 =	simm.s32 @!p1 $0x1082;
	[sflag:s4] =	ssyncset.s32 $0xFFFFF086  }
0x25: {  	[simem:s6], [sflag:s4] =	dma.local [hbm:s3], $0xF7A  }
0x26: {  	[smem:$0x3F9F] =	sst s1;
	(tag) =	ssettag s2;
	_ =	strace s9  }
0x27: {  	s1 =	sld [smem:$0x3FAF]  }
0x28: {  	s2 =	sld [smem:$0x3FB0]  }
0x29: {  	s4 =	sld [smem:$0x3FB2]  }
0x2a: {  	p0 =	seq.s32 s5, $0x0;
	s5 =	sld [smem:$0x3FB3]  }
0x2b: {  	s6 =	sld [smem:$0x3FB4]  }
0x2c: {  	s7 =	sld [smem:$0x3FB5]  }
0x2d: {  	s3 =	simm.s32 $0x108;
	s8 =	sld [smem:$0x3FB6]  }
0x2e: {  	s3 =	simm.s32 @!p0 $0x1082;
	s9 =	sld [smem:$0x3FB7]  }
0x2f: {  	lr =	sadd.s32 s0, s3;
	s0 =	sld [smem:$0x3FAE]  }
0x30: {  	s3 =	sld [smem:$0x3FB1]  }
0x31: {  	[smem:$0x3FBA] =	sst s10  }
0x32: {  	s10 =	sld [smem:$0x3FB8];
	_ =	sdelay $0x3  }
0x33: {  	p0 =	seq.s32 s10, $0x1;
	s10 =	sld [smem:$0x3FBA];
	_ =	sdelay $0x3  }
0x34: {  	[smem:$0x3FBA] =	sst s10  }
0x35: {  	s10 =	sld [smem:$0x3FB9];
	_ =	sdelay $0x3  }
0x36: {  	p1 =	seq.s32 s10, $0x1;
	s10 =	sld [smem:$0x3FBA];
	_ =	sdelay $0x3  }
0x37: {  	[smem:$0x3FBA] =	sst s10  }
0x38: {  	s10 =	sld [smem:$0x3FBB]  }
0x39: {  	_ = 	snop;
	(pc) =	sbr.ind lr, $3  }
0x3a: {  	_ = 	snop  }
0x3b: {  	_ = 	snop  }
0x3c: {  	p2 =	seq.s32 s10, $0x1;
	s10 =	sld [smem:$0x3FBA]  }
0x3d: {  	_ =	shalt  }
0x3e: {  	_ =	shalt  }
0x3f: {  	_ =	shalt  }
0x40: {  	_ =	shalt  }
0x41: {  	_ =	shalt  }
0x42: {  	_ =	shalt  }
0x43: {  	_ =	shalt  }
0x44: {  	_ =	shalt  }
0x45: {  	_ =	shalt  }
0x46: {  	_ =	shalt  }
0x47: {  	_ =	shalt  }
0x48: {  	_ =	shalt  }
0x49: {  	_ =	shalt  }
0x4a: {  	_ =	shalt  }
0x4b: {  	_ =	shalt  }
0x4c: {  	_ =	shalt  }
0x4d: {  	_ =	shalt  }
0x4e: {  	_ =	shalt  }
0x4f: {  	_ =	shalt  }
0x50: {  	_ =	shalt  }
0x51: {  	_ =	shalt  }
0x52: {  	_ =	shalt  }
0x53: {  	_ =	shalt  }
0x54: {  	_ =	shalt  }
0x55: {  	_ =	shalt  }
0x56: {  	_ =	shalt  }
0x57: {  	_ =	shalt  }
0x58: {  	_ =	shalt  }
0x59: {  	_ =	shalt  }
0x5a: {  	_ =	shalt  }
0x5b: {  	_ =	shalt  }
0x5c: {  	_ =	shalt  }
0x5d: {  	_ =	shalt  }
0x5e: {  	_ =	shalt  }
0x5f: {  	_ =	shalt  }
0x60: {  	_ =	shalt  }
0x61: {  	_ =	shalt  }
0x62: {  	_ =	shalt  }
0x63: {  	_ =	shalt  }
0x64: {  	_ =	shalt  }
0x65: {  	_ =	shalt  }
0x66: {  	_ =	shalt  }
0x67: {  	_ =	shalt  }
0x68: {  	_ =	shalt  }
0x69: {  	_ =	shalt  }
0x6a: {  	_ =	shalt  }
0x6b: {  	_ =	shalt  }
0x6c: {  	_ =	shalt  }
0x6d: {  	_ =	shalt  }
0x6e: {  	_ =	shalt  }
0x6f: {  	_ =	shalt  }
0x70: {  	_ =	shalt  }
0x71: {  	_ =	shalt  }
0x72: {  	_ =	shalt  }
0x73: {  	_ =	shalt  }
0x74: {  	_ =	shalt  }
0x75: {  	_ =	shalt  }
0x76: {  	_ =	shalt  }
0x77: {  	_ =	shalt  }
0x78: {  	_ =	shalt  }
0x79: {  	_ =	shalt  }
0x7a: {  	_ =	shalt  }
0x7b: {  	_ =	shalt  }
0x7c: {  	_ =	shalt  }
0x7d: {  	_ =	shalt  }
0x7e: {  	_ =	shalt  }
0x7f: {  	_ =	shalt  }
0x80: {  	_ =	shalt  }
0x81: {  	_ =	shalt  }
0x82: {  	_ =	shalt  }
0x83: {  	_ =	shalt  }
0x84: {  	_ =	shalt  }
0x85: {  	_ =	shalt  }
0x86: {  	_ =	shalt  }
0x87: {  	_ =	shalt  }
.Lfunc_end0:
.L_simem_size_0:
called_computation.1_lowered:
.L_overlay_start_0:
0x88: {  	s2 =	sld [smem:$0x3FD9]  }
0x89: {  	s3 =	sld [smem:$0x3FFE];
	_ =	sdelay $0x1  }
0x8a: {  	s1 =	srdreg.scid  }
0x8b: {  	s0 =	sand.u32 $0x1, s1  }
0x8c: {  	s17 =	sshll.u32 s0, $0xA;
	s2 =	sadd.s32 s3, s2  }
0x8d: {  	s2 =	sadd.s32 s2, s17  }
0x8e: {  	[smem:$0x3FC6] =	sst s2  }
0x8f: {  	_ = 	snop  }
0x90: {  	s2 =	sld [smem:$0x3FC9]  }
0x91: {  	s18 =	sld [smem:$0x3FD0];
	(tm) =	ssettm $0x1  }
0x92: {  	s4 =	sld [smem:$0x3FFB];
	_ =	sdelay $0x3  }
0x93: {  	_ =	strace s4  }
0x94: {  	s4 =	sld [smem:$0x3FFC];
	_ =	sdelay $0x3  }
0x95: {  	_ =	strace s4  }
0x96: {  	s4 =	sld [smem:$0x3FFD];
	_ =	sdelay $0x3  }
0x97: {  	_ =	strace s4  }
0x98: {  	_ =	strace $0x8FFFFFFF  }
0x99: {  	s19 =	sld [smem:$0x3FDB];
	_ =	sdelay $0x1  }
0x9a: {  	s5 =	simm.s32 $_scs_section_size  }
0x9b: {  	s6 =	simm.s32 $_size__tile_overlayer_lowered;
	s7 =	simm.s32 $_tile_overlayer_lowered  }
0x9c: {  	s22 =	simm.s32 $0x1BFF;
	s21 =	sshll.u32 s7, $0x1;
	s4 =	sadd.s32 s5, s19  }
0x9d: {  	s8 =	simm.s32 $0x0;
	s20 =	sshll.u32 s6, $0x1;
	s6 =	sadd.s32 s21, s4  }
0x9e: {  	[timem:s8], [sflag:s22] =	dma.local [hbm:s6], s20  }
0x9f: {  	_ =	swait.ge [sflag:s22], s20  }
0xa0: {  	s5 =	ssub.s32 $0x0, s20;
	[sflag:s22] =	ssyncset.done $0x0  }
0xa1: {  	[sflag:s22] =	ssyncadd.s32 s5;
	_ =	sdelay $0x1  }
0xa2: {  	s23 =	simm.s32 $0x1B8B  }
0xa3: {  	_ =	swait.ge [sflag:s23], $0x1  }
0xa4: {  	[sflag:s23] =	ssyncset.done $0x0  }
0xa5: {  	s25 =	simm.s32 $0x1B8E;
	s24 =	sld [smem:$0x3FFE];
	[sflag:s23] =	ssyncadd.s32 $0xFFFFFFFF  }
0xa6: {  	s26 =	simm.s32 $execute0_lowered;
	[smem:$0x3FD2] =	sst s25  }
0xa7: {  	s6 =	sshll.u32 s26, $0x1;
	_ =	strace $0x80000046;
	[dreg:$0x1] =	wrdreg $0xFFFFFFFF  }
0xa8: {  	s28 =	simm.s32 $_size_execute0_lowered;
	s4 =	sadd.s32 s4, s6;
	[dreg:$0x0] =	wrdreg $0x0  }
0xa9: {  	s6 =	sshll.u32 s28, $0x1;
	[dreg:$0x2] =	wrdreg s4  }
0xaa: {  	[dreg:$0x3] =	wrdreg s6  }
0xab: {  	[dreg:$0x4] =	wrdreg $0xC0  }
0xac: {  	_ =	task [dreg:s8], $0x5FFFF  }
0xad: {  	[dreg:$0x1] =	wrdreg $0xFFFFFFFF  }
0xae: {  	[dreg:$0x0] =	wrdreg $0x60  }
0xaf: {  	[dreg:$0x2] =	wrdreg s2  }
0xb0: {  	[dreg:$0x3] =	wrdreg s24  }
0xb1: {  	[dreg:$0x4] =	wrdreg s18  }
0xb2: {  	[dreg:$0x5] =	wrdreg $0x9  }
0xb3: {  	_ =	task.clear_ibuf [dreg:s8], $0x6FFFF;
	_ =	strace $0x90000046  }
0xb4: {  	s29 =	simm.s32 $0x9;
	_ =	strace $0x80000048  }
0xb5: {  	_ =	swait.ge [sflag:s29], $0x1  }
0xb6: {  	[sflag:s29] =	ssyncadd.s32 $0xFFFFFFFF  }
0xb7: {  	_ =	strace $0x90000048  }
0xb8: {  	_ =	sfence  }
0xb9: {  	s30 =	sld [smem:$0x0];
	_ =	sdelay $0x2  }
0xba: {  	s31 =	sshll.u32 s1, $0xD;
	s1 =	sshrl.u32 s1, $0x2  }
0xbb: {  	s3 =	sand.u32 $0x4000, s31;
	s1 =	sadd.s32 s1, s30  }
0xbc: {  	s0 =	sor.u32 s3, s0;
	s1 =	sshll.u32 s1, $0x11  }
0xbd: {  	s0 =	sor.u32 s1, s0  }
0xbe: {  	s0 =	sadd.s32 $0x8F2B, s0  }
0xbf: {  	[sflag:s0] =	ssyncadd.remote.s32 $0x1  }
0xc0: {  	_ =	sfence.sel $0xFFFF  }
0xc1: {  	[dreg:$0x0] =	wrdreg $0xFFFFFFFF;
	(pc) =	sbr.abs _section_cstart, $3  }
0xc2: {  	[dreg:$0x1] =	wrdreg $0xFFFFFFFF  }
0xc3: {  	_ =	task.clear_ibuf [dreg:s8], $0x2FFFF;
	_ =	strace $0x9FFFFFFF  }
0xc4: {  	(tm) =	ssettm $0x7FFFFFFF  }
0xc5: {  	_ =	shalt  }
tec
execute0_lowered:
.L_overlay_start_1:
0x0: {  	(tag) =	ssettag $0x1  }
0x1: {  	s1 =	srdreg.scid;
	s0 =	stileid.u32  }
0x2: {  	s4 =	rddreg [dreg:$0x0];
	s13 =	smul.u32 $0x320000, s0  }
0x3: {  	s3 =	rddreg [dreg:$0x1];
	s5 =	sand.u32 $0x1, s1;
	s21 =	smul.u32 $0x64000, s0  }
0x4: {  	s6 =	rddreg [dreg:$0x2];
	s2 =	smul.u32 $0x190000, s5  }
0x5: {  	s1 =	rddreg [dreg:$0x3];
	s11 =	smul.u32 $0x32000, s5  }
0x6: {  	s3 =	sadd.s32 $0xF42C00, s3;
	s23 =	sadd.s32 s21, s6;
	s7 =	sadd.s32 s2, s13  }
0x7: {  	s2 =	simm.s32 $0x0;
	s24 =	sadd.s32 s11, s23;
	s8 =	sor.u32 $0x5780, s7  }
0x8: {  	[smem:$0x7FF] =	sst s2;
	s9 =	sor.u32 $0x4B00, s7;
	s15 =	sor.u32 $0x3E80, s7  }
0x9: {  	s10 =	sor.u32 $0x3200, s7;
	s19 =	sor.u32 $0x2580, s7;
	s20 =	sor.u32 $0x1900, s7  }
0xa: {  	s25 =	sadd.s32 $0x18380, s7;
	s28 =	sadd.s32 $0x17700, s7;
	s29 =	sadd.s32 $0x16A80, s7  }
0xb: {  	s11 =	sadd.s32 $0x15E00, s7;
	s13 =	sadd.s32 $0x15180, s7;
	s21 =	sadd.s32 $0x11300, s7  }
0xc: {  	s8 =	sshrl.u32 s8, $0x3;
	_ =	strace $0x80000047;
	s14 =	sshrl.u32 s9, $0x3  }
0xd: {  	s9 =	sshrl.u32 s15, $0x3;
	s17 =	sshrl.u32 s10, $0x3;
	[dreg:$0xa] =	wrdreg s24  }
0xe: {  	s26 =	sshrl.u32 s25, $0x3;
	s31 =	sshrl.u32 s29, $0x3;
	s8 =	sadd.s32 s8, s6  }
0xf: {  	s12 =	sshrl.u32 s11, $0x3;
	s16 =	sadd.s32 s9, s6;
	[dreg:$0x4] =	wrdreg s8  }
0x10: {  	s23 =	sshrl.u32 s21, $0x3;
	s18 =	sadd.s32 s17, s6;
	[dreg:$0x6] =	wrdreg s16  }
0x11: {  	s29 =	sor.u32 $0xED80, s7;
	s10 =	sadd.s32 s31, s6;
	[dreg:$0x7] =	wrdreg s18  }
0x12: {  	s21 =	sor.u32 $0x9600, s7;
	s24 =	sadd.s32 s23, s6;
	[dreg:$0xd] =	wrdreg s10  }
0x13: {  	s23 =	sshrl.u32 s21, $0x3;
	s21 =	simm.s32 $0x11F80;
	[dreg:$0x13] =	wrdreg s24  }
0x14: {  	s9 =	sshrl.u32 s20, $0x3;
	s8 =	sadd.s32 s14, s6;
	[smem:$0x7EF] =	sst s21  }
0x15: {  	s31 =	sshrl.u32 s29, $0x3;
	s22 =	sadd.s32 s9, s6;
	[dreg:$0x5] =	wrdreg s8  }
0x16: {  	s25 =	sadd.s32 $0x10680, s7;
	s10 =	sadd.s32 s31, s6;
	[dreg:$0x9] =	wrdreg s22  }
0x17: {  	s11 =	sor.u32 $0xE100, s7;
	s24 =	sadd.s32 s23, s6;
	[dreg:$0x16] =	wrdreg s10  }
0x18: {  	s20 =	sadd.s32 $0x11F80, s7;
	s31 =	simm.s32 $0x7D00;
	[dreg:$0x1c] =	wrdreg s24  }
0x19: {  	s9 =	sshrl.u32 s28, $0x3;
	s23 =	simm.s32 $0x14500;
	[smem:$0x7E3] =	sst s31  }
0x1a: {  	s14 =	sadd.s32 $0x14500, s7;
	s30 =	sadd.s32 s9, s6;
	[smem:$0x7F1] =	sst s23  }
0x1b: {  	s18 =	sadd.s32 $0x13880, s7;
	s10 =	simm.s32 $0xAF00;
	[dreg:$0xc] =	wrdreg s30  }
0x1c: {  	s28 =	sor.u32 $0xFA00, s7;
	s24 =	simm.s32 $0x15180;
	[smem:$0x7E7] =	sst s10  }
0x1d: {  	s8 =	sshrl.u32 s19, $0x3;
	s31 =	simm.s32 $0x1E780;
	[smem:$0x7F2] =	sst s24  }
0x1e: {  	s9 =	sshrl.u32 s13, $0x3;
	s8 =	sadd.s32 s8, s6;
	[smem:$0x7FD] =	sst s31  }
0x1f: {  	s16 =	sshrl.u32 s14, $0x3;
	s15 =	sadd.s32 s9, s6;
	[dreg:$0x8] =	wrdreg s8  }
0x20: {  	s14 =	sor.u32 $0xBB80, s7;
	s17 =	sadd.s32 s16, s6;
	[dreg:$0xf] =	wrdreg s15  }
0x21: {  	s16 =	sshrl.u32 s14, $0x3;
	s14 =	simm.s32 $0xED80;
	[dreg:$0x10] =	wrdreg s17  }
0x22: {  	s9 =	sshrl.u32 s20, $0x3;
	s8 =	sadd.s32 s26, s6;
	[smem:$0x7EB] =	sst s14  }
0x23: {  	s19 =	sshrl.u32 s18, $0x3;
	s22 =	sadd.s32 s9, s6;
	[dreg:$0xb] =	wrdreg s8  }
0x24: {  	s13 =	sor.u32 $0xD480, s7;
	s17 =	sadd.s32 s16, s6;
	[dreg:$0x12] =	wrdreg s22  }
0x25: {  	s18 =	sor.u32 $0xAF00, s7;
	s16 =	simm.s32 $0xFA00;
	[dreg:$0x19] =	wrdreg s17  }
0x26: {  	s20 =	sor.u32 $0xA280, s7;
	s14 =	simm.s32 $0x1C200;
	[smem:$0x7EC] =	sst s16  }
0x27: {  	s9 =	sshrl.u32 s28, $0x3;
	s8 =	sadd.s32 s12, s6;
	[smem:$0x7FA] =	sst s14  }
0x28: {  	s10 =	simm.s32 $0x1;
	s30 =	sadd.s32 s9, s6;
	[dreg:$0xe] =	wrdreg s8  }
0x29: {  	s12 =	sshrl.u32 s11, $0x3;
	s11 =	simm.s32 $0xBB80;
	[dreg:$0x15] =	wrdreg s30  }
0x2a: {  	s9 =	sshrl.u32 s13, $0x3;
	s13 =	simm.s32 $0xE100;
	[smem:$0x7E8] =	sst s11  }
0x2b: {  	s26 =	sshrl.u32 s25, $0x3;
	s16 =	simm.s32 $0x1DB00;
	[smem:$0x7EA] =	sst s13  }
0x2c: {  	s25 =	sor.u32 $0x8980, s7;
	s8 =	sadd.s32 s19, s6;
	[smem:$0x7FC] =	sst s16  }
0x2d: {  	s28 =	sor.u32 $0x7D00, s7;
	s15 =	sadd.s32 s9, s6;
	[dreg:$0x11] =	wrdreg s8  }
0x2e: {  	s7 =	sor.u32 $0x7080, s7;
	s30 =	simm.s32 $0x7080;
	[dreg:$0x18] =	wrdreg s15  }
0x2f: {  	s19 =	sshrl.u32 s18, $0x3;
	s18 =	simm.s32 $0x10680;
	[smem:$0x7E2] =	sst s30  }
0x30: {  	s9 =	sshrl.u32 s20, $0x3;
	s20 =	simm.s32 $0x11300;
	[smem:$0x7ED] =	sst s18  }
0x31: {  	s7 =	sshrl.u32 s7, $0x3;
	s13 =	simm.s32 $0x1B580;
	[smem:$0x7EE] =	sst s20  }
0x32: {  	s14 =	simm.s32 $0x3;
	s8 =	sadd.s32 s26, s6;
	[smem:$0x7F9] =	sst s13  }
0x33: {  	s11 =	simm.s32 $0x12C00;
	s22 =	sadd.s32 s9, s6;
	[dreg:$0x14] =	wrdreg s8  }
0x34: {  	s26 =	sshrl.u32 s25, $0x3;
	s25 =	simm.s32 $0x15E00;
	[dreg:$0x1b] =	wrdreg s22  }
0x35: {  	s9 =	sshrl.u32 s28, $0x3;
	s28 =	simm.s32 $0x17700;
	[smem:$0x7F3] =	sst s25  }
0x36: {  	s16 =	simm.s32 $0x5;
	s30 =	simm.s32 $0x19C80;
	[smem:$0x7F5] =	sst s28  }
0x37: {  	s15 =	ssub.s32 $0x2, s5;
	s8 =	sadd.s32 s12, s6;
	[smem:$0x7F7] =	sst s30  }
0x38: {  	s13 =	simm.s32 $0x19000;
	s29 =	sadd.s32 s9, s6;
	[dreg:$0x17] =	wrdreg s8  }
0x39: {  	s18 =	simm.s32 $0x7;
	s9 =	simm.s32 $0xA280;
	[dreg:$0x1e] =	wrdreg s29  }
0x3a: {  	s20 =	simm.s32 $0x0;
	s12 =	simm.s32 $0xD480;
	[smem:$0x7E6] =	sst s9  }
0x3b: {  	s17 =	sshrl.u32 s15, $0x1;
	s22 =	simm.s32 $0x13880;
	[smem:$0x7E9] =	sst s12  }
0x3c: {  	s8 =	sadd.s32 s19, s6;
	s19 =	sshll.u32 s0, $0x1;
	[smem:$0x7F0] =	sst s22  }
0x3d: {  	s29 =	simm.s32 $0x18380;
	s9 =	simm.s32 $0xC800;
	[dreg:$0x1a] =	wrdreg s8  }
0x3e: {  	s12 =	simm.s32 $0x1A900;
	s8 =	sadd.s32 s26, s6;
	[smem:$0x7F6] =	sst s29  }
0x3f: {  	s6 =	sadd.s32 s7, s6;
	s7 =	simm.s32 $0x8980;
	[smem:$0x7F8] =	sst s12  }
0x40: {  	s5 =	sor.u32 s5, s19;
	s26 =	simm.s32 $0x16A80;
	[dreg:$0x1d] =	wrdreg s8  }
0x41: {  	s12 =	simm.s32 $0x2;
	s19 =	simm.s32 $0x8;
	[dreg:$0x1f] =	wrdreg s6  }
0x42: {  	[smem:$0x7E4] =	sst s7;
	s8 =	simm.s32 $0x9600;
	s5 =	smul.u32 $0xC80, s5  }
0x43: {  	s7 =	ssub.s32 s15, s17;
	s6 =	simm.s32 $0x9;
	[smem:$0x7F4] =	sst s26  }
0x44: {  	s15 =	simm.s32 $0x1CE80;
	s17 =	simm.s32 $0x6;
	[smem:$0x7E5] =	sst s8  }
0x45: {  	s8 =	simm.s32 $0x6400;
	[smem:$0x7FB] =	sst s15;
	s15 =	simm.s32 $0x4  }
0x46: {  	s4 =	sadd.s32 s4, s5;
	s5 =	smax.u32 s7, $0x1;
	s7 =	simm.s32 $0x190  }
.LBB2_1:
0x47: {  	[tilespmem:s2], [sflag:$0x9] =	stream.linear.gather [hbm4b:s4+s2], $0x6400, $0x38;
	[tilespmem:$0x1F400] =	vst v63  }
0x48: {  	_ =	swait.ge [sflag:s6], $0x6400  }
0x49: {  	[sflag:s6] =	ssyncset.done $0x0  }
0x4a: {  	s21 =	simm.s32 $0x640;
	s22 =	simm.s32 $0x0;
	[sflag:s6] =	ssyncadd.s32 $0xFFFF9C00  }
0x4b: {  	[tilespmem:s8], [sflag:$0x1] =	stream.indirect.gather [hbm4b:s3+s7], $0x40, s2, s7, $0xb8;
	[tilespmem:$0x1F400] =	vst v63  }
.LBB2_2:
0x4c: {  	p0 =	seq.s32 s22, $0x0  }
0x4d: {  	s23 =	simm.s32 @!p0 $0x6  }
0x4e: {  	_ =	swait.ge @!p0 [sflag:s23], $0xC80  }
0x4f: {  	[sflag:s23] =	ssyncset.done @!p0 $0x0  }
0x50: {  	[sflag:s23] =	ssyncadd.s32 @!p0 $0xFFFFF380  }
0x51: {  	_ =	swait.ge @!p0 [sflag:s23], $0xC80  }
0x52: {  	[sflag:s23] =	ssyncset.done @!p0 $0x0  }
0x53: {  	[sflag:s23] =	ssyncadd.s32 @!p0 $0xFFFFF380  }
0x54: {  	_ =	swait.ge @!p0 [sflag:s23], $0xC80  }
0x55: {  	[sflag:s23] =	ssyncset.done @!p0 $0x0  }
0x56: {  	[sflag:s23] =	ssyncadd.s32 @!p0 $0xFFFFF380  }
0x57: {  	_ =	swait.ge @!p0 [sflag:s23], $0xC80  }
0x58: {  	[sflag:s23] =	ssyncset.done @!p0 $0x0  }
0x59: {  	[sflag:s23] =	ssyncadd.s32 @!p0 $0xFFFFF380  }
0x5a: {  	_ =	swait.ge @!p0 [sflag:s23], $0xC80  }
0x5b: {  	[sflag:s23] =	ssyncset.done @!p0 $0x0  }
0x5c: {  	[sflag:s23] =	ssyncadd.s32 @!p0 $0xFFFFF380  }
0x5d: {  	_ =	swait.ge @!p0 [sflag:s23], $0xC80  }
0x5e: {  	[sflag:s23] =	ssyncset.done @!p0 $0x0  }
0x5f: {  	[sflag:s23] =	ssyncadd.s32 @!p0 $0xFFFFF380  }
0x60: {  	_ =	swait.ge @!p0 [sflag:s23], $0xC80  }
0x61: {  	[sflag:s23] =	ssyncset.done @!p0 $0x0  }
0x62: {  	[sflag:s23] =	ssyncadd.s32 @!p0 $0xFFFFF380  }
0x63: {  	_ =	swait.ge @!p0 [sflag:s23], $0xC80  }
0x64: {  	[sflag:s23] =	ssyncset.done @!p0 $0x0  }
0x65: {  	s28 =	sadd.s32 $0xFFFFFB50, s21;
	[sflag:s23] =	ssyncadd.s32 @!p0 $0xFFFFF380  }
0x66: {  	[tilespmem:s9], [sflag:$0x2] =	stream.indirect.gather [hbm4b:s3+s7], $0x40, s28, s7, $0xb8;
	[tilespmem:$0x1F400] =	vst v63  }
0x67: {  	_ =	swait.ge [sflag:s10], $0x6400  }
0x68: {  	s29 =	rddreg [dreg:$0xa]  }
0x69: {  	s24 =	sld [smem:$0x7E2]  }
0x6a: {  	s30 =	rddreg [dreg:$0x9]  }
0x6b: {  	s31 =	sld [smem:$0x7E3]  }
0x6c: {  	[sflag:s10] =	ssyncset.done $0x0;
	s26 =	rddreg [dreg:$0x8]  }
0x6d: {  	s28 =	sld [smem:$0x7E4];
	[sflag:s10] =	ssyncadd.s32 $0xFFFF9C00;
	s23 =	sadd.s32 s22, s29  }
0x6e: {  	[hbm4b:s23+s2] =	stream.linear.scatter [tilespmem:s8], [sflag:$0x5], $0xC80, $0x38;
	[tilespmem:$0x1F400] =	vst v63  }
0x6f: {  	s29 =	sld [smem:$0x7E5];
	s25 =	sadd.s32 $0x190, s23  }
0x70: {  	[hbm4b:s25+s2] =	stream.linear.scatter [tilespmem:s24], [sflag:$0x5], $0xC80, $0x38;
	[tilespmem:$0x1F400] =	vst v63  }
0x71: {  	s24 =	sadd.s32 s22, s30;
	s30 =	rddreg [dreg:$0x6]  }
0x72: {  	[hbm4b:s24+s2] =	stream.linear.scatter [tilespmem:s31], [sflag:$0x5], $0xC80, $0x38;
	[tilespmem:$0x1F400] =	vst v63  }
0x73: {  	s26 =	sadd.s32 s22, s26;
	s31 =	sld [smem:$0x7E6]  }
0x74: {  	[hbm4b:s26+s2] =	stream.linear.scatter [tilespmem:s28], [sflag:$0x5], $0xC80, $0x38;
	[tilespmem:$0x1F400] =	vst v63  }
0x75: {  	s28 =	rddreg [dreg:$0x7]  }
0x76: {  	s26 =	sadd.s32 s22, s30;
	s30 =	rddreg [dreg:$0x4]  }
0x77: {  	s24 =	sadd.s32 s22, s28;
	s28 =	rddreg [dreg:$0x5]  }
0x78: {  	[hbm4b:s24+s2] =	stream.linear.scatter [tilespmem:s29], [sflag:$0x5], $0xC80, $0x38;
	[tilespmem:$0x1F400] =	vst v63  }
0x79: {  	s29 =	sld [smem:$0x7E7]  }
0x7a: {  	[hbm4b:s26+s2] =	stream.linear.scatter [tilespmem:s31], [sflag:$0x5], $0xC80, $0x38;
	[tilespmem:$0x1F400] =	vst v63  }
0x7b: {  	s24 =	sadd.s32 s22, s28;
	s31 =	sld [smem:$0x7E8]  }
0x7c: {  	[hbm4b:s24+s2] =	stream.linear.scatter [tilespmem:s29], [sflag:$0x5], $0xC80, $0x38;
	[tilespmem:$0x1F400] =	vst v63  }
0x7d: {  	s26 =	sadd.s32 s22, s30;
	s24 =	simm.s32 @!p0 $0x7  }
0x7e: {  	[hbm4b:s26+s2] =	stream.linear.scatter [tilespmem:s31], [sflag:$0x5], $0xC80, $0x38;
	[tilespmem:$0x1F400] =	vst v63  }
0x7f: {  	_ =	swait.ge @!p0 [sflag:s24], $0xC80  }
0x80: {  	[sflag:s24] =	ssyncset.done @!p0 $0x0  }
0x81: {  	[sflag:s24] =	ssyncadd.s32 @!p0 $0xFFFFF380  }
0x82: {  	_ =	swait.ge @!p0 [sflag:s24], $0xC80  }
0x83: {  	[sflag:s24] =	ssyncset.done @!p0 $0x0  }
0x84: {  	[sflag:s24] =	ssyncadd.s32 @!p0 $0xFFFFF380  }
0x85: {  	_ =	swait.ge @!p0 [sflag:s24], $0xC80  }
0x86: {  	[sflag:s24] =	ssyncset.done @!p0 $0x0  }
0x87: {  	[sflag:s24] =	ssyncadd.s32 @!p0 $0xFFFFF380  }
0x88: {  	_ =	swait.ge @!p0 [sflag:s24], $0xC80  }
0x89: {  	[sflag:s24] =	ssyncset.done @!p0 $0x0  }
0x8a: {  	[sflag:s24] =	ssyncadd.s32 @!p0 $0xFFFFF380  }
0x8b: {  	_ =	swait.ge @!p0 [sflag:s24], $0xC80  }
0x8c: {  	[sflag:s24] =	ssyncset.done @!p0 $0x0  }
0x8d: {  	[sflag:s24] =	ssyncadd.s32 @!p0 $0xFFFFF380  }
0x8e: {  	_ =	swait.ge @!p0 [sflag:s24], $0xC80  }
0x8f: {  	[sflag:s24] =	ssyncset.done @!p0 $0x0  }
0x90: {  	[sflag:s24] =	ssyncadd.s32 @!p0 $0xFFFFF380  }
0x91: {  	_ =	swait.ge @!p0 [sflag:s24], $0xC80  }
0x92: {  	[sflag:s24] =	ssyncset.done @!p0 $0x0  }
0x93: {  	[sflag:s24] =	ssyncadd.s32 @!p0 $0xFFFFF380  }
0x94: {  	_ =	swait.ge @!p0 [sflag:s24], $0xC80  }
0x95: {  	[sflag:s24] =	ssyncset.done @!p0 $0x0  }
0x96: {  	s28 =	sadd.s32 $0xFFFFFCE0, s21;
	[sflag:s24] =	ssyncadd.s32 @!p0 $0xFFFFF380  }
0x97: {  	[tilespmem:s11], [sflag:$0x3] =	stream.indirect.gather [hbm4b:s3+s7], $0x40, s28, s7, $0xb8;
	[tilespmem:$0x1F400] =	vst v63  }
0x98: {  	_ =	swait.ge [sflag:s12], $0x6400  }
0x99: {  	s29 =	rddreg [dreg:$0x1f]  }
0x9a: {  	s31 =	sld [smem:$0x7E9]  }
0x9b: {  	s30 =	sadd.s32 $0xC80, s23;
	[sflag:s12] =	ssyncset.done $0x0;
	s28 =	rddreg [dreg:$0x1e]  }
0x9c: {  	[sflag:s12] =	ssyncadd.s32 $0xFFFF9C00;
	s24 =	sadd.s32 s22, s29;
	s29 =	sld [smem:$0x7EA]  }
0x9d: {  	[hbm4b:s30+s2] =	stream.linear.scatter [tilespmem:s9], [sflag:$0x6], $0xC80, $0x38;
	[tilespmem:$0x1F400] =	vst v63  }
0x9e: {  	s30 =	rddreg [dreg:$0x1d]  }
0x9f: {  	s26 =	sadd.s32 s22, s30;
	s30 =	rddreg [dreg:$0x1b]  }
0xa0: {  	[hbm4b:s24+s2] =	stream.linear.scatter [tilespmem:s31], [sflag:$0x6], $0xC80, $0x38;
	[tilespmem:$0x1F400] =	vst v63  }
0xa1: {  	s31 =	sld [smem:$0x7EB]  }
0xa2: {  	s24 =	sadd.s32 s22, s28;
	s28 =	rddreg [dreg:$0x1c]  }
0xa3: {  	[hbm4b:s24+s2] =	stream.linear.scatter [tilespmem:s29], [sflag:$0x6], $0xC80, $0x38;
	[tilespmem:$0x1F400] =	vst v63  }
0xa4: {  	s29 =	sld [smem:$0x7EC]  }
0xa5: {  	s24 =	sadd.s32 s22, s28;
	s28 =	rddreg [dreg:$0x1a]  }
0xa6: {  	[hbm4b:s26+s2] =	stream.linear.scatter [tilespmem:s31], [sflag:$0x6], $0xC80, $0x38;
	[tilespmem:$0x1F400] =	vst v63  }
0xa7: {  	s31 =	sld [smem:$0x7ED]  }
0xa8: {  	s26 =	sadd.s32 s22, s30;
	s30 =	rddreg [dreg:$0x19]  }
0xa9: {  	[hbm4b:s24+s2] =	stream.linear.scatter [tilespmem:s29], [sflag:$0x6], $0xC80, $0x38;
	[tilespmem:$0x1F400] =	vst v63  }
0xaa: {  	s29 =	sld [smem:$0x7EE]  }
0xab: {  	[hbm4b:s26+s2] =	stream.linear.scatter [tilespmem:s31], [sflag:$0x6], $0xC80, $0x38;
	[tilespmem:$0x1F400] =	vst v63  }
0xac: {  	s24 =	sadd.s32 s22, s28;
	s31 =	sld [smem:$0x7EF]  }
0xad: {  	[hbm4b:s24+s2] =	stream.linear.scatter [tilespmem:s29], [sflag:$0x6], $0xC80, $0x38;
	[tilespmem:$0x1F400] =	vst v63  }
0xae: {  	s26 =	sadd.s32 s22, s30;
	s24 =	simm.s32 @!p0 $0x8  }
0xaf: {  	[hbm4b:s26+s2] =	stream.linear.scatter [tilespmem:s31], [sflag:$0x6], $0xC80, $0x38;
	[tilespmem:$0x1F400] =	vst v63  }
0xb0: {  	_ =	swait.ge @!p0 [sflag:s24], $0xC80  }
0xb1: {  	[sflag:s24] =	ssyncset.done @!p0 $0x0  }
0xb2: {  	[sflag:s24] =	ssyncadd.s32 @!p0 $0xFFFFF380  }
0xb3: {  	_ =	swait.ge @!p0 [sflag:s24], $0xC80  }
0xb4: {  	[sflag:s24] =	ssyncset.done @!p0 $0x0  }
0xb5: {  	[sflag:s24] =	ssyncadd.s32 @!p0 $0xFFFFF380  }
0xb6: {  	_ =	swait.ge @!p0 [sflag:s24], $0xC80  }
0xb7: {  	[sflag:s24] =	ssyncset.done @!p0 $0x0  }
0xb8: {  	[sflag:s24] =	ssyncadd.s32 @!p0 $0xFFFFF380  }
0xb9: {  	_ =	swait.ge @!p0 [sflag:s24], $0xC80  }
0xba: {  	[sflag:s24] =	ssyncset.done @!p0 $0x0  }
0xbb: {  	[sflag:s24] =	ssyncadd.s32 @!p0 $0xFFFFF380  }
0xbc: {  	_ =	swait.ge @!p0 [sflag:s24], $0xC80  }
0xbd: {  	[sflag:s24] =	ssyncset.done @!p0 $0x0  }
0xbe: {  	[sflag:s24] =	ssyncadd.s32 @!p0 $0xFFFFF380  }
0xbf: {  	_ =	swait.ge @!p0 [sflag:s24], $0xC80  }
0xc0: {  	[sflag:s24] =	ssyncset.done @!p0 $0x0  }
0xc1: {  	[sflag:s24] =	ssyncadd.s32 @!p0 $0xFFFFF380  }
0xc2: {  	_ =	swait.ge @!p0 [sflag:s24], $0xC80  }
0xc3: {  	[sflag:s24] =	ssyncset.done @!p0 $0x0  }
0xc4: {  	[sflag:s24] =	ssyncadd.s32 @!p0 $0xFFFFF380  }
0xc5: {  	_ =	swait.ge @!p0 [sflag:s24], $0xC80  }
0xc6: {  	[sflag:s24] =	ssyncset.done @!p0 $0x0  }
0xc7: {  	s28 =	sadd.s32 $0xFFFFFE70, s21;
	[sflag:s24] =	ssyncadd.s32 @!p0 $0xFFFFF380  }
0xc8: {  	[tilespmem:s13], [sflag:$0x4] =	stream.indirect.gather [hbm4b:s3+s7], $0x40, s28, s7, $0xb8;
	[tilespmem:$0x1F400] =	vst v63  }
0xc9: {  	_ =	swait.ge [sflag:s14], $0x6400  }
0xca: {  	s29 =	rddreg [dreg:$0x18]  }
0xcb: {  	s31 =	sld [smem:$0x7F0]  }
0xcc: {  	s30 =	sadd.s32 $0x1900, s23;
	[sflag:s14] =	ssyncset.done $0x0;
	s28 =	rddreg [dreg:$0x17]  }
0xcd: {  	[sflag:s14] =	ssyncadd.s32 $0xFFFF9C00;
	s24 =	sadd.s32 s22, s29;
	s29 =	sld [smem:$0x7F1]  }
0xce: {  	[hbm4b:s30+s2] =	stream.linear.scatter [tilespmem:s11], [sflag:$0x7], $0xC80, $0x38;
	[tilespmem:$0x1F400] =	vst v63  }
0xcf: {  	s30 =	rddreg [dreg:$0x16]  }
0xd0: {  	s26 =	sadd.s32 s22, s30;
	s30 =	rddreg [dreg:$0x14]  }
0xd1: {  	[hbm4b:s24+s2] =	stream.linear.scatter [tilespmem:s31], [sflag:$0x7], $0xC80, $0x38;
	[tilespmem:$0x1F400] =	vst v63  }
0xd2: {  	s31 =	sld [smem:$0x7F2]  }
0xd3: {  	s24 =	sadd.s32 s22, s28;
	s28 =	rddreg [dreg:$0x15]  }
0xd4: {  	[hbm4b:s24+s2] =	stream.linear.scatter [tilespmem:s29], [sflag:$0x7], $0xC80, $0x38;
	[tilespmem:$0x1F400] =	vst v63  }
0xd5: {  	s29 =	sld [smem:$0x7F3]  }
0xd6: {  	s24 =	sadd.s32 s22, s28;
	s28 =	rddreg [dreg:$0x13]  }
0xd7: {  	[hbm4b:s26+s2] =	stream.linear.scatter [tilespmem:s31], [sflag:$0x7], $0xC80, $0x38;
	[tilespmem:$0x1F400] =	vst v63  }
0xd8: {  	s31 =	sld [smem:$0x7F4]  }
0xd9: {  	s26 =	sadd.s32 s22, s30;
	s30 =	rddreg [dreg:$0x12]  }
0xda: {  	[hbm4b:s24+s2] =	stream.linear.scatter [tilespmem:s29], [sflag:$0x7], $0xC80, $0x38;
	[tilespmem:$0x1F400] =	vst v63  }
0xdb: {  	s29 =	sld [smem:$0x7F5]  }
0xdc: {  	[hbm4b:s26+s2] =	stream.linear.scatter [tilespmem:s31], [sflag:$0x7], $0xC80, $0x38;
	[tilespmem:$0x1F400] =	vst v63  }
0xdd: {  	p0 =	seq.s32 s22, $0x2EE00;
	s24 =	sadd.s32 s22, s28;
	s31 =	sld [smem:$0x7F6]  }
0xde: {  	[hbm4b:s24+s2] =	stream.linear.scatter [tilespmem:s29], [sflag:$0x7], $0xC80, $0x38;
	[tilespmem:$0x1F400] =	vst v63  }
0xdf: {  	s29 =	sadd.s32 s22, s30;
	s24 =	simm.s32 @!p0 $0x5  }
0xe0: {  	[hbm4b:s29+s2] =	stream.linear.scatter [tilespmem:s31], [sflag:$0x7], $0xC80, $0x38;
	[tilespmem:$0x1F400] =	vst v63  }
0xe1: {  	_ =	swait.ge @!p0 [sflag:s24], $0xC80  }
0xe2: {  	[sflag:s24] =	ssyncset.done @!p0 $0x0  }
0xe3: {  	[sflag:s24] =	ssyncadd.s32 @!p0 $0xFFFFF380  }
0xe4: {  	_ =	swait.ge @!p0 [sflag:s24], $0xC80  }
0xe5: {  	[sflag:s24] =	ssyncset.done @!p0 $0x0  }
0xe6: {  	[sflag:s24] =	ssyncadd.s32 @!p0 $0xFFFFF380  }
0xe7: {  	_ =	swait.ge @!p0 [sflag:s24], $0xC80  }
0xe8: {  	[sflag:s24] =	ssyncset.done @!p0 $0x0  }
0xe9: {  	[sflag:s24] =	ssyncadd.s32 @!p0 $0xFFFFF380  }
0xea: {  	_ =	swait.ge @!p0 [sflag:s24], $0xC80  }
0xeb: {  	[sflag:s24] =	ssyncset.done @!p0 $0x0  }
0xec: {  	[sflag:s24] =	ssyncadd.s32 @!p0 $0xFFFFF380  }
0xed: {  	_ =	swait.ge @!p0 [sflag:s24], $0xC80  }
0xee: {  	[sflag:s24] =	ssyncset.done @!p0 $0x0  }
0xef: {  	[sflag:s24] =	ssyncadd.s32 @!p0 $0xFFFFF380  }
0xf0: {  	_ =	swait.ge @!p0 [sflag:s24], $0xC80  }
0xf1: {  	[sflag:s24] =	ssyncset.done @!p0 $0x0  }
0xf2: {  	[sflag:s24] =	ssyncadd.s32 @!p0 $0xFFFFF380  }
0xf3: {  	_ =	swait.ge @!p0 [sflag:s24], $0xC80  }
0xf4: {  	[sflag:s24] =	ssyncset.done @!p0 $0x0  }
0xf5: {  	[sflag:s24] =	ssyncadd.s32 @!p0 $0xFFFFF380  }
0xf6: {  	_ =	swait.ge @!p0 [sflag:s24], $0xC80  }
0xf7: {  	[sflag:s24] =	ssyncset.done @!p0 $0x0  }
0xf8: {  	s25 =	simm.s32 @!p0 $0x6400;
	[sflag:s24] =	ssyncadd.s32 @!p0 $0xFFFFF380;
	s24 =	simm.s32 @!p0 $0x190  }
0xf9: {  	[tilespmem:s25], [sflag:$0x1] =	stream.indirect.gather @!p0 [hbm4b:s3+s24], $0x40, s21, s24, $0xb8;
	[tilespmem:$0x1F400] =	vst v63  }
0xfa: {  	_ =	swait.ge [sflag:s15], $0x6400  }
0xfb: {  	s30 =	rddreg [dreg:$0x11]  }
0xfc: {  	s31 =	sld [smem:$0x7F7]  }
0xfd: {  	s28 =	rddreg [dreg:$0x10]  }
0xfe: {  	s23 =	sadd.s32 $0x2580, s23;
	[sflag:s15] =	ssyncset.done $0x0;
	s29 =	sld [smem:$0x7F8]  }
0xff: {  	[sflag:s15] =	ssyncadd.s32 $0xFFFF9C00;
	s26 =	sadd.s32 s22, s30;
	s30 =	rddreg [dreg:$0xf]  }
0x100: {  	[hbm4b:s23+s2] =	stream.linear.scatter [tilespmem:s13], [sflag:$0x8], $0xC80, $0x38;
	[tilespmem:$0x1F400] =	vst v63  }
0x101: {  	s23 =	sadd.s32 s22, s28;
	s28 =	rddreg [dreg:$0xe]  }
0x102: {  	s25 =	sadd.s32 s22, s30;
	s30 =	rddreg [dreg:$0xd]  }
0x103: {  	[hbm4b:s26+s2] =	stream.linear.scatter [tilespmem:s31], [sflag:$0x8], $0xC80, $0x38;
	[tilespmem:$0x1F400] =	vst v63  }
0x104: {  	s31 =	sld [smem:$0x7F9]  }
0x105: {  	s26 =	rddreg [dreg:$0xc]  }
0x106: {  	[hbm4b:s23+s2] =	stream.linear.scatter [tilespmem:s29], [sflag:$0x8], $0xC80, $0x38;
	[tilespmem:$0x1F400] =	vst v63  }
0x107: {  	s29 =	sld [smem:$0x7FA]  }
0x108: {  	[hbm4b:s25+s2] =	stream.linear.scatter [tilespmem:s31], [sflag:$0x8], $0xC80, $0x38;
	[tilespmem:$0x1F400] =	vst v63  }
0x109: {  	s23 =	sadd.s32 s22, s28;
	s31 =	sld [smem:$0x7FB]  }
0x10a: {  	[hbm4b:s23+s2] =	stream.linear.scatter [tilespmem:s29], [sflag:$0x8], $0xC80, $0x38;
	[tilespmem:$0x1F400] =	vst v63  }
0x10b: {  	s25 =	sadd.s32 s22, s30;
	s29 =	rddreg [dreg:$0xb]  }
0x10c: {  	[hbm4b:s25+s2] =	stream.linear.scatter [tilespmem:s31], [sflag:$0x8], $0xC80, $0x38;
	[tilespmem:$0x1F400] =	vst v63  }
0x10d: {  	s23 =	sadd.s32 s22, s26;
	s31 =	sadd.s32 s22, s29;
	s22 =	sadd.s32 $0x3200, s22  }
0x10e: {  	s28 =	sld [smem:$0x7FC];
	p0 =	sne.s32 s22, $0x32000  }
.Ltmp0:
0x10f: {  	_ = 	snop;
	(pc) =	sbr.rel @p0 .LBB2_2-.Ltmp0, $4  }
0x110: {  	s30 =	sld [smem:$0x7FD]  }
0x111: {  	[hbm4b:s23+s2] =	stream.linear.scatter [tilespmem:s28], [sflag:$0x8], $0xC80, $0x38;
	[tilespmem:$0x1F400] =	vst v63  }
0x112: {  	s21 =	sadd.s32 $0x640, s21  }
0x113: {  	[hbm4b:s31+s2] =	stream.linear.scatter [tilespmem:s30], [sflag:$0x8], $0xC80, $0x38;
	[tilespmem:$0x1F400] =	vst v63  }
0x114: {  	_ =	swait.ge [sflag:s16], $0xC80  }
0x115: {  	[sflag:s16] =	ssyncset.done $0x0  }
0x116: {  	[sflag:s16] =	ssyncadd.s32 $0xFFFFF380  }
0x117: {  	_ =	swait.ge [sflag:s16], $0xC80  }
0x118: {  	[sflag:s16] =	ssyncset.done $0x0  }
0x119: {  	[sflag:s16] =	ssyncadd.s32 $0xFFFFF380  }
0x11a: {  	_ =	swait.ge [sflag:s16], $0xC80  }
0x11b: {  	[sflag:s16] =	ssyncset.done $0x0  }
0x11c: {  	[sflag:s16] =	ssyncadd.s32 $0xFFFFF380  }
0x11d: {  	_ =	swait.ge [sflag:s16], $0xC80  }
0x11e: {  	[sflag:s16] =	ssyncset.done $0x0  }
0x11f: {  	[sflag:s16] =	ssyncadd.s32 $0xFFFFF380  }
0x120: {  	_ =	swait.ge [sflag:s16], $0xC80  }
0x121: {  	[sflag:s16] =	ssyncset.done $0x0  }
0x122: {  	[sflag:s16] =	ssyncadd.s32 $0xFFFFF380  }
0x123: {  	_ =	swait.ge [sflag:s16], $0xC80  }
0x124: {  	[sflag:s16] =	ssyncset.done $0x0  }
0x125: {  	[sflag:s16] =	ssyncadd.s32 $0xFFFFF380  }
0x126: {  	_ =	swait.ge [sflag:s16], $0xC80  }
0x127: {  	[sflag:s16] =	ssyncset.done $0x0  }
0x128: {  	[sflag:s16] =	ssyncadd.s32 $0xFFFFF380  }
0x129: {  	_ =	swait.ge [sflag:s16], $0xC80  }
0x12a: {  	[sflag:s16] =	ssyncset.done $0x0  }
0x12b: {  	[sflag:s16] =	ssyncadd.s32 $0xFFFFF380  }
0x12c: {  	_ =	swait.ge [sflag:s17], $0xC80  }
0x12d: {  	[sflag:s17] =	ssyncset.done $0x0  }
0x12e: {  	[sflag:s17] =	ssyncadd.s32 $0xFFFFF380  }
0x12f: {  	_ =	swait.ge [sflag:s17], $0xC80  }
0x130: {  	[sflag:s17] =	ssyncset.done $0x0  }
0x131: {  	[sflag:s17] =	ssyncadd.s32 $0xFFFFF380  }
0x132: {  	_ =	swait.ge [sflag:s17], $0xC80  }
0x133: {  	[sflag:s17] =	ssyncset.done $0x0  }
0x134: {  	[sflag:s17] =	ssyncadd.s32 $0xFFFFF380  }
0x135: {  	_ =	swait.ge [sflag:s17], $0xC80  }
0x136: {  	[sflag:s17] =	ssyncset.done $0x0  }
0x137: {  	[sflag:s17] =	ssyncadd.s32 $0xFFFFF380  }
0x138: {  	_ =	swait.ge [sflag:s17], $0xC80  }
0x139: {  	[sflag:s17] =	ssyncset.done $0x0  }
0x13a: {  	[sflag:s17] =	ssyncadd.s32 $0xFFFFF380  }
0x13b: {  	_ =	swait.ge [sflag:s17], $0xC80  }
0x13c: {  	[sflag:s17] =	ssyncset.done $0x0  }
0x13d: {  	[sflag:s17] =	ssyncadd.s32 $0xFFFFF380  }
0x13e: {  	_ =	swait.ge [sflag:s17], $0xC80  }
0x13f: {  	[sflag:s17] =	ssyncset.done $0x0  }
0x140: {  	[sflag:s17] =	ssyncadd.s32 $0xFFFFF380  }
0x141: {  	_ =	swait.ge [sflag:s17], $0xC80  }
0x142: {  	[sflag:s17] =	ssyncset.done $0x0  }
0x143: {  	[sflag:s17] =	ssyncadd.s32 $0xFFFFF380  }
0x144: {  	_ =	swait.ge [sflag:s18], $0xC80  }
0x145: {  	[sflag:s18] =	ssyncset.done $0x0  }
0x146: {  	[sflag:s18] =	ssyncadd.s32 $0xFFFFF380  }
0x147: {  	_ =	swait.ge [sflag:s18], $0xC80  }
0x148: {  	[sflag:s18] =	ssyncset.done $0x0  }
0x149: {  	[sflag:s18] =	ssyncadd.s32 $0xFFFFF380  }
0x14a: {  	_ =	swait.ge [sflag:s18], $0xC80  }
0x14b: {  	[sflag:s18] =	ssyncset.done $0x0  }
0x14c: {  	[sflag:s18] =	ssyncadd.s32 $0xFFFFF380  }
0x14d: {  	_ =	swait.ge [sflag:s18], $0xC80  }
0x14e: {  	[sflag:s18] =	ssyncset.done $0x0  }
0x14f: {  	[sflag:s18] =	ssyncadd.s32 $0xFFFFF380  }
0x150: {  	_ =	swait.ge [sflag:s18], $0xC80  }
0x151: {  	[sflag:s18] =	ssyncset.done $0x0  }
0x152: {  	[sflag:s18] =	ssyncadd.s32 $0xFFFFF380  }
0x153: {  	_ =	swait.ge [sflag:s18], $0xC80  }
0x154: {  	[sflag:s18] =	ssyncset.done $0x0  }
0x155: {  	[sflag:s18] =	ssyncadd.s32 $0xFFFFF380  }
0x156: {  	_ =	swait.ge [sflag:s18], $0xC80  }
0x157: {  	[sflag:s18] =	ssyncset.done $0x0  }
0x158: {  	[sflag:s18] =	ssyncadd.s32 $0xFFFFF380  }
0x159: {  	_ =	swait.ge [sflag:s18], $0xC80  }
0x15a: {  	[sflag:s18] =	ssyncset.done $0x0  }
0x15b: {  	[sflag:s18] =	ssyncadd.s32 $0xFFFFF380  }
0x15c: {  	_ =	swait.ge [sflag:s19], $0xC80  }
0x15d: {  	[sflag:s19] =	ssyncset.done $0x0  }
0x15e: {  	[sflag:s19] =	ssyncadd.s32 $0xFFFFF380  }
0x15f: {  	_ =	swait.ge [sflag:s19], $0xC80  }
0x160: {  	[sflag:s19] =	ssyncset.done $0x0  }
0x161: {  	[sflag:s19] =	ssyncadd.s32 $0xFFFFF380  }
0x162: {  	_ =	swait.ge [sflag:s19], $0xC80  }
0x163: {  	[sflag:s19] =	ssyncset.done $0x0  }
0x164: {  	[sflag:s19] =	ssyncadd.s32 $0xFFFFF380  }
0x165: {  	_ =	swait.ge [sflag:s19], $0xC80  }
0x166: {  	[sflag:s19] =	ssyncset.done $0x0  }
0x167: {  	[sflag:s19] =	ssyncadd.s32 $0xFFFFF380  }
0x168: {  	_ =	swait.ge [sflag:s19], $0xC80  }
0x169: {  	[sflag:s19] =	ssyncset.done $0x0  }
0x16a: {  	[sflag:s19] =	ssyncadd.s32 $0xFFFFF380  }
0x16b: {  	_ =	swait.ge [sflag:s19], $0xC80  }
0x16c: {  	[sflag:s19] =	ssyncset.done $0x0  }
0x16d: {  	s20 =	sadd.s32 $0x1, s20;
	[sflag:s19] =	ssyncadd.s32 $0xFFFFF380  }
0x16e: {  	p0 =	sne.s32 s20, s5;
	_ =	swait.ge [sflag:s19], $0xC80  }
.Ltmp1:
0x16f: {  	[sflag:s19] =	ssyncset.done $0x0;
	(pc) =	sbr.rel @p0 .LBB2_1-.Ltmp1, $4  }
0x170: {  	[sflag:s19] =	ssyncadd.s32 $0xFFFFF380  }
0x171: {  	_ =	swait.ge [sflag:s19], $0xC80  }
0x172: {  	[sflag:s19] =	ssyncset.done $0x0  }
0x173: {  	[sflag:s19] =	ssyncadd.s32 $0xFFFFF380  }
0x174: {  	_ =	sfence.sel $0x180000  }
0x175: {  	[bflag:$0x0] =	sbarrier.arrive $0xFFFF  }
0x176: {  	p0 =	sne.s32 s0, $0x0;
	_ =	strace $0x90000047  }
0x177: {  	s0 =	sadd.s32 @!p0 $0x100000, s1;
	[bflag:$0x2] =	sbarrier.arrive $0xFFFF  }
0x178: {  	[sflag:s0] =	ssyncadd.tile.s32 @!p0 $0x1;
	_ =	shalt  }
.Lfunc_end2:
_tile_overlayer_lowered:
.L_overlay_start_2:
0x179: {  	(tag) =	ssettag $0x2  }
0x17a: {  	s0 =	rddreg [dreg:$0x0];
	s2 =	stileid.u32  }
0x17b: {  	s1 =	rddreg [dreg:$0x1];
	p0 =	sne.s32 s2, $0x0  }
0x17c: {  	s3 =	rddreg [dreg:$0x2];
	[bflag:$0x3] =	sbarrier.arrive $0xFFFF;
	s2 =	simm.s32 @!p0 $0x1C09  }
0x17d: {  	[timem:s3], [sflag:s2] =	dma.local @!p0 [hbm:s0], s1  }
0x17e: {  	s0 =	simm.s32 @!p0 $0x9  }
0x17f: {  	_ =	swait.ge @!p0 [sflag:s0], s1  }
0x180: {  	s1 =	ssub.s32 @!p0 $0x0, s1;
	[sflag:s0] =	ssyncset.done @!p0 $0x0  }
0x181: {  	[sflag:s0] =	ssyncadd.s32 @!p0 s1  }
0x182: {  	[bflag:$0x3] =	sbarrier.arrive $0xFFFF  }
0x183: {  	_ =	shalt  }

// kernel: sparse-core-data-format-call.cloned.1.call-start
scs
called_computation_lowered:
.L_overlay_start_0:
0x0: {  	s2 =	sld [smem:$0x3FD9]  }
0x1: {  	s3 =	sld [smem:$0x3FFE];
	_ =	sdelay $0x1  }
0x2: {  	s1 =	srdreg.scid  }
0x3: {  	s0 =	sand.u32 $0x1, s1  }
0x4: {  	s18 =	sshll.u32 s0, $0xA;
	s2 =	sadd.s32 s3, s2  }
0x5: {  	s2 =	sadd.s32 s2, s18  }
0x6: {  	[smem:$0x3FC6] =	sst s2  }
0x7: {  	_ = 	snop  }
0x8: {  	s2 =	sld [smem:$0x3FD0];
	(tm) =	ssettm $0x1  }
0x9: {  	s19 =	sld [smem:$0x3FFB];
	_ =	sdelay $0x3  }
0xa: {  	_ =	strace s19  }
0xb: {  	s3 =	sld [smem:$0x3FFC];
	_ =	sdelay $0x3  }
0xc: {  	_ =	strace s3  }
0xd: {  	s3 =	sld [smem:$0x3FFD];
	_ =	sdelay $0x3  }
0xe: {  	_ =	strace s3  }
0xf: {  	_ =	strace $0x8FFFFFFF  }
0x10: {  	s20 =	sld [smem:$0x3FDB];
	_ =	sdelay $0x1  }
0x11: {  	s4 =	simm.s32 $_scs_section_size  }
0x12: {  	s5 =	simm.s32 $_size__tile_overlayer_lowered;
	s6 =	simm.s32 $_tile_overlayer_lowered  }
0x13: {  	s23 =	simm.s32 $0x1BFF;
	s22 =	sshll.u32 s6, $0x1;
	s3 =	sadd.s32 s4, s20  }
0x14: {  	s7 =	simm.s32 $0x0;
	s21 =	sshll.u32 s5, $0x1;
	s5 =	sadd.s32 s22, s3  }
0x15: {  	[timem:s7], [sflag:s23] =	dma.local [hbm:s5], s21  }
0x16: {  	_ =	swait.ge [sflag:s23], s21  }
0x17: {  	s4 =	ssub.s32 $0x0, s21;
	[sflag:s23] =	ssyncset.done $0x0  }
0x18: {  	[sflag:s23] =	ssyncadd.s32 s4;
	_ =	sdelay $0x1  }
0x19: {  	s24 =	simm.s32 $0x1B8B  }
0x1a: {  	_ =	swait.ge [sflag:s24], $0x1  }
0x1b: {  	[sflag:s24] =	ssyncset.done $0x0  }
0x1c: {  	s26 =	simm.s32 $0x1B8E;
	s25 =	sld [smem:$0x3FFE];
	[sflag:s24] =	ssyncadd.s32 $0xFFFFFFFF  }
0x1d: {  	s27 =	simm.s32 $execute0_lowered;
	[smem:$0x3FD2] =	sst s26  }
0x1e: {  	s5 =	sshll.u32 s27, $0x1;
	_ =	strace $0x80000049;
	[dreg:$0x1] =	wrdreg $0xFFFFFFFF  }
0x1f: {  	s28 =	simm.s32 $_size_execute0_lowered;
	s3 =	sadd.s32 s3, s5;
	[dreg:$0x0] =	wrdreg $0x0  }
0x20: {  	s5 =	sshll.u32 s28, $0x1;
	[dreg:$0x2] =	wrdreg s3  }
0x21: {  	[dreg:$0x3] =	wrdreg s5  }
0x22: {  	[dreg:$0x4] =	wrdreg $0xC0  }
0x23: {  	_ =	task [dreg:s7], $0x5FFFF  }
0x24: {  	[dreg:$0x1] =	wrdreg $0xFFFFFFFF  }
0x25: {  	[dreg:$0x0] =	wrdreg $0x60  }
0x26: {  	[dreg:$0x2] =	wrdreg s25  }
0x27: {  	[dreg:$0x3] =	wrdreg s2  }
0x28: {  	[dreg:$0x4] =	wrdreg $0x9  }
0x29: {  	_ =	task.clear_ibuf [dreg:s7], $0x5FFFF;
	_ =	strace $0x90000049  }
0x2a: {  	s29 =	simm.s32 $0x9;
	_ =	strace $0x8000004B  }
0x2b: {  	_ =	swait.ge [sflag:s29], $0x1  }
0x2c: {  	[sflag:s29] =	ssyncadd.s32 $0xFFFFFFFF  }
0x2d: {  	_ =	strace $0x9000004B  }
0x2e: {  	_ =	sfence  }
0x2f: {  	s30 =	sld [smem:$0x0];
	_ =	sdelay $0x2  }
0x30: {  	s31 =	sshll.u32 s1, $0xD;
	s1 =	sshrl.u32 s1, $0x2  }
0x31: {  	s3 =	sand.u32 $0x4000, s31;
	s1 =	sadd.s32 s1, s30  }
0x32: {  	s0 =	sor.u32 s3, s0;
	s1 =	sshll.u32 s1, $0x11  }
0x33: {  	s0 =	sor.u32 s1, s0  }
0x34: {  	s0 =	sadd.s32 $0x8F2B, s0  }
0x35: {  	[sflag:s0] =	ssyncadd.remote.s32 $0x1  }
0x36: {  	_ =	sfence.sel $0xFFFF  }
0x37: {  	[dreg:$0x0] =	wrdreg $0xFFFFFFFF;
	(pc) =	sbr.abs _section_cstart, $3  }
0x38: {  	[dreg:$0x1] =	wrdreg $0xFFFFFFFF  }
0x39: {  	_ =	task.clear_ibuf [dreg:s7], $0x2FFFF;
	_ =	strace $0x9FFFFFFF  }
0x3a: {  	(tm) =	ssettm $0x7FFFFFFF  }
0x3b: {  	_ =	shalt  }
tec
execute0_lowered:
.L_overlay_start_1:
0x0: {  	(tag) =	ssettag $0x1  }
0x1: {  	s0 =	srdreg.scid  }
0x2: {  	s1 =	sshll.u32 s0, $0x4  }
0x3: {  	s0 =	stileid.u32;
	s1 =	sand.u32 $0x10, s1  }
0x4: {  	s1 =	sor.u32 s0, s1  }
0x5: {  	s6 =	rddreg [dreg:$0x0];
	s4 =	simm.s32 $0x1;
	s2 =	sshll.u32 s1, $0x7  }
0x6: {  	s7 =	simm.s32 $0x2;
	s12 =	simm.s32 $0x0;
	s1 =	ssub.s32 $0x4000, s2  }
0x7: {  	s8 =	simm.s32 $0x20000;
	s13 =	simm.s32 $0x0;
	s3 =	sand.u32 $0xF80, s1  }
0x8: {  	s9 =	simm.s32 $0x0;
	s5 =	sshrl.u32 s1, $0xC;
	p0 =	sne.s32 s3, $0x0  }
.Ltmp0:
0x9: {  	s1 =	rddreg [dreg:$0x2];
	s4 =	simm.s32 @!p0 $0x0;
	(pc) =	sbr.rel .LBB1_1-.Ltmp0, $4  }
0xa: {  	s11 =	simm.s32 $0x0;
	s3 =	rddreg [dreg:$0x1];
	s5 =	sadd.s32 s4, s5  }
0xb: {  	_ =	strace $0x8000004A;
	s4 =	simm.s32 $0x1;
	s5 =	smul.u32 $0x32, s5  }
0xc: {  	s6 =	sadd.s32 $0x800, s6;
	s10 =	smov.u32 s2;
	[sflag:s4] =	ssyncpa.u1 $0x0  }
0xd: {  	p0 =	por $0x0, $0x0;
	[sflag:s7] =	ssyncpa.u1 $0x0;
	s7 =	sor.u32 $0x1, s5  }
.LBB1_4:
0xe: {  	s16 =	sshll.u32 s13, $0x3;
	s17 =	sand.u32 $0x78, s13  }
0xf: {  	s30 =	sand.u32 $0x1F800, s13;
	s12 =	sshll.u32 s12, $0x11;
	s16 =	sand.u32 $0x3C00, s16  }
0x10: {  	[tilespmem:s15+$0x810 ss:$0x81] =	vst.msk $0xffff, v2;
	s31 =	sand.u32 $0x7, s13;
	s16 =	sor.u32 s17, s16;
	s17 =	sadd.s32 s3, s30  }
0x11: {  	[tilespmem:s15+$0x1020 ss:$0x81] =	vst.msk $0xffff, v0;
	s13 =	sshll.u32 s31, $0x12;
	s12 =	sadd.s32 s12, s17;
	s16 =	sshrl.u32 s16, $0x3  }
0x12: {  	[tilespmem:s15+$0x0 ss:$0x81] =	vst.msk $0xffff, v1;
	s13 =	sor.u32 $0x400, s13;
	s12 =	sadd.s32 s16, s12  }
0x13: {  	[hbm4b:s12+s13] =	stream.strided.scatter [tilespmem:s14], [sflag:$0x2], $0x2000, s8, s13, $0x20;
	[tilespmem:$0x8080] =	vst v63  }
.LBB1_5:
0x14: {  	s14 =	sadd.s32 $0x1, s9  }
0x15: {  	s12 =	sadd.s32 $0x1000, s10;
	s16 =	smov.u32 s10;
	p2 =	sgt.s32 s14, $0x31  }
0x16: {  	s16 =	smov.u32 @p2 s12  }
0x17: {  	s14 =	simm.s32 @p2 $0x0;
	p2 =	sgt.s32 s16, $0x3FFF  }
0x18: {  	s16 =	smov.u32 @p2 s2;
	p2 =	sne.s32 s11, s7  }
.Ltmp1:
0x19: {  	p1 =	slt.u32 s11, $0x2;
	(pc) =	sbr.rel @!p2 .LBB1_6-.Ltmp1, $4  }
0x1a: {  	s15 =	simm.s32 @!p1 $0x2  }
0x1b: {  	s13 =	smov.u32 s10;
	p0 =	por !p0, !p0;
	_ =	swait.ge @!p1 [sflag:s15], $0x2000  }
0x1c: {  	s12 =	smov.u32 s9;
	[sflag:s15] =	ssyncset.done @!p1 $0x0;
	s9 =	smov.u32 s14  }
0x1d: {  	s11 =	sadd.s32 $0x1, s11;
	[sflag:s15] =	ssyncadd.s32 @!p1 $0xFFFFE000;
	s10 =	smov.u32 s16  }
.LBB1_1:
0x1e: {  	p1 =	sge.u32 s11, s5  }
0x1f: {  	s14 =	sand.u32 @!p1 $0x1FFFFFF, s9  }
0x20: {  	s15 =	smulhi.u32 @!p1 $0x4924925, s14;
	_ =	sdelay $0x1  }
0x21: {  	s15 =	smul.u32 @!p1 $0x38, s15  }
0x22: {  	s16 =	sxor.u32 @!p1 $0xFFFFFFFF, s11;
	s17 =	smul.u32 @!p1 $0x380, s10  }
0x23: {  	s31 =	sadd.s32 $0xFFFFFFFF, s11;
	s16 =	sshll.u32 @!p1 s16, $0xD;
	s14 =	ssub.s32 @!p1 s14, s15  }
0x24: {  	s15 =	sand.u32 @!p1 $0x2000, s16;
	s16 =	sadd.s32 @!p1 s6, s17;
	s14 =	sshll.u32 @!p1 s14, $0x4  }
0x25: {  	s17 =	simm.s32 @!p1 $0x1C00;
	s14 =	sadd.s32 @!p1 s14, s16;
	s16 =	simm.s32 @!p1 $0x40  }
0x26: {  	[tilespmem:s15], [sflag:$0x1] =	stream.strided.gather @!p1 [hbm4b:s14+s16], $0x2000, s17, s16, $0x38;
	[tilespmem:$0x8080] =	vst v63  }
0x27: {  	p1 =	sge.u32 s31, s5  }
.Ltmp2:
0x28: {  	_ = 	snop;
	(pc) =	sbr.rel @p1 .LBB1_5-.Ltmp2, $1  }
0x29: {  	_ =	sdelay $0x3  }
0x2a: {  	s14 =	simm.s32 $0x1  }
0x2b: {  	_ =	swait.ge [sflag:s4], $0x2000;
	s14 =	simm.s32 @!p0 $0x0  }
0x2c: {  	[sflag:s4] =	ssyncset.done $0x0;
	s15 =	sshll.u32 s14, $0xD  }
0x2d: {  	[sflag:s4] =	ssyncadd.s32 $0xFFFFE000;
	s18 =	sor.u32 $0x20, s15  }
0x2e: {  	s14 =	smul.u32 $0x8100, s14;
	v3 =	vld [tilespmem:s18+$0x10]  }
0x2f: {  	s30 =	sand.u32 $0x1, s11;
	v2 =	vld [tilespmem:s18+$0xFFFFFFF0]  }
0x30: {  	s15 =	smul.u32 $0x8100, s30;
	s14 =	sshrl.u32 s14, $0x2;
	v0 =	vld [tilespmem:s18+$0x0]  }
0x31: {  	v1 =	vld [tilespmem:s18+$0xFFFFFFE0];
	s16 =	sor.u32 $0x4000, s14  }
0x32: {  	s31 =	sshrl.u32 s15, $0x2;
	s15 =	sadd.s32 $0x0, s16  }
0x33: {  	s17 =	simm.s32 $0x4;
	s18 =	sadd.s32 $0x40, s18;
	s14 =	sor.u32 $0x4000, s31;
	[tilespmem:s15+$0x1830 ss:$0x81] =	vst.msk $0xffff, v3  }
.LBB1_3:
0x34: {  	v3 =	vld [tilespmem:s18+$0x10];
	p1 =	sne.s32 s17, $0x1FC;
	[tilespmem:s15+$0x810 ss:$0x81] =	vst.msk $0xffff, v2;
	s19 =	smov.u32 s17;
	s17 =	sadd.s32 $0x4, s17  }
.Ltmp3:
0x35: {  	v2 =	vld [tilespmem:s18+$0xFFFFFFF0];
	[tilespmem:s15+$0x1020 ss:$0x81] =	vst.msk $0xffff, v0;
	(pc) =	sbr.rel @p1 .LBB1_3-.Ltmp3, $4  }
0x36: {  	v0 =	vld [tilespmem:s18+$0x0];
	[tilespmem:s15+$0x0 ss:$0x81] =	vst.msk $0xffff, v1  }
0x37: {  	s15 =	sshra.s32 s19, $0x2;
	v1 =	vld [tilespmem:s18+$0xFFFFFFE0]  }
0x38: {  	s15 =	sadd.s32 s15, s16  }
0x39: {  	s18 =	sadd.s32 $0x40, s18;
	[tilespmem:s15+$0x1830 ss:$0x81] =	vst.msk $0xffff, v3  }
.Ltmp4:
0x3a: {  	_ = 	snop;
	(pc) =	sbr.rel .LBB1_4-.Ltmp4, $1  }
0x3b: {  	_ =	sdelay $0x3  }
.LBB1_6:
0x3c: {  	_ =	sfence.sel $0x180000  }
0x3d: {  	s2 =	simm.s32 $0x1;
	[bflag:$0x0] =	sbarrier.arrive $0xFFFF  }
0x3e: {  	s31 =	simm.s32 $0x2;
	[sflag:s2] =	ssyncpa.u1 $0x1  }
0x3f: {  	[sflag:s31] =	ssyncpa.u1 $0x1  }
0x40: {  	p0 =	sne.s32 s0, $0x0;
	_ =	strace $0x9000004A  }
0x41: {  	s0 =	sadd.s32 @!p0 $0x100000, s1;
	[bflag:$0x2] =	sbarrier.arrive $0xFFFF  }
0x42: {  	[sflag:s0] =	ssyncadd.tile.s32 @!p0 $0x1;
	_ =	shalt  }
.Lfunc_end1:
_tile_overlayer_lowered:
.L_overlay_start_2:
0x43: {  	(tag) =	ssettag $0x2  }
0x44: {  	s0 =	rddreg [dreg:$0x0];
	s2 =	stileid.u32  }
0x45: {  	s1 =	rddreg [dreg:$0x1];
	p0 =	sne.s32 s2, $0x0  }
0x46: {  	s3 =	rddreg [dreg:$0x2];
	[bflag:$0x3] =	sbarrier.arrive $0xFFFF;
	s2 =	simm.s32 @!p0 $0x1C01  }
0x47: {  	[timem:s3], [sflag:s2] =	dma.local @!p0 [hbm:s0], s1  }
0x48: {  	s0 =	simm.s32 @!p0 $0x1  }
0x49: {  	_ =	swait.ge @!p0 [sflag:s0], s1  }
0x4a: {  	s1 =	ssub.s32 @!p0 $0x0, s1;
	[sflag:s0] =	ssyncset.done @!p0 $0x0  }
0x4b: {  	[sflag:s0] =	ssyncadd.s32 @!p0 s1  }
0x4c: {  	[bflag:$0x3] =	sbarrier.arrive $0xFFFF  }
0x4d: {  	_ =	shalt  }

</sc_bundles>
